<compile_context>
chip_gen: v7x
topology: tpu7x:2x2x1
jax: 0.10.2.dev20260603
libtpu: 0.0.44.dev20260713+nightly
codegen_flags: <defaults>
</compile_context>

<pallas_src>
import functools

import jax
import jax.numpy as jnp
from jax import lax
from jax.experimental import pallas as pl
from jax.experimental.pallas import tpu as pltpu
from jax.experimental.pallas import tpu_sc as plsc

N_CORES = 2
N_SUB = 16
NW = N_CORES * N_SUB
CH = 128
D = 128



def _sc_acc_body(nch_a, nch_b, acc_rows, table_hbm, src_hbm, dst_hbm,
                 zrow_hbm, acc_out, idx_d, is0, is1, gb0, gb1, acc_sh,
                 sg0, sg1, si0, si1):
    c = lax.axis_index("c")
    s = lax.axis_index("s")
    w = c * N_SUB + s
    stripe = acc_rows // N_SUB
    nch = jnp.where(c == 0, nch_a, nch_b)
    pltpu.sync_copy(zrow_hbm, acc_sh.at[pl.ds(s * stripe, stripe)])
    pltpu.sync_copy(dst_hbm.at[w], idx_d)
    plsc.subcore_barrier()

    gbufs = (gb0, gb1)
    isbufs = (is0, is1)
    sgs = (sg0, sg1)
    sis = (si0, si1)
    pltpu.sync_copy(src_hbm.at[w, 0], is0)
    pltpu.async_copy(table_hbm.at[is0], gb0, sg0)
    pltpu.async_copy(src_hbm.at[w, 1], is1, si1)

    def outer(t, carry):
        for b in range(2):
            j = t * 2 + b
            nb = 1 - b

            @pl.when(j + 1 < nch)
            def _start_next():
                pltpu.make_async_copy(src_hbm.at[w, j + 1],
                                      isbufs[nb], sis[nb]).wait()
                pltpu.async_copy(table_hbm.at[isbufs[nb]], gbufs[nb], sgs[nb])

            pltpu.make_async_copy(table_hbm.at[isbufs[b]],
                                  gbufs[b], sgs[b]).wait()

            @pl.when(j + 2 < nch)
            def _fetch_idx():
                pltpu.async_copy(src_hbm.at[w, j + 2], isbufs[b], sis[b])

            pltpu.sync_copy(gbufs[b], acc_sh.at[idx_d.at[j]], add=True)
        return carry

    lax.fori_loop(0, nch // 2, outer, 0)
    plsc.subcore_barrier()
    pltpu.sync_copy(acc_sh.at[pl.ds(s * stripe, stripe)],
                    acc_out.at[c, pl.ds(s * stripe, stripe)])


def _make_sc_acc(n_table, nch_a, nch_b, acc_rows):
    mesh = plsc.VectorSubcoreMesh(core_axis_name="c", subcore_axis_name="s")
    stripe = acc_rows // N_SUB
    return pl.kernel(
        functools.partial(_sc_acc_body, nch_a, nch_b, acc_rows),
        out_type=jax.ShapeDtypeStruct((N_CORES, acc_rows, D), jnp.float32),
        mesh=mesh,
        scratch_types=[
            pltpu.VMEM((nch_a, CH), jnp.int32),
            pltpu.VMEM((CH,), jnp.int32),
            pltpu.VMEM((CH,), jnp.int32),
            pltpu.VMEM((CH, D), jnp.float32),
            pltpu.VMEM((CH, D), jnp.float32),
            pltpu.VMEM_SHARED((acc_rows, D), jnp.float32),
            pltpu.SemaphoreType.DMA,
            pltpu.SemaphoreType.DMA,
            pltpu.SemaphoreType.DMA,
            pltpu.SemaphoreType.DMA,
        ],
        name=f"sc_acc_{n_table}",
    )


def _sc_deg_body(nch, acc_rows, dstn_hbm, dsth_hbm, degn_out, degh_out,
                 idx_n, idx_h, histn, histh):
    c = lax.axis_index("c")
    s = lax.axis_index("s")
    w = c * N_SUB + s
    zero = jnp.zeros((16,), jnp.float32)

    def initz(j, carry):
        histn[pl.ds(j * 16, 16)] = zero
        histh[pl.ds(j * 16, 16)] = zero
        return carry

    lax.fori_loop(0, acc_rows // 16, initz, 0)
    pltpu.sync_copy(dstn_hbm.at[w], idx_n)
    pltpu.sync_copy(dsth_hbm.at[w], idx_h)
    lanes = lax.iota(jnp.int32, 16)
    one = jnp.float32(1)
    zf = jnp.float32(0)

    def step(i, carry):
        j = i // (CH // 16)
        k = i % (CH // 16)
        vn = idx_n[j, pl.ds(k * 16, 16)]
        vh = idx_h[j, pl.ds(k * 16, 16)]
        for lane in range(16):
            v = vn[lane]
            plsc.addupdate(histn.at[pl.ds((v >> 4) << 4, 16)],
                           jnp.where(lanes == (v & 15), one, zf))
            u = vh[lane]
            plsc.addupdate(histh.at[pl.ds((u >> 4) << 4, 16)],
                           jnp.where(lanes == (u & 15), one, zf))
        return carry

    lax.fori_loop(0, nch * (CH // 16), step, 0)
    pltpu.sync_copy(histn, degn_out.at[w])
    pltpu.sync_copy(histh, degh_out.at[w])


def _make_sc_deg(nch, acc_rows):
    mesh = plsc.VectorSubcoreMesh(core_axis_name="c", subcore_axis_name="s")
    return pl.kernel(
        functools.partial(_sc_deg_body, nch, acc_rows),
        out_type=(
            jax.ShapeDtypeStruct((NW, acc_rows), jnp.float32),
            jax.ShapeDtypeStruct((NW, acc_rows), jnp.float32),
        ),
        mesh=mesh,
        scratch_types=[
            pltpu.VMEM((nch, CH), jnp.int32),
            pltpu.VMEM((nch, CH), jnp.int32),
            pltpu.VMEM((acc_rows,), jnp.float32),
            pltpu.VMEM((acc_rows,), jnp.float32),
        ],
        name="sc_deg",
    )




def _pre_body(nf, hf, w0, w1, bn, sn_out, th_out):
    sn_out[...] = jnp.dot(nf[...], w0[...],
                          preferred_element_type=jnp.float32) + bn[...]
    th_out[...] = jnp.dot(hf[...], w1[...], preferred_element_type=jnp.float32)


def _mid_body(sn, acc, deg, hf, wh, wn2h, bh, newn_out, tn_out, sh_out):
    a = acc[0] + acc[1]
    d = jnp.sum(deg[...], axis=1)[:, None]
    newn = jnp.tanh(sn[...] + a / jnp.maximum(d, 1.0))
    newn_out[...] = newn
    tn_out[...] = jnp.dot(newn, wn2h[...], preferred_element_type=jnp.float32)
    sh_out[...] = jnp.dot(hf[...], wh[...],
                          preferred_element_type=jnp.float32) + bh[...]


def _post_body(sh, acc, deg, newh_out):
    a = acc[0] + acc[1]
    d = jnp.sum(deg[...], axis=1)[:, None]
    newh_out[...] = jnp.tanh(sh[...] + a / jnp.maximum(d, 1.0))


def _row_spec(br):
    return pl.BlockSpec((br, D), lambda i: (i, 0))


def _acc_spec(br, width):
    return pl.BlockSpec((N_CORES, br, width), lambda i: (0, i, 0))


def _deg_spec(br):
    return pl.BlockSpec((br, NW), lambda i: (i, 0))


def _full_spec():
    return pl.BlockSpec((D, D), lambda i: (0, 0))


def _bias_spec():
    return pl.BlockSpec((1, D), lambda i: (0, 0))




def kernel(node_features, hedge_features, node_idx, hedge_idx, W_node_self,
           W_hedge2node, b_node, W_hedge_self, W_node2hedge, b_hedge):
    n_nodes, d = node_features.shape
    n_hedges = hedge_features.shape[0]
    n_inc = node_idx.shape[0]
    assert d == D and n_nodes == n_hedges and n_nodes % 1000 == 0

    assert n_inc % CH == 0
    nch_total = n_inc // CH
    nch_a = int(round(nch_total * 0.82 / N_SUB))
    nch_a += nch_a % 2
    n_a = nch_a * N_SUB * CH
    rem_ch = nch_total - nch_a * N_SUB
    assert rem_ch > 0
    nch_b = -(-rem_ch // N_SUB)
    nch_b += nch_b % 2
    assert nch_a >= 2 and nch_b >= 2
    pad_b = nch_b * N_SUB * CH - (n_inc - n_a)

    n_acc = max(n_nodes, n_hedges) + 1
    acc_rows = -(-n_acc // (N_SUB * 8)) * (N_SUB * 8)
    stripe = acc_rows // N_SUB

    def _slabs(idx, fill):
        a = idx[:n_a].reshape(N_SUB, nch_a, CH)
        b = jnp.concatenate(
            [idx[n_a:], jnp.full((pad_b,), fill, jnp.int32)])
        b = b.reshape(N_SUB, nch_b, CH)
        b = jnp.pad(b, ((0, 0), (0, nch_a - nch_b), (0, 0)),
                    constant_values=fill)
        return jnp.concatenate([a, b], axis=0)

    dummy_n = jnp.int32(n_nodes)
    dummy_h = jnp.int32(n_hedges)
    src1 = _slabs(hedge_idx, 0)
    dst1 = _slabs(node_idx, dummy_n)
    src2 = _slabs(node_idx, 0)
    dst2 = _slabs(hedge_idx, dummy_h)

    nch_e = -(-nch_total // NW)
    pad_e = nch_e * NW * CH - n_inc
    dst_e1 = jnp.concatenate(
        [node_idx, jnp.full((pad_e,), dummy_n, jnp.int32)]).reshape(
            NW, nch_e, CH)
    dst_e2 = jnp.concatenate(
        [hedge_idx, jnp.full((pad_e,), dummy_h, jnp.int32)]).reshape(
            NW, nch_e, CH)

    zrow = jnp.zeros((stripe, D), jnp.float32)

    bn = b_node.reshape(1, D)
    bh = b_hedge.reshape(1, D)

    br = 1000
    grid = (n_nodes // br,)
    s_n, t_h = pl.pallas_call(
        _pre_body,
        grid=grid,
        in_specs=[_row_spec(br), _row_spec(br), _full_spec(), _full_spec(),
                  _bias_spec()],
        out_specs=[_row_spec(br), _row_spec(br)],
        out_shape=[jax.ShapeDtypeStruct((n_nodes, D), jnp.float32),
                   jax.ShapeDtypeStruct((n_hedges, D), jnp.float32)],
    )(node_features, hedge_features, W_node_self, W_hedge2node, bn)

    sc_acc = _make_sc_acc(n_hedges, nch_a, nch_b, acc_rows)
    sc_deg = _make_sc_deg(nch_e, acc_rows)

    deg1, deg2 = sc_deg(dst_e1, dst_e2)
    deg1 = deg1.T
    deg2 = deg2.T

    acc1 = sc_acc(t_h, src1, dst1, zrow)

    new_node, t_n, s_h = pl.pallas_call(
        _mid_body,
        grid=grid,
        in_specs=[_row_spec(br), _acc_spec(br, D), _deg_spec(br),
                  _row_spec(br), _full_spec(), _full_spec(), _bias_spec()],
        out_specs=[_row_spec(br), _row_spec(br), _row_spec(br)],
        out_shape=[jax.ShapeDtypeStruct((n_nodes, D), jnp.float32),
                   jax.ShapeDtypeStruct((n_nodes, D), jnp.float32),
                   jax.ShapeDtypeStruct((n_hedges, D), jnp.float32)],
    )(s_n, acc1, deg1, hedge_features, W_hedge_self, W_node2hedge, bh)

    acc2 = sc_acc(t_n, src2, dst2, zrow)

    new_hedge, = pl.pallas_call(
        _post_body,
        grid=(n_hedges // br,),
        in_specs=[_row_spec(br), _acc_spec(br, D), _deg_spec(br)],
        out_specs=[_row_spec(br)],
        out_shape=[jax.ShapeDtypeStruct((n_hedges, D), jnp.float32)],
    )(s_h, acc2, deg2)

    return (new_node, new_hedge)

# --- scband reference (transcript-rebuilt; emitter-appended) ---
"""Pipeline reference for scband-hyper-graph-module-1236950581368 (READ-ONLY COPY).

The authoritative reference and input builder live on the scoring server;
editing this copy changes nothing except your own understanding.
"""

import jax, jax.numpy as jnp
import numpy as np

N_NODES = 10000
N_HEDGES = 10000
N_INC = 320000
D_NODE_IN = 128
D_HEDGE_IN = 128
D_NODE_OUT = 128
D_HEDGE_OUT = 128


def setup_inputs(seed: int = 0) -> dict:
    key = jax.random.key(seed)
    ks = jax.random.split(key, 10)
    s_n = 1.0 / np.sqrt(D_NODE_IN)
    s_h = 1.0 / np.sqrt(D_HEDGE_IN)
    s_no = 1.0 / np.sqrt(D_NODE_OUT)
    return {
        "node_features": jax.random.normal(ks[0], (N_NODES, D_NODE_IN), dtype=jnp.float32),
        "hedge_features": jax.random.normal(ks[1], (N_HEDGES, D_HEDGE_IN), dtype=jnp.float32),
        "node_idx": jax.random.randint(ks[2], (N_INC,), 0, N_NODES, dtype=jnp.int32),
        "hedge_idx": jax.random.randint(ks[3], (N_INC,), 0, N_HEDGES, dtype=jnp.int32),
        "W_node_self": jax.random.normal(ks[4], (D_NODE_IN, D_NODE_OUT), dtype=jnp.float32) * s_n,
        "W_hedge2node": jax.random.normal(ks[5], (D_HEDGE_IN, D_NODE_OUT), dtype=jnp.float32) * s_h,
        "b_node": jnp.zeros((D_NODE_OUT,), dtype=jnp.float32),
        "W_hedge_self": jax.random.normal(ks[6], (D_HEDGE_IN, D_HEDGE_OUT), dtype=jnp.float32) * s_h,
        "W_node2hedge": jax.random.normal(ks[7], (D_NODE_OUT, D_HEDGE_OUT), dtype=jnp.float32) * s_no,
        "b_hedge": jnp.zeros((D_HEDGE_OUT,), dtype=jnp.float32),
    }


def reference(node_features, hedge_features, node_idx, hedge_idx,
              W_node_self, W_hedge2node, b_node,
              W_hedge_self, W_node2hedge, b_hedge):
    n_nodes = node_features.shape[0]
    n_hedges = hedge_features.shape[0]
    ones = jnp.ones((node_idx.shape[0],), dtype=jnp.float32)

    # NodeConvolution: nodes updated with self transform + mean over incident hedges
    msg_h = jnp.take(hedge_features, hedge_idx, axis=0) @ W_hedge2node
    agg_n = jax.ops.segment_sum(msg_h, node_idx, num_segments=n_nodes)
    deg_n = jax.ops.segment_sum(ones, node_idx, num_segments=n_nodes)
    agg_n = agg_n / jnp.maximum(deg_n, 1.0)[:, None]
    c_node = node_features @ W_node_self + agg_n + b_node
    new_node = jnp.tanh(c_node)

    # HedgeConvolution: hedges updated with self transform + mean over member nodes
    # (weighted by the just-updated node features)
    msg_n = jnp.take(new_node, node_idx, axis=0) @ W_node2hedge
    agg_h = jax.ops.segment_sum(msg_n, hedge_idx, num_segments=n_hedges)
    deg_h = jax.ops.segment_sum(ones, hedge_idx, num_segments=n_hedges)
    agg_h = agg_h / jnp.maximum(deg_h, 1.0)[:, None]
    c_hedge = hedge_features @ W_hedge_self + agg_h + b_hedge
    new_hedge = jnp.tanh(c_hedge)

    return (new_node, new_hedge)

if __name__ == "__main__":
    import jax
    _d = setup_inputs()
    print(jax.jit(kernel)(*tuple(_d.values())))

</pallas_src>

<mosaic_0001>
#map = affine_map<(d0, d1) -> (0, 0, 0)>
#map1 = affine_map<(d0, d1) -> (0, 0)>
module attributes {stable_mosaic.version = 14 : i64} {
  func.func @sc_deg(%arg0: i32, %arg1: i32, %arg2: memref<32x79x128xi32, #tpu.memory_space<hbm>>, %arg3: memref<32x79x128xi32, #tpu.memory_space<hbm>>, %arg4: memref<32x10112xf32, #tpu.memory_space<hbm>>, %arg5: memref<32x10112xf32, #tpu.memory_space<hbm>>, %arg6: memref<79x128xi32, #tpu.memory_space<vmem>>, %arg7: memref<79x128xi32, #tpu.memory_space<vmem>>, %arg8: memref<10112xf32, #tpu.memory_space<vmem>>, %arg9: memref<10112xf32, #tpu.memory_space<vmem>>) attributes {dimension_semantics = [#tpu.dimension_semantics<core_parallel>, #tpu.dimension_semantics<subcore_parallel>], iteration_bounds = array<i64: 2, 16>, scalar_prefetch = 0 : i64, scratch_operands = 4 : i64, tpu.core_type = #tpu.core_type<sc_vector_subcore>, window_params = [{transform_indices = #map}, {transform_indices = #map}, {transform_indices = #map1}, {transform_indices = #map1}]} {
    %mul3A = arith.constant 16 : i32
    %mul3A_0 = arith.muli %arg0, %mul3A : i32
    %add3A = arith.addi %mul3A_0, %arg1 : i32
    %broadcast_in_dim3A = arith.constant 0.000000e+00 : f32
    %broadcast_in_dim3A_1 = vector.broadcast %broadcast_in_dim3A : f32 to vector<16xf32>
    %scan3A = arith.constant 0 : i32
    %scan3A_2 = arith.constant 0 : i32
    %scan3A_3 = arith.constant 632 : i32
    %scan3A_4 = arith.addi %scan3A_2, %scan3A_3 : i32
    %scan3A_5 = arith.constant 1 : i32
    scf.for %scan3A_15 = %scan3A_2 to %scan3A_4 step %scan3A_5  : i32 {
      %mul3A_16 = arith.constant 16 : i32
      %mul3A_17 = arith.muli %scan3A_15, %mul3A_16 : i32
      %swap3A = arith.index_cast %mul3A_17 : i32 to index
      %swap3A_18 = tpu.vector_load %arg8[%swap3A] {strides = array<i32>} : memref<10112xf32, #tpu.memory_space<vmem>>, vector<16xf32>,
      %swap3A_19 = vector.shape_cast %swap3A_18 : vector<16xf32> to vector<16xf32>
      %swap3A_20 = vector.shape_cast %broadcast_in_dim3A_1 : vector<16xf32> to vector<16xf32>
      tpu.vector_store %arg8[%swap3A], %swap3A_20 {strides = array<i32>} : memref<10112xf32, #tpu.memory_space<vmem>>, vector<16xf32>,
      %mul3A_21 = arith.constant 16 : i32
      %mul3A_22 = arith.muli %scan3A_15, %mul3A_21 : i32
      %swap3A_23 = arith.index_cast %mul3A_22 : i32 to index
      %swap3A_24 = tpu.vector_load %arg9[%swap3A_23] {strides = array<i32>} : memref<10112xf32, #tpu.memory_space<vmem>>, vector<16xf32>,
      %swap3A_25 = vector.shape_cast %swap3A_24 : vector<16xf32> to vector<16xf32>
      %swap3A_26 = vector.shape_cast %broadcast_in_dim3A_1 : vector<16xf32> to vector<16xf32>
      tpu.vector_store %arg9[%swap3A_23], %swap3A_26 {strides = array<i32>} : memref<10112xf32, #tpu.memory_space<vmem>>, vector<16xf32>,
    }
    %scan3A_6 = arith.constant 632 : i32
    "tpu.region"() ({
      %run_scoped3A = tpu.sem_alloc : memref<!tpu.dma_semaphore, #tpu.memory_space<semaphore_mem>>
      %dma_start3A = arith.constant 0 : i32
      %dma_start3A_15 = arith.constant 0 : i32
      %dma_start3A_16 = tpu.memref_slice %arg2[%add3A, %dma_start3A, %dma_start3A_15] : memref<32x79x128xi32, #tpu.memory_space<hbm>> -> memref<1x79x128xi32, #tpu.memory_space<hbm>>
      %dma_start3A_17 = tpu.memref_squeeze %dma_start3A_16 : memref<1x79x128xi32, #tpu.memory_space<hbm>> -> memref<79x128xi32, #tpu.memory_space<hbm>>
      %dma_start3A_18 = arith.constant 0 : i32
      %dma_start3A_19 = arith.constant 0 : i32
      %dma_start3A_20 = tpu.memref_slice %arg2[%add3A, %dma_start3A_18, %dma_start3A_19] : memref<32x79x128xi32, #tpu.memory_space<hbm>> -> memref<1x79x128xi32, #tpu.memory_space<hbm>>
      %dma_start3A_21 = tpu.memref_squeeze %dma_start3A_20 : memref<1x79x128xi32, #tpu.memory_space<hbm>> -> memref<79x128xi32, #tpu.memory_space<hbm>>
      tpu.enqueue_dma source(%dma_start3A_21 : memref<79x128xi32, #tpu.memory_space<hbm>>) target(%arg6 : memref<79x128xi32, #tpu.memory_space<vmem>>) target_semaphore(%run_scoped3A : memref<!tpu.dma_semaphore, #tpu.memory_space<semaphore_mem>>)
      %dma_wait3A = arith.constant 0 : i32
      %dma_wait3A_22 = arith.constant 0 : i32
      %dma_wait3A_23 = tpu.memref_slice %arg2[%add3A, %dma_wait3A, %dma_wait3A_22] : memref<32x79x128xi32, #tpu.memory_space<hbm>> -> memref<1x79x128xi32, #tpu.memory_space<hbm>>
      %dma_wait3A_24 = tpu.memref_squeeze %dma_wait3A_23 : memref<1x79x128xi32, #tpu.memory_space<hbm>> -> memref<79x128xi32, #tpu.memory_space<hbm>>
      %dma_wait3A_25 = arith.constant 0 : i32
      %dma_wait3A_26 = arith.constant 0 : i32
      %dma_wait3A_27 = tpu.memref_slice %arg2[%add3A, %dma_wait3A_25, %dma_wait3A_26] : memref<32x79x128xi32, #tpu.memory_space<hbm>> -> memref<1x79x128xi32, #tpu.memory_space<hbm>>
      %dma_wait3A_28 = tpu.memref_squeeze %dma_wait3A_27 : memref<1x79x128xi32, #tpu.memory_space<hbm>> -> memref<79x128xi32, #tpu.memory_space<hbm>>
      tpu.wait_dma2 semaphore(%run_scoped3A : memref<!tpu.dma_semaphore, #tpu.memory_space<semaphore_mem>>) src(%dma_wait3A_28 : memref<79x128xi32, #tpu.memory_space<hbm>>) dst(%arg6 : memref<79x128xi32, #tpu.memory_space<vmem>>)
      tpu.yield
    }) : () -> ()
    "tpu.region"() ({
      %run_scoped3A = tpu.sem_alloc : memref<!tpu.dma_semaphore, #tpu.memory_space<semaphore_mem>>
      %dma_start3A = arith.constant 0 : i32
      %dma_start3A_15 = arith.constant 0 : i32
      %dma_start3A_16 = tpu.memref_slice %arg3[%add3A, %dma_start3A, %dma_start3A_15] : memref<32x79x128xi32, #tpu.memory_space<hbm>> -> memref<1x79x128xi32, #tpu.memory_space<hbm>>
      %dma_start3A_17 = tpu.memref_squeeze %dma_start3A_16 : memref<1x79x128xi32, #tpu.memory_space<hbm>> -> memref<79x128xi32, #tpu.memory_space<hbm>>
      %dma_start3A_18 = arith.constant 0 : i32
      %dma_start3A_19 = arith.constant 0 : i32
      %dma_start3A_20 = tpu.memref_slice %arg3[%add3A, %dma_start3A_18, %dma_start3A_19] : memref<32x79x128xi32, #tpu.memory_space<hbm>> -> memref<1x79x128xi32, #tpu.memory_space<hbm>>
      %dma_start3A_21 = tpu.memref_squeeze %dma_start3A_20 : memref<1x79x128xi32, #tpu.memory_space<hbm>> -> memref<79x128xi32, #tpu.memory_space<hbm>>
      tpu.enqueue_dma source(%dma_start3A_21 : memref<79x128xi32, #tpu.memory_space<hbm>>) target(%arg7 : memref<79x128xi32, #tpu.memory_space<vmem>>) target_semaphore(%run_scoped3A : memref<!tpu.dma_semaphore, #tpu.memory_space<semaphore_mem>>)
      %dma_wait3A = arith.constant 0 : i32
      %dma_wait3A_22 = arith.constant 0 : i32
      %dma_wait3A_23 = tpu.memref_slice %arg3[%add3A, %dma_wait3A, %dma_wait3A_22] : memref<32x79x128xi32, #tpu.memory_space<hbm>> -> memref<1x79x128xi32, #tpu.memory_space<hbm>>
      %dma_wait3A_24 = tpu.memref_squeeze %dma_wait3A_23 : memref<1x79x128xi32, #tpu.memory_space<hbm>> -> memref<79x128xi32, #tpu.memory_space<hbm>>
      %dma_wait3A_25 = arith.constant 0 : i32
      %dma_wait3A_26 = arith.constant 0 : i32
      %dma_wait3A_27 = tpu.memref_slice %arg3[%add3A, %dma_wait3A_25, %dma_wait3A_26] : memref<32x79x128xi32, #tpu.memory_space<hbm>> -> memref<1x79x128xi32, #tpu.memory_space<hbm>>
      %dma_wait3A_28 = tpu.memref_squeeze %dma_wait3A_27 : memref<1x79x128xi32, #tpu.memory_space<hbm>> -> memref<79x128xi32, #tpu.memory_space<hbm>>
      tpu.wait_dma2 semaphore(%run_scoped3A : memref<!tpu.dma_semaphore, #tpu.memory_space<semaphore_mem>>) src(%dma_wait3A_28 : memref<79x128xi32, #tpu.memory_space<hbm>>) dst(%arg7 : memref<79x128xi32, #tpu.memory_space<vmem>>)
      tpu.yield
    }) : () -> ()
    %iota3A = tpu.iota {dimensions = array<i32: 0>} : vector<16xi32>
    %scan3A_7 = arith.constant 0 : i32
    %scan3A_8 = arith.constant 1.000000e+00 : f32
    %scan3A_9 = arith.constant 0.000000e+00 : f32
    %scan3A_10 = arith.constant 0 : i32
    %scan3A_11 = arith.constant 632 : i32
    %scan3A_12 = arith.addi %scan3A_10, %scan3A_11 : i32
    %scan3A_13 = arith.constant 1 : i32
    scf.for %scan3A_15 = %scan3A_10 to %scan3A_12 step %scan3A_13  : i32 {
      %jit3A = arith.constant 8 : i32
      %div3A = arith.divsi %scan3A_15, %jit3A : i32
      %sign3A = arith.constant 0 : i32
      %sign3A_16 = arith.cmpi sgt, %scan3A_15, %sign3A : i32
      %sign3A_17 = arith.extui %sign3A_16 : i1 to i32
      %sign3A_18 = arith.constant 0 : i32
      %sign3A_19 = arith.cmpi slt, %scan3A_15, %sign3A_18 : i32
      %sign3A_20 = arith.extui %sign3A_19 : i1 to i32
      %sign3A_21 = arith.subi %sign3A_17, %sign3A_20 : i32
      %sign3A_22 = arith.constant 0 : i32
      %sign3A_23 = arith.cmpi sgt, %jit3A, %sign3A_22 : i32
      %sign3A_24 = arith.extui %sign3A_23 : i1 to i32
      %sign3A_25 = arith.constant 0 : i32
      %sign3A_26 = arith.cmpi slt, %jit3A, %sign3A_25 : i32
      %sign3A_27 = arith.extui %sign3A_26 : i1 to i32
      %sign3A_28 = arith.subi %sign3A_24, %sign3A_27 : i32
      %ne3A = arith.cmpi ne, %sign3A_21, %sign3A_28 : i32
      %rem3A = arith.remsi %scan3A_15, %jit3A : i32
      %ne3A_29 = arith.constant 0 : i32
      %ne3A_30 = arith.cmpi ne, %rem3A, %ne3A_29 : i32
      %and3A = arith.andi %ne3A, %ne3A_30 : i1
      %sub3A = arith.constant 1 : i32
      %sub3A_31 = arith.subi %div3A, %sub3A : i32
      %select_n3A = arith.select %and3A, %sub3A_31, %div3A : i32
      %jit3A_32 = arith.constant 8 : i32
      %eq3A = arith.constant 0 : i32
      %eq3A_33 = arith.cmpi eq, %jit3A_32, %eq3A : i32
      %jit3A_34 = arith.constant 1 : i32
      %select_n3A_35 = arith.select %eq3A_33, %jit3A_34, %jit3A_32 : i32
      %rem3A_36 = arith.remsi %scan3A_15, %select_n3A_35 : i32
      %ne3A_37 = arith.constant 0 : i32
      %ne3A_38 = arith.cmpi ne, %rem3A_36, %ne3A_37 : i32
      %lt3A = arith.constant 0 : i32
      %lt3A_39 = arith.cmpi slt, %rem3A_36, %lt3A : i32
      %lt3A_40 = arith.constant 0 : i32
      %lt3A_41 = arith.cmpi slt, %select_n3A_35, %lt3A_40 : i32
      %ne3A_42 = arith.xori %lt3A_39, %lt3A_41 : i1
      %and3A_43 = arith.andi %ne3A_42, %ne3A_38 : i1
      %add3A_44 = arith.addi %rem3A_36, %select_n3A_35 : i32
      %select_n3A_45 = arith.select %and3A_43, %add3A_44, %rem3A_36 : i32
      %mul3A_46 = arith.constant 16 : i32
      %mul3A_47 = arith.muli %select_n3A_45, %mul3A_46 : i32
      %get3A = arith.index_cast %select_n3A : i32 to index
      %get3A_48 = arith.index_cast %mul3A_47 : i32 to index
      %get3A_49 = tpu.vector_load %arg6[%get3A, %get3A_48] {strides = array<i32>} : memref<79x128xi32, #tpu.memory_space<vmem>>, vector<1x16xi32>,
      %get3A_50 = vector.shape_cast %get3A_49 : vector<1x16xi32> to vector<16xi32>
      %mul3A_51 = arith.constant 16 : i32
      %mul3A_52 = arith.muli %select_n3A_45, %mul3A_51 : i32
      %get3A_53 = arith.index_cast %select_n3A : i32 to index
      %get3A_54 = arith.index_cast %mul3A_52 : i32 to index
      %get3A_55 = tpu.vector_load %arg7[%get3A_53, %get3A_54] {strides = array<i32>} : memref<79x128xi32, #tpu.memory_space<vmem>>, vector<1x16xi32>,
      %get3A_56 = vector.shape_cast %get3A_55 : vector<1x16xi32> to vector<16xi32>
      %slice3A = vector.extract_strided_slice %get3A_50 {offsets = [0], sizes = [1], strides = [1]} : vector<16xi32> to vector<1xi32>
      %squeeze3A = vector.extract %slice3A[0] : i32 from vector<1xi32>
      %shift_right_arithmetic3A = arith.constant 4 : i32
      %shift_right_arithmetic3A_57 = arith.shrsi %squeeze3A, %shift_right_arithmetic3A : i32
      %shift_left3A = arith.constant 4 : i32
      %shift_left3A_58 = arith.shli %shift_right_arithmetic3A_57, %shift_left3A : i32
      %and3A_59 = arith.constant 15 : i32
      %and3A_60 = arith.andi %squeeze3A, %and3A_59 : i32
      %eq3A_61 = vector.broadcast %and3A_60 : i32 to vector<16xi32>
      %eq3A_62 = arith.cmpi eq, %iota3A, %eq3A_61 : vector<16xi32>
      %broadcast_in_dim3A_63 = vector.broadcast %scan3A_8 : f32 to vector<16xf32>
      %broadcast_in_dim3A_64 = vector.broadcast %scan3A_9 : f32 to vector<16xf32>
      %select_n3A_65 = arith.select %eq3A_62, %broadcast_in_dim3A_63, %broadcast_in_dim3A_64 : vector<16xi1>, vector<16xf32>
      %swap3A = arith.index_cast %shift_left3A_58 : i32 to index
      %swap3A_66 = tpu.vector_load %arg8[%swap3A] {strides = array<i32>} : memref<10112xf32, #tpu.memory_space<vmem>>, vector<16xf32>,
      %swap3A_67 = vector.shape_cast %swap3A_66 : vector<16xf32> to vector<16xf32>
      %swap3A_68 = vector.shape_cast %select_n3A_65 : vector<16xf32> to vector<16xf32>
      tpu.vector_store %arg8[%swap3A], %swap3A_68 {add = true, strides = array<i32>} : memref<10112xf32, #tpu.memory_space<vmem>>, vector<16xf32>,
      %slice3A_69 = vector.extract_strided_slice %get3A_56 {offsets = [0], sizes = [1], strides = [1]} : vector<16xi32> to vector<1xi32>
      %squeeze3A_70 = vector.extract %slice3A_69[0] : i32 from vector<1xi32>
      %shift_right_arithmetic3A_71 = arith.constant 4 : i32
      %shift_right_arithmetic3A_72 = arith.shrsi %squeeze3A_70, %shift_right_arithmetic3A_71 : i32
      %shift_left3A_73 = arith.constant 4 : i32
      %shift_left3A_74 = arith.shli %shift_right_arithmetic3A_72, %shift_left3A_73 : i32
      %and3A_75 = arith.constant 15 : i32
      %and3A_76 = arith.andi %squeeze3A_70, %and3A_75 : i32
      %eq3A_77 = vector.broadcast %and3A_76 : i32 to vector<16xi32>
      %eq3A_78 = arith.cmpi eq, %iota3A, %eq3A_77 : vector<16xi32>
      %broadcast_in_dim3A_79 = vector.broadcast %scan3A_8 : f32 to vector<16xf32>
      %broadcast_in_dim3A_80 = vector.broadcast %scan3A_9 : f32 to vector<16xf32>
      %select_n3A_81 = arith.select %eq3A_78, %broadcast_in_dim3A_79, %broadcast_in_dim3A_80 : vector<16xi1>, vector<16xf32>
      %swap3A_82 = arith.index_cast %shift_left3A_74 : i32 to index
      %swap3A_83 = tpu.vector_load %arg9[%swap3A_82] {strides = array<i32>} : memref<10112xf32, #tpu.memory_space<vmem>>, vector<16xf32>,
      %swap3A_84 = vector.shape_cast %swap3A_83 : vector<16xf32> to vector<16xf32>
      %swap3A_85 = vector.shape_cast %select_n3A_81 : vector<16xf32> to vector<16xf32>
      tpu.vector_store %arg9[%swap3A_82], %swap3A_85 {add = true, strides = array<i32>} : memref<10112xf32, #tpu.memory_space<vmem>>, vector<16xf32>,
      %slice3A_86 = vector.extract_strided_slice %get3A_50 {offsets = [1], sizes = [1], strides = [1]} : vector<16xi32> to vector<1xi32>
      %squeeze3A_87 = vector.extract %slice3A_86[0] : i32 from vector<1xi32>
      %shift_right_arithmetic3A_88 = arith.constant 4 : i32
      %shift_right_arithmetic3A_89 = arith.shrsi %squeeze3A_87, %shift_right_arithmetic3A_88 : i32
      %shift_left3A_90 = arith.constant 4 : i32
      %shift_left3A_91 = arith.shli %shift_right_arithmetic3A_89, %shift_left3A_90 : i32
      %and3A_92 = arith.constant 15 : i32
      %and3A_93 = arith.andi %squeeze3A_87, %and3A_92 : i32
      %eq3A_94 = vector.broadcast %and3A_93 : i32 to vector<16xi32>
      %eq3A_95 = arith.cmpi eq, %iota3A, %eq3A_94 : vector<16xi32>
      %broadcast_in_dim3A_96 = vector.broadcast %scan3A_8 : f32 to vector<16xf32>
      %broadcast_in_dim3A_97 = vector.broadcast %scan3A_9 : f32 to vector<16xf32>
      %select_n3A_98 = arith.select %eq3A_95, %broadcast_in_dim3A_96, %broadcast_in_dim3A_97 : vector<16xi1>, vector<16xf32>
      %swap3A_99 = arith.index_cast %shift_left3A_91 : i32 to index
      %swap3A_100 = tpu.vector_load %arg8[%swap3A_99] {strides = array<i32>} : memref<10112xf32, #tpu.memory_space<vmem>>, vector<16xf32>,
      %swap3A_101 = vector.shape_cast %swap3A_100 : vector<16xf32> to vector<16xf32>
      %swap3A_102 = vector.shape_cast %select_n3A_98 : vector<16xf32> to vector<16xf32>
      tpu.vector_store %arg8[%swap3A_99], %swap3A_102 {add = true, strides = array<i32>} : memref<10112xf32, #tpu.memory_space<vmem>>, vector<16xf32>,
      %slice3A_103 = vector.extract_strided_slice %get3A_56 {offsets = [1], sizes = [1], strides = [1]} : vector<16xi32> to vector<1xi32>
      %squeeze3A_104 = vector.extract %slice3A_103[0] : i32 from vector<1xi32>
      %shift_right_arithmetic3A_105 = arith.constant 4 : i32
      %shift_right_arithmetic3A_106 = arith.shrsi %squeeze3A_104, %shift_right_arithmetic3A_105 : i32
      %shift_left3A_107 = arith.constant 4 : i32
      %shift_left3A_108 = arith.shli %shift_right_arithmetic3A_106, %shift_left3A_107 : i32
      %and3A_109 = arith.constant 15 : i32
      %and3A_110 = arith.andi %squeeze3A_104, %and3A_109 : i32
      %eq3A_111 = vector.broadcast %and3A_110 : i32 to vector<16xi32>
      %eq3A_112 = arith.cmpi eq, %iota3A, %eq3A_111 : vector<16xi32>
      %broadcast_in_dim3A_113 = vector.broadcast %scan3A_8 : f32 to vector<16xf32>
      %broadcast_in_dim3A_114 = vector.broadcast %scan3A_9 : f32 to vector<16xf32>
      %select_n3A_115 = arith.select %eq3A_112, %broadcast_in_dim3A_113, %broadcast_in_dim3A_114 : vector<16xi1>, vector<16xf32>
      %swap3A_116 = arith.index_cast %shift_left3A_108 : i32 to index
      %swap3A_117 = tpu.vector_load %arg9[%swap3A_116] {strides = array<i32>} : memref<10112xf32, #tpu.memory_space<vmem>>, vector<16xf32>,
      %swap3A_118 = vector.shape_cast %swap3A_117 : vector<16xf32> to vector<16xf32>
      %swap3A_119 = vector.shape_cast %select_n3A_115 : vector<16xf32> to vector<16xf32>
      tpu.vector_store %arg9[%swap3A_116], %swap3A_119 {add = true, strides = array<i32>} : memref<10112xf32, #tpu.memory_space<vmem>>, vector<16xf32>,
      %slice3A_120 = vector.extract_strided_slice %get3A_50 {offsets = [2], sizes = [1], strides = [1]} : vector<16xi32> to vector<1xi32>
      %squeeze3A_121 = vector.extract %slice3A_120[0] : i32 from vector<1xi32>
      %shift_right_arithmetic3A_122 = arith.constant 4 : i32
      %shift_right_arithmetic3A_123 = arith.shrsi %squeeze3A_121, %shift_right_arithmetic3A_122 : i32
      %shift_left3A_124 = arith.constant 4 : i32
      %shift_left3A_125 = arith.shli %shift_right_arithmetic3A_123, %shift_left3A_124 : i32
      %and3A_126 = arith.constant 15 : i32
      %and3A_127 = arith.andi %squeeze3A_121, %and3A_126 : i32
      %eq3A_128 = vector.broadcast %and3A_127 : i32 to vector<16xi32>
      %eq3A_129 = arith.cmpi eq, %iota3A, %eq3A_128 : vector<16xi32>
      %broadcast_in_dim3A_130 = vector.broadcast %scan3A_8 : f32 to vector<16xf32>
      %broadcast_in_dim3A_131 = vector.broadcast %scan3A_9 : f32 to vector<16xf32>
      %select_n3A_132 = arith.select %eq3A_129, %broadcast_in_dim3A_130, %broadcast_in_dim3A_131 : vector<16xi1>, vector<16xf32>
      %swap3A_133 = arith.index_cast %shift_left3A_125 : i32 to index
      %swap3A_134 = tpu.vector_load %arg8[%swap3A_133] {strides = array<i32>} : memref<10112xf32, #tpu.memory_space<vmem>>, vector<16xf32>,
      %swap3A_135 = vector.shape_cast %swap3A_134 : vector<16xf32> to vector<16xf32>
      %swap3A_136 = vector.shape_cast %select_n3A_132 : vector<16xf32> to vector<16xf32>
      tpu.vector_store %arg8[%swap3A_133], %swap3A_136 {add = true, strides = array<i32>} : memref<10112xf32, #tpu.memory_space<vmem>>, vector<16xf32>,
      %slice3A_137 = vector.extract_strided_slice %get3A_56 {offsets = [2], sizes = [1], strides = [1]} : vector<16xi32> to vector<1xi32>
      %squeeze3A_138 = vector.extract %slice3A_137[0] : i32 from vector<1xi32>
      %shift_right_arithmetic3A_139 = arith.constant 4 : i32
      %shift_right_arithmetic3A_140 = arith.shrsi %squeeze3A_138, %shift_right_arithmetic3A_139 : i32
      %shift_left3A_141 = arith.constant 4 : i32
      %shift_left3A_142 = arith.shli %shift_right_arithmetic3A_140, %shift_left3A_141 : i32
      %and3A_143 = arith.constant 15 : i32
      %and3A_144 = arith.andi %squeeze3A_138, %and3A_143 : i32
      %eq3A_145 = vector.broadcast %and3A_144 : i32 to vector<16xi32>
      %eq3A_146 = arith.cmpi eq, %iota3A, %eq3A_145 : vector<16xi32>
      %broadcast_in_dim3A_147 = vector.broadcast %scan3A_8 : f32 to vector<16xf32>
      %broadcast_in_dim3A_148 = vector.broadcast %scan3A_9 : f32 to vector<16xf32>
      %select_n3A_149 = arith.select %eq3A_146, %broadcast_in_dim3A_147, %broadcast_in_dim3A_148 : vector<16xi1>, vector<16xf32>
      %swap3A_150 = arith.index_cast %shift_left3A_142 : i32 to index
      %swap3A_151 = tpu.vector_load %arg9[%swap3A_150] {strides = array<i32>} : memref<10112xf32, #tpu.memory_space<vmem>>, vector<16xf32>,
      %swap3A_152 = vector.shape_cast %swap3A_151 : vector<16xf32> to vector<16xf32>
      %swap3A_153 = vector.shape_cast %select_n3A_149 : vector<16xf32> to vector<16xf32>
      tpu.vector_store %arg9[%swap3A_150], %swap3A_153 {add = true, strides = array<i32>} : memref<10112xf32, #tpu.memory_space<vmem>>, vector<16xf32>,
      %slice3A_154 = vector.extract_strided_slice %get3A_50 {offsets = [3], sizes = [1], strides = [1]} : vector<16xi32> to vector<1xi32>
      %squeeze3A_155 = vector.extract %slice3A_154[0] : i32 from vector<1xi32>
      %shift_right_arithmetic3A_156 = arith.constant 4 : i32
      %shift_right_arithmetic3A_157 = arith.shrsi %squeeze3A_155, %shift_right_arithmetic3A_156 : i32
      %shift_left3A_158 = arith.constant 4 : i32
      %shift_left3A_159 = arith.shli %shift_right_arithmetic3A_157, %shift_left3A_158 : i32
      %and3A_160 = arith.constant 15 : i32
      %and3A_161 = arith.andi %squeeze3A_155, %and3A_160 : i32
      %eq3A_162 = vector.broadcast %and3A_161 : i32 to vector<16xi32>
      %eq3A_163 = arith.cmpi eq, %iota3A, %eq3A_162 : vector<16xi32>
      %broadcast_in_dim3A_164 = vector.broadcast %scan3A_8 : f32 to vector<16xf32>
      %broadcast_in_dim3A_165 = vector.broadcast %scan3A_9 : f32 to vector<16xf32>
      %select_n3A_166 = arith.select %eq3A_163, %broadcast_in_dim3A_164, %broadcast_in_dim3A_165 : vector<16xi1>, vector<16xf32>
      %swap3A_167 = arith.index_cast %shift_left3A_159 : i32 to index
      %swap3A_168 = tpu.vector_load %arg8[%swap3A_167] {strides = array<i32>} : memref<10112xf32, #tpu.memory_space<vmem>>, vector<16xf32>,
      %swap3A_169 = vector.shape_cast %swap3A_168 : vector<16xf32> to vector<16xf32>
      %swap3A_170 = vector.shape_cast %select_n3A_166 : vector<16xf32> to vector<16xf32>
      tpu.vector_store %arg8[%swap3A_167], %swap3A_170 {add = true, strides = array<i32>} : memref<10112xf32, #tpu.memory_space<vmem>>, vector<16xf32>,
      %slice3A_171 = vector.extract_strided_slice %get3A_56 {offsets = [3], sizes = [1], strides = [1]} : vector<16xi32> to vector<1xi32>
      %squeeze3A_172 = vector.extract %slice3A_171[0] : i32 from vector<1xi32>
      %shift_right_arithmetic3A_173 = arith.constant 4 : i32
      %shift_right_arithmetic3A_174 = arith.shrsi %squeeze3A_172, %shift_right_arithmetic3A_173 : i32
      %shift_left3A_175 = arith.constant 4 : i32
      %shift_left3A_176 = arith.shli %shift_right_arithmetic3A_174, %shift_left3A_175 : i32
      %and3A_177 = arith.constant 15 : i32
      %and3A_178 = arith.andi %squeeze3A_172, %and3A_177 : i32
      %eq3A_179 = vector.broadcast %and3A_178 : i32 to vector<16xi32>
      %eq3A_180 = arith.cmpi eq, %iota3A, %eq3A_179 : vector<16xi32>
      %broadcast_in_dim3A_181 = vector.broadcast %scan3A_8 : f32 to vector<16xf32>
      %broadcast_in_dim3A_182 = vector.broadcast %scan3A_9 : f32 to vector<16xf32>
      %select_n3A_183 = arith.select %eq3A_180, %broadcast_in_dim3A_181, %broadcast_in_dim3A_182 : vector<16xi1>, vector<16xf32>
      %swap3A_184 = arith.index_cast %shift_left3A_176 : i32 to index
      %swap3A_185 = tpu.vector_load %arg9[%swap3A_184] {strides = array<i32>} : memref<10112xf32, #tpu.memory_space<vmem>>, vector<16xf32>,
      %swap3A_186 = vector.shape_cast %swap3A_185 : vector<16xf32> to vector<16xf32>
      %swap3A_187 = vector.shape_cast %select_n3A_183 : vector<16xf32> to vector<16xf32>
      tpu.vector_store %arg9[%swap3A_184], %swap3A_187 {add = true, strides = array<i32>} : memref<10112xf32, #tpu.memory_space<vmem>>, vector<16xf32>,
      %slice3A_188 = vector.extract_strided_slice %get3A_50 {offsets = [4], sizes = [1], strides = [1]} : vector<16xi32> to vector<1xi32>
      %squeeze3A_189 = vector.extract %slice3A_188[0] : i32 from vector<1xi32>
      %shift_right_arithmetic3A_190 = arith.constant 4 : i32
      %shift_right_arithmetic3A_191 = arith.shrsi %squeeze3A_189, %shift_right_arithmetic3A_190 : i32
      %shift_left3A_192 = arith.constant 4 : i32
      %shift_left3A_193 = arith.shli %shift_right_arithmetic3A_191, %shift_left3A_192 : i32
      %and3A_194 = arith.constant 15 : i32
      %and3A_195 = arith.andi %squeeze3A_189, %and3A_194 : i32
      %eq3A_196 = vector.broadcast %and3A_195 : i32 to vector<16xi32>
      %eq3A_197 = arith.cmpi eq, %iota3A, %eq3A_196 : vector<16xi32>
      %broadcast_in_dim3A_198 = vector.broadcast %scan3A_8 : f32 to vector<16xf32>
      %broadcast_in_dim3A_199 = vector.broadcast %scan3A_9 : f32 to vector<16xf32>
      %select_n3A_200 = arith.select %eq3A_197, %broadcast_in_dim3A_198, %broadcast_in_dim3A_199 : vector<16xi1>, vector<16xf32>
      %swap3A_201 = arith.index_cast %shift_left3A_193 : i32 to index
      %swap3A_202 = tpu.vector_load %arg8[%swap3A_201] {strides = array<i32>} : memref<10112xf32, #tpu.memory_space<vmem>>, vector<16xf32>,
      %swap3A_203 = vector.shape_cast %swap3A_202 : vector<16xf32> to vector<16xf32>
      %swap3A_204 = vector.shape_cast %select_n3A_200 : vector<16xf32> to vector<16xf32>
      tpu.vector_store %arg8[%swap3A_201], %swap3A_204 {add = true, strides = array<i32>} : memref<10112xf32, #tpu.memory_space<vmem>>, vector<16xf32>,
      %slice3A_205 = vector.extract_strided_slice %get3A_56 {offsets = [4], sizes = [1], strides = [1]} : vector<16xi32> to vector<1xi32>
      %squeeze3A_206 = vector.extract %slice3A_205[0] : i32 from vector<1xi32>
      %shift_right_arithmetic3A_207 = arith.constant 4 : i32
      %shift_right_arithmetic3A_208 = arith.shrsi %squeeze3A_206, %shift_right_arithmetic3A_207 : i32
      %shift_left3A_209 = arith.constant 4 : i32
      %shift_left3A_210 = arith.shli %shift_right_arithmetic3A_208, %shift_left3A_209 : i32
      %and3A_211 = arith.constant 15 : i32
      %and3A_212 = arith.andi %squeeze3A_206, %and3A_211 : i32
      %eq3A_213 = vector.broadcast %and3A_212 : i32 to vector<16xi32>
      %eq3A_214 = arith.cmpi eq, %iota3A, %eq3A_213 : vector<16xi32>
      %broadcast_in_dim3A_215 = vector.broadcast %scan3A_8 : f32 to vector<16xf32>
      %broadcast_in_dim3A_216 = vector.broadcast %scan3A_9 : f32 to vector<16xf32>
      %select_n3A_217 = arith.select %eq3A_214, %broadcast_in_dim3A_215, %broadcast_in_dim3A_216 : vector<16xi1>, vector<16xf32>
      %swap3A_218 = arith.index_cast %shift_left3A_210 : i32 to index
      %swap3A_219 = tpu.vector_load %arg9[%swap3A_218] {strides = array<i32>} : memref<10112xf32, #tpu.memory_space<vmem>>, vector<16xf32>,
      %swap3A_220 = vector.shape_cast %swap3A_219 : vector<16xf32> to vector<16xf32>
      %swap3A_221 = vector.shape_cast %select_n3A_217 : vector<16xf32> to vector<16xf32>
      tpu.vector_store %arg9[%swap3A_218], %swap3A_221 {add = true, strides = array<i32>} : memref<10112xf32, #tpu.memory_space<vmem>>, vector<16xf32>,
      %slice3A_222 = vector.extract_strided_slice %get3A_50 {offsets = [5], sizes = [1], strides = [1]} : vector<16xi32> to vector<1xi32>
      %squeeze3A_223 = vector.extract %slice3A_222[0] : i32 from vector<1xi32>
      %shift_right_arithmetic3A_224 = arith.constant 4 : i32
      %shift_right_arithmetic3A_225 = arith.shrsi %squeeze3A_223, %shift_right_arithmetic3A_224 : i32
      %shift_left3A_226 = arith.constant 4 : i32
      %shift_left3A_227 = arith.shli %shift_right_arithmetic3A_225, %shift_left3A_226 : i32
      %and3A_228 = arith.constant 15 : i32
      %and3A_229 = arith.andi %squeeze3A_223, %and3A_228 : i32
      %eq3A_230 = vector.broadcast %and3A_229 : i32 to vector<16xi32>
      %eq3A_231 = arith.cmpi eq, %iota3A, %eq3A_230 : vector<16xi32>
      %broadcast_in_dim3A_232 = vector.broadcast %scan3A_8 : f32 to vector<16xf32>
      %broadcast_in_dim3A_233 = vector.broadcast %scan3A_9 : f32 to vector<16xf32>
      %select_n3A_234 = arith.select %eq3A_231, %broadcast_in_dim3A_232, %broadcast_in_dim3A_233 : vector<16xi1>, vector<16xf32>
      %swap3A_235 = arith.index_cast %shift_left3A_227 : i32 to index
      %swap3A_236 = tpu.vector_load %arg8[%swap3A_235] {strides = array<i32>} : memref<10112xf32, #tpu.memory_space<vmem>>, vector<16xf32>,
      %swap3A_237 = vector.shape_cast %swap3A_236 : vector<16xf32> to vector<16xf32>
      %swap3A_238 = vector.shape_cast %select_n3A_234 : vector<16xf32> to vector<16xf32>
      tpu.vector_store %arg8[%swap3A_235], %swap3A_238 {add = true, strides = array<i32>} : memref<10112xf32, #tpu.memory_space<vmem>>, vector<16xf32>,
      %slice3A_239 = vector.extract_strided_slice %get3A_56 {offsets = [5], sizes = [1], strides = [1]} : vector<16xi32> to vector<1xi32>
      %squeeze3A_240 = vector.extract %slice3A_239[0] : i32 from vector<1xi32>
      %shift_right_arithmetic3A_241 = arith.constant 4 : i32
      %shift_right_arithmetic3A_242 = arith.shrsi %squeeze3A_240, %shift_right_arithmetic3A_241 : i32
      %shift_left3A_243 = arith.constant 4 : i32
      %shift_left3A_244 = arith.shli %shift_right_arithmetic3A_242, %shift_left3A_243 : i32
      %and3A_245 = arith.constant 15 : i32
      %and3A_246 = arith.andi %squeeze3A_240, %and3A_245 : i32
      %eq3A_247 = vector.broadcast %and3A_246 : i32 to vector<16xi32>
      %eq3A_248 = arith.cmpi eq, %iota3A, %eq3A_247 : vector<16xi32>
      %broadcast_in_dim3A_249 = vector.broadcast %scan3A_8 : f32 to vector<16xf32>
      %broadcast_in_dim3A_250 = vector.broadcast %scan3A_9 : f32 to vector<16xf32>
      %select_n3A_251 = arith.select %eq3A_248, %broadcast_in_dim3A_249, %broadcast_in_dim3A_250 : vector<16xi1>, vector<16xf32>
      %swap3A_252 = arith.index_cast %shift_left3A_244 : i32 to index
      %swap3A_253 = tpu.vector_load %arg9[%swap3A_252] {strides = array<i32>} : memref<10112xf32, #tpu.memory_space<vmem>>, vector<16xf32>,
      %swap3A_254 = vector.shape_cast %swap3A_253 : vector<16xf32> to vector<16xf32>
      %swap3A_255 = vector.shape_cast %select_n3A_251 : vector<16xf32> to vector<16xf32>
      tpu.vector_store %arg9[%swap3A_252], %swap3A_255 {add = true, strides = array<i32>} : memref<10112xf32, #tpu.memory_space<vmem>>, vector<16xf32>,
      %slice3A_256 = vector.extract_strided_slice %get3A_50 {offsets = [6], sizes = [1], strides = [1]} : vector<16xi32> to vector<1xi32>
      %squeeze3A_257 = vector.extract %slice3A_256[0] : i32 from vector<1xi32>
      %shift_right_arithmetic3A_258 = arith.constant 4 : i32
      %shift_right_arithmetic3A_259 = arith.shrsi %squeeze3A_257, %shift_right_arithmetic3A_258 : i32
      %shift_left3A_260 = arith.constant 4 : i32
      %shift_left3A_261 = arith.shli %shift_right_arithmetic3A_259, %shift_left3A_260 : i32
      %and3A_262 = arith.constant 15 : i32
      %and3A_263 = arith.andi %squeeze3A_257, %and3A_262 : i32
      %eq3A_264 = vector.broadcast %and3A_263 : i32 to vector<16xi32>
      %eq3A_265 = arith.cmpi eq, %iota3A, %eq3A_264 : vector<16xi32>
      %broadcast_in_dim3A_266 = vector.broadcast %scan3A_8 : f32 to vector<16xf32>
      %broadcast_in_dim3A_267 = vector.broadcast %scan3A_9 : f32 to vector<16xf32>
      %select_n3A_268 = arith.select %eq3A_265, %broadcast_in_dim3A_266, %broadcast_in_dim3A_267 : vector<16xi1>, vector<16xf32>
      %swap3A_269 = arith.index_cast %shift_left3A_261 : i32 to index
      %swap3A_270 = tpu.vector_load %arg8[%swap3A_269] {strides = array<i32>} : memref<10112xf32, #tpu.memory_space<vmem>>, vector<16xf32>,
      %swap3A_271 = vector.shape_cast %swap3A_270 : vector<16xf32> to vector<16xf32>
      %swap3A_272 = vector.shape_cast %select_n3A_268 : vector<16xf32> to vector<16xf32>
      tpu.vector_store %arg8[%swap3A_269], %swap3A_272 {add = true, strides = array<i32>} : memref<10112xf32, #tpu.memory_space<vmem>>, vector<16xf32>,
      %slice3A_273 = vector.extract_strided_slice %get3A_56 {offsets = [6], sizes = [1], strides = [1]} : vector<16xi32> to vector<1xi32>
      %squeeze3A_274 = vector.extract %slice3A_273[0] : i32 from vector<1xi32>
      %shift_right_arithmetic3A_275 = arith.constant 4 : i32
      %shift_right_arithmetic3A_276 = arith.shrsi %squeeze3A_274, %shift_right_arithmetic3A_275 : i32
      %shift_left3A_277 = arith.constant 4 : i32
      %shift_left3A_278 = arith.shli %shift_right_arithmetic3A_276, %shift_left3A_277 : i32
      %and3A_279 = arith.constant 15 : i32
      %and3A_280 = arith.andi %squeeze3A_274, %and3A_279 : i32
      %eq3A_281 = vector.broadcast %and3A_280 : i32 to vector<16xi32>
      %eq3A_282 = arith.cmpi eq, %iota3A, %eq3A_281 : vector<16xi32>
      %broadcast_in_dim3A_283 = vector.broadcast %scan3A_8 : f32 to vector<16xf32>
      %broadcast_in_dim3A_284 = vector.broadcast %scan3A_9 : f32 to vector<16xf32>
      %select_n3A_285 = arith.select %eq3A_282, %broadcast_in_dim3A_283, %broadcast_in_dim3A_284 : vector<16xi1>, vector<16xf32>
      %swap3A_286 = arith.index_cast %shift_left3A_278 : i32 to index
      %swap3A_287 = tpu.vector_load %arg9[%swap3A_286] {strides = array<i32>} : memref<10112xf32, #tpu.memory_space<vmem>>, vector<16xf32>,
      %swap3A_288 = vector.shape_cast %swap3A_287 : vector<16xf32> to vector<16xf32>
      %swap3A_289 = vector.shape_cast %select_n3A_285 : vector<16xf32> to vector<16xf32>
      tpu.vector_store %arg9[%swap3A_286], %swap3A_289 {add = true, strides = array<i32>} : memref<10112xf32, #tpu.memory_space<vmem>>, vector<16xf32>,
      %slice3A_290 = vector.extract_strided_slice %get3A_50 {offsets = [7], sizes = [1], strides = [1]} : vector<16xi32> to vector<1xi32>
      %squeeze3A_291 = vector.extract %slice3A_290[0] : i32 from vector<1xi32>
      %shift_right_arithmetic3A_292 = arith.constant 4 : i32
      %shift_right_arithmetic3A_293 = arith.shrsi %squeeze3A_291, %shift_right_arithmetic3A_292 : i32
      %shift_left3A_294 = arith.constant 4 : i32
      %shift_left3A_295 = arith.shli %shift_right_arithmetic3A_293, %shift_left3A_294 : i32
      %and3A_296 = arith.constant 15 : i32
      %and3A_297 = arith.andi %squeeze3A_291, %and3A_296 : i32
      %eq3A_298 = vector.broadcast %and3A_297 : i32 to vector<16xi32>
      %eq3A_299 = arith.cmpi eq, %iota3A, %eq3A_298 : vector<16xi32>
      %broadcast_in_dim3A_300 = vector.broadcast %scan3A_8 : f32 to vector<16xf32>
      %broadcast_in_dim3A_301 = vector.broadcast %scan3A_9 : f32 to vector<16xf32>
      %select_n3A_302 = arith.select %eq3A_299, %broadcast_in_dim3A_300, %broadcast_in_dim3A_301 : vector<16xi1>, vector<16xf32>
      %swap3A_303 = arith.index_cast %shift_left3A_295 : i32 to index
      %swap3A_304 = tpu.vector_load %arg8[%swap3A_303] {strides = array<i32>} : memref<10112xf32, #tpu.memory_space<vmem>>, vector<16xf32>,
      %swap3A_305 = vector.shape_cast %swap3A_304 : vector<16xf32> to vector<16xf32>
      %swap3A_306 = vector.shape_cast %select_n3A_302 : vector<16xf32> to vector<16xf32>
      tpu.vector_store %arg8[%swap3A_303], %swap3A_306 {add = true, strides = array<i32>} : memref<10112xf32, #tpu.memory_space<vmem>>, vector<16xf32>,
      %slice3A_307 = vector.extract_strided_slice %get3A_56 {offsets = [7], sizes = [1], strides = [1]} : vector<16xi32> to vector<1xi32>
      %squeeze3A_308 = vector.extract %slice3A_307[0] : i32 from vector<1xi32>
      %shift_right_arithmetic3A_309 = arith.constant 4 : i32
      %shift_right_arithmetic3A_310 = arith.shrsi %squeeze3A_308, %shift_right_arithmetic3A_309 : i32
      %shift_left3A_311 = arith.constant 4 : i32
      %shift_left3A_312 = arith.shli %shift_right_arithmetic3A_310, %shift_left3A_311 : i32
      %and3A_313 = arith.constant 15 : i32
      %and3A_314 = arith.andi %squeeze3A_308, %and3A_313 : i32
      %eq3A_315 = vector.broadcast %and3A_314 : i32 to vector<16xi32>
      %eq3A_316 = arith.cmpi eq, %iota3A, %eq3A_315 : vector<16xi32>
      %broadcast_in_dim3A_317 = vector.broadcast %scan3A_8 : f32 to vector<16xf32>
      %broadcast_in_dim3A_318 = vector.broadcast %scan3A_9 : f32 to vector<16xf32>
      %select_n3A_319 = arith.select %eq3A_316, %broadcast_in_dim3A_317, %broadcast_in_dim3A_318 : vector<16xi1>, vector<16xf32>
      %swap3A_320 = arith.index_cast %shift_left3A_312 : i32 to index
      %swap3A_321 = tpu.vector_load %arg9[%swap3A_320] {strides = array<i32>} : memref<10112xf32, #tpu.memory_space<vmem>>, vector<16xf32>,
      %swap3A_322 = vector.shape_cast %swap3A_321 : vector<16xf32> to vector<16xf32>
      %swap3A_323 = vector.shape_cast %select_n3A_319 : vector<16xf32> to vector<16xf32>
      tpu.vector_store %arg9[%swap3A_320], %swap3A_323 {add = true, strides = array<i32>} : memref<10112xf32, #tpu.memory_space<vmem>>, vector<16xf32>,
      %slice3A_324 = vector.extract_strided_slice %get3A_50 {offsets = [8], sizes = [1], strides = [1]} : vector<16xi32> to vector<1xi32>
      %squeeze3A_325 = vector.extract %slice3A_324[0] : i32 from vector<1xi32>
      %shift_right_arithmetic3A_326 = arith.constant 4 : i32
      %shift_right_arithmetic3A_327 = arith.shrsi %squeeze3A_325, %shift_right_arithmetic3A_326 : i32
      %shift_left3A_328 = arith.constant 4 : i32
      %shift_left3A_329 = arith.shli %shift_right_arithmetic3A_327, %shift_left3A_328 : i32
      %and3A_330 = arith.constant 15 : i32
      %and3A_331 = arith.andi %squeeze3A_325, %and3A_330 : i32
      %eq3A_332 = vector.broadcast %and3A_331 : i32 to vector<16xi32>
      %eq3A_333 = arith.cmpi eq, %iota3A, %eq3A_332 : vector<16xi32>
      %broadcast_in_dim3A_334 = vector.broadcast %scan3A_8 : f32 to vector<16xf32>
      %broadcast_in_dim3A_335 = vector.broadcast %scan3A_9 : f32 to vector<16xf32>
      %select_n3A_336 = arith.select %eq3A_333, %broadcast_in_dim3A_334, %broadcast_in_dim3A_335 : vector<16xi1>, vector<16xf32>
      %swap3A_337 = arith.index_cast %shift_left3A_329 : i32 to index
      %swap3A_338 = tpu.vector_load %arg8[%swap3A_337] {strides = array<i32>} : memref<10112xf32, #tpu.memory_space<vmem>>, vector<16xf32>,
      %swap3A_339 = vector.shape_cast %swap3A_338 : vector<16xf32> to vector<16xf32>
      %swap3A_340 = vector.shape_cast %select_n3A_336 : vector<16xf32> to vector<16xf32>
      tpu.vector_store %arg8[%swap3A_337], %swap3A_340 {add = true, strides = array<i32>} : memref<10112xf32, #tpu.memory_space<vmem>>, vector<16xf32>,
      %slice3A_341 = vector.extract_strided_slice %get3A_56 {offsets = [8], sizes = [1], strides = [1]} : vector<16xi32> to vector<1xi32>
      %squeeze3A_342 = vector.extract %slice3A_341[0] : i32 from vector<1xi32>
      %shift_right_arithmetic3A_343 = arith.constant 4 : i32
      %shift_right_arithmetic3A_344 = arith.shrsi %squeeze3A_342, %shift_right_arithmetic3A_343 : i32
      %shift_left3A_345 = arith.constant 4 : i32
      %shift_left3A_346 = arith.shli %shift_right_arithmetic3A_344, %shift_left3A_345 : i32
      %and3A_347 = arith.constant 15 : i32
      %and3A_348 = arith.andi %squeeze3A_342, %and3A_347 : i32
      %eq3A_349 = vector.broadcast %and3A_348 : i32 to vector<16xi32>
      %eq3A_350 = arith.cmpi eq, %iota3A, %eq3A_349 : vector<16xi32>
      %broadcast_in_dim3A_351 = vector.broadcast %scan3A_8 : f32 to vector<16xf32>
      %broadcast_in_dim3A_352 = vector.broadcast %scan3A_9 : f32 to vector<16xf32>
      %select_n3A_353 = arith.select %eq3A_350, %broadcast_in_dim3A_351, %broadcast_in_dim3A_352 : vector<16xi1>, vector<16xf32>
      %swap3A_354 = arith.index_cast %shift_left3A_346 : i32 to index
      %swap3A_355 = tpu.vector_load %arg9[%swap3A_354] {strides = array<i32>} : memref<10112xf32, #tpu.memory_space<vmem>>, vector<16xf32>,
      %swap3A_356 = vector.shape_cast %swap3A_355 : vector<16xf32> to vector<16xf32>
      %swap3A_357 = vector.shape_cast %select_n3A_353 : vector<16xf32> to vector<16xf32>
      tpu.vector_store %arg9[%swap3A_354], %swap3A_357 {add = true, strides = array<i32>} : memref<10112xf32, #tpu.memory_space<vmem>>, vector<16xf32>,
      %slice3A_358 = vector.extract_strided_slice %get3A_50 {offsets = [9], sizes = [1], strides = [1]} : vector<16xi32> to vector<1xi32>
      %squeeze3A_359 = vector.extract %slice3A_358[0] : i32 from vector<1xi32>
      %shift_right_arithmetic3A_360 = arith.constant 4 : i32
      %shift_right_arithmetic3A_361 = arith.shrsi %squeeze3A_359, %shift_right_arithmetic3A_360 : i32
      %shift_left3A_362 = arith.constant 4 : i32
      %shift_left3A_363 = arith.shli %shift_right_arithmetic3A_361, %shift_left3A_362 : i32
      %and3A_364 = arith.constant 15 : i32
      %and3A_365 = arith.andi %squeeze3A_359, %and3A_364 : i32
      %eq3A_366 = vector.broadcast %and3A_365 : i32 to vector<16xi32>
      %eq3A_367 = arith.cmpi eq, %iota3A, %eq3A_366 : vector<16xi32>
      %broadcast_in_dim3A_368 = vector.broadcast %scan3A_8 : f32 to vector<16xf32>
      %broadcast_in_dim3A_369 = vector.broadcast %scan3A_9 : f32 to vector<16xf32>
      %select_n3A_370 = arith.select %eq3A_367, %broadcast_in_dim3A_368, %broadcast_in_dim3A_369 : vector<16xi1>, vector<16xf32>
      %swap3A_371 = arith.index_cast %shift_left3A_363 : i32 to index
      %swap3A_372 = tpu.vector_load %arg8[%swap3A_371] {strides = array<i32>} : memref<10112xf32, #tpu.memory_space<vmem>>, vector<16xf32>,
      %swap3A_373 = vector.shape_cast %swap3A_372 : vector<16xf32> to vector<16xf32>
      %swap3A_374 = vector.shape_cast %select_n3A_370 : vector<16xf32> to vector<16xf32>
      tpu.vector_store %arg8[%swap3A_371], %swap3A_374 {add = true, strides = array<i32>} : memref<10112xf32, #tpu.memory_space<vmem>>, vector<16xf32>,
      %slice3A_375 = vector.extract_strided_slice %get3A_56 {offsets = [9], sizes = [1], strides = [1]} : vector<16xi32> to vector<1xi32>
      %squeeze3A_376 = vector.extract %slice3A_375[0] : i32 from vector<1xi32>
      %shift_right_arithmetic3A_377 = arith.constant 4 : i32
      %shift_right_arithmetic3A_378 = arith.shrsi %squeeze3A_376, %shift_right_arithmetic3A_377 : i32
      %shift_left3A_379 = arith.constant 4 : i32
      %shift_left3A_380 = arith.shli %shift_right_arithmetic3A_378, %shift_left3A_379 : i32
      %and3A_381 = arith.constant 15 : i32
      %and3A_382 = arith.andi %squeeze3A_376, %and3A_381 : i32
      %eq3A_383 = vector.broadcast %and3A_382 : i32 to vector<16xi32>
      %eq3A_384 = arith.cmpi eq, %iota3A, %eq3A_383 : vector<16xi32>
      %broadcast_in_dim3A_385 = vector.broadcast %scan3A_8 : f32 to vector<16xf32>
      %broadcast_in_dim3A_386 = vector.broadcast %scan3A_9 : f32 to vector<16xf32>
      %select_n3A_387 = arith.select %eq3A_384, %broadcast_in_dim3A_385, %broadcast_in_dim3A_386 : vector<16xi1>, vector<16xf32>
      %swap3A_388 = arith.index_cast %shift_left3A_380 : i32 to index
      %swap3A_389 = tpu.vector_load %arg9[%swap3A_388] {strides = array<i32>} : memref<10112xf32, #tpu.memory_space<vmem>>, vector<16xf32>,
      %swap3A_390 = vector.shape_cast %swap3A_389 : vector<16xf32> to vector<16xf32>
      %swap3A_391 = vector.shape_cast %select_n3A_387 : vector<16xf32> to vector<16xf32>
      tpu.vector_store %arg9[%swap3A_388], %swap3A_391 {add = true, strides = array<i32>} : memref<10112xf32, #tpu.memory_space<vmem>>, vector<16xf32>,
      %slice3A_392 = vector.extract_strided_slice %get3A_50 {offsets = [10], sizes = [1], strides = [1]} : vector<16xi32> to vector<1xi32>
      %squeeze3A_393 = vector.extract %slice3A_392[0] : i32 from vector<1xi32>
      %shift_right_arithmetic3A_394 = arith.constant 4 : i32
      %shift_right_arithmetic3A_395 = arith.shrsi %squeeze3A_393, %shift_right_arithmetic3A_394 : i32
      %shift_left3A_396 = arith.constant 4 : i32
      %shift_left3A_397 = arith.shli %shift_right_arithmetic3A_395, %shift_left3A_396 : i32
      %and3A_398 = arith.constant 15 : i32
      %and3A_399 = arith.andi %squeeze3A_393, %and3A_398 : i32
      %eq3A_400 = vector.broadcast %and3A_399 : i32 to vector<16xi32>
      %eq3A_401 = arith.cmpi eq, %iota3A, %eq3A_400 : vector<16xi32>
      %broadcast_in_dim3A_402 = vector.broadcast %scan3A_8 : f32 to vector<16xf32>
      %broadcast_in_dim3A_403 = vector.broadcast %scan3A_9 : f32 to vector<16xf32>
      %select_n3A_404 = arith.select %eq3A_401, %broadcast_in_dim3A_402, %broadcast_in_dim3A_403 : vector<16xi1>, vector<16xf32>
      %swap3A_405 = arith.index_cast %shift_left3A_397 : i32 to index
      %swap3A_406 = tpu.vector_load %arg8[%swap3A_405] {strides = array<i32>} : memref<10112xf32, #tpu.memory_space<vmem>>, vector<16xf32>,
      %swap3A_407 = vector.shape_cast %swap3A_406 : vector<16xf32> to vector<16xf32>
      %swap3A_408 = vector.shape_cast %select_n3A_404 : vector<16xf32> to vector<16xf32>
      tpu.vector_store %arg8[%swap3A_405], %swap3A_408 {add = true, strides = array<i32>} : memref<10112xf32, #tpu.memory_space<vmem>>, vector<16xf32>,
      %slice3A_409 = vector.extract_strided_slice %get3A_56 {offsets = [10], sizes = [1], strides = [1]} : vector<16xi32> to vector<1xi32>
      %squeeze3A_410 = vector.extract %slice3A_409[0] : i32 from vector<1xi32>
      %shift_right_arithmetic3A_411 = arith.constant 4 : i32
      %shift_right_arithmetic3A_412 = arith.shrsi %squeeze3A_410, %shift_right_arithmetic3A_411 : i32
      %shift_left3A_413 = arith.constant 4 : i32
      %shift_left3A_414 = arith.shli %shift_right_arithmetic3A_412, %shift_left3A_413 : i32
      %and3A_415 = arith.constant 15 : i32
      %and3A_416 = arith.andi %squeeze3A_410, %and3A_415 : i32
      %eq3A_417 = vector.broadcast %and3A_416 : i32 to vector<16xi32>
      %eq3A_418 = arith.cmpi eq, %iota3A, %eq3A_417 : vector<16xi32>
      %broadcast_in_dim3A_419 = vector.broadcast %scan3A_8 : f32 to vector<16xf32>
      %broadcast_in_dim3A_420 = vector.broadcast %scan3A_9 : f32 to vector<16xf32>
      %select_n3A_421 = arith.select %eq3A_418, %broadcast_in_dim3A_419, %broadcast_in_dim3A_420 : vector<16xi1>, vector<16xf32>
      %swap3A_422 = arith.index_cast %shift_left3A_414 : i32 to index
      %swap3A_423 = tpu.vector_load %arg9[%swap3A_422] {strides = array<i32>} : memref<10112xf32, #tpu.memory_space<vmem>>, vector<16xf32>,
      %swap3A_424 = vector.shape_cast %swap3A_423 : vector<16xf32> to vector<16xf32>
      %swap3A_425 = vector.shape_cast %select_n3A_421 : vector<16xf32> to vector<16xf32>
      tpu.vector_store %arg9[%swap3A_422], %swap3A_425 {add = true, strides = array<i32>} : memref<10112xf32, #tpu.memory_space<vmem>>, vector<16xf32>,
      %slice3A_426 = vector.extract_strided_slice %get3A_50 {offsets = [11], sizes = [1], strides = [1]} : vector<16xi32> to vector<1xi32>
      %squeeze3A_427 = vector.extract %slice3A_426[0] : i32 from vector<1xi32>
      %shift_right_arithmetic3A_428 = arith.constant 4 : i32
      %shift_right_arithmetic3A_429 = arith.shrsi %squeeze3A_427, %shift_right_arithmetic3A_428 : i32
      %shift_left3A_430 = arith.constant 4 : i32
      %shift_left3A_431 = arith.shli %shift_right_arithmetic3A_429, %shift_left3A_430 : i32
      %and3A_432 = arith.constant 15 : i32
      %and3A_433 = arith.andi %squeeze3A_427, %and3A_432 : i32
      %eq3A_434 = vector.broadcast %and3A_433 : i32 to vector<16xi32>
      %eq3A_435 = arith.cmpi eq, %iota3A, %eq3A_434 : vector<16xi32>
      %broadcast_in_dim3A_436 = vector.broadcast %scan3A_8 : f32 to vector<16xf32>
      %broadcast_in_dim3A_437 = vector.broadcast %scan3A_9 : f32 to vector<16xf32>
      %select_n3A_438 = arith.select %eq3A_435, %broadcast_in_dim3A_436, %broadcast_in_dim3A_437 : vector<16xi1>, vector<16xf32>
      %swap3A_439 = arith.index_cast %shift_left3A_431 : i32 to index
      %swap3A_440 = tpu.vector_load %arg8[%swap3A_439] {strides = array<i32>} : memref<10112xf32, #tpu.memory_space<vmem>>, vector<16xf32>,
      %swap3A_441 = vector.shape_cast %swap3A_440 : vector<16xf32> to vector<16xf32>
      %swap3A_442 = vector.shape_cast %select_n3A_438 : vector<16xf32> to vector<16xf32>
      tpu.vector_store %arg8[%swap3A_439], %swap3A_442 {add = true, strides = array<i32>} : memref<10112xf32, #tpu.memory_space<vmem>>, vector<16xf32>,
      %slice3A_443 = vector.extract_strided_slice %get3A_56 {offsets = [11], sizes = [1], strides = [1]} : vector<16xi32> to vector<1xi32>
      %squeeze3A_444 = vector.extract %slice3A_443[0] : i32 from vector<1xi32>
      %shift_right_arithmetic3A_445 = arith.constant 4 : i32
      %shift_right_arithmetic3A_446 = arith.shrsi %squeeze3A_444, %shift_right_arithmetic3A_445 : i32
      %shift_left3A_447 = arith.constant 4 : i32
      %shift_left3A_448 = arith.shli %shift_right_arithmetic3A_446, %shift_left3A_447 : i32
      %and3A_449 = arith.constant 15 : i32
      %and3A_450 = arith.andi %squeeze3A_444, %and3A_449 : i32
      %eq3A_451 = vector.broadcast %and3A_450 : i32 to vector<16xi32>
      %eq3A_452 = arith.cmpi eq, %iota3A, %eq3A_451 : vector<16xi32>
      %broadcast_in_dim3A_453 = vector.broadcast %scan3A_8 : f32 to vector<16xf32>
      %broadcast_in_dim3A_454 = vector.broadcast %scan3A_9 : f32 to vector<16xf32>
      %select_n3A_455 = arith.select %eq3A_452, %broadcast_in_dim3A_453, %broadcast_in_dim3A_454 : vector<16xi1>, vector<16xf32>
      %swap3A_456 = arith.index_cast %shift_left3A_448 : i32 to index
      %swap3A_457 = tpu.vector_load %arg9[%swap3A_456] {strides = array<i32>} : memref<10112xf32, #tpu.memory_space<vmem>>, vector<16xf32>,
      %swap3A_458 = vector.shape_cast %swap3A_457 : vector<16xf32> to vector<16xf32>
      %swap3A_459 = vector.shape_cast %select_n3A_455 : vector<16xf32> to vector<16xf32>
      tpu.vector_store %arg9[%swap3A_456], %swap3A_459 {add = true, strides = array<i32>} : memref<10112xf32, #tpu.memory_space<vmem>>, vector<16xf32>,
      %slice3A_460 = vector.extract_strided_slice %get3A_50 {offsets = [12], sizes = [1], strides = [1]} : vector<16xi32> to vector<1xi32>
      %squeeze3A_461 = vector.extract %slice3A_460[0] : i32 from vector<1xi32>
      %shift_right_arithmetic3A_462 = arith.constant 4 : i32
      %shift_right_arithmetic3A_463 = arith.shrsi %squeeze3A_461, %shift_right_arithmetic3A_462 : i32
      %shift_left3A_464 = arith.constant 4 : i32
      %shift_left3A_465 = arith.shli %shift_right_arithmetic3A_463, %shift_left3A_464 : i32
      %and3A_466 = arith.constant 15 : i32
      %and3A_467 = arith.andi %squeeze3A_461, %and3A_466 : i32
      %eq3A_468 = vector.broadcast %and3A_467 : i32 to vector<16xi32>
      %eq3A_469 = arith.cmpi eq, %iota3A, %eq3A_468 : vector<16xi32>
      %broadcast_in_dim3A_470 = vector.broadcast %scan3A_8 : f32 to vector<16xf32>
      %broadcast_in_dim3A_471 = vector.broadcast %scan3A_9 : f32 to vector<16xf32>
      %select_n3A_472 = arith.select %eq3A_469, %broadcast_in_dim3A_470, %broadcast_in_dim3A_471 : vector<16xi1>, vector<16xf32>
      %swap3A_473 = arith.index_cast %shift_left3A_465 : i32 to index
      %swap3A_474 = tpu.vector_load %arg8[%swap3A_473] {strides = array<i32>} : memref<10112xf32, #tpu.memory_space<vmem>>, vector<16xf32>,
      %swap3A_475 = vector.shape_cast %swap3A_474 : vector<16xf32> to vector<16xf32>
      %swap3A_476 = vector.shape_cast %select_n3A_472 : vector<16xf32> to vector<16xf32>
      tpu.vector_store %arg8[%swap3A_473], %swap3A_476 {add = true, strides = array<i32>} : memref<10112xf32, #tpu.memory_space<vmem>>, vector<16xf32>,
      %slice3A_477 = vector.extract_strided_slice %get3A_56 {offsets = [12], sizes = [1], strides = [1]} : vector<16xi32> to vector<1xi32>
      %squeeze3A_478 = vector.extract %slice3A_477[0] : i32 from vector<1xi32>
      %shift_right_arithmetic3A_479 = arith.constant 4 : i32
      %shift_right_arithmetic3A_480 = arith.shrsi %squeeze3A_478, %shift_right_arithmetic3A_479 : i32
      %shift_left3A_481 = arith.constant 4 : i32
      %shift_left3A_482 = arith.shli %shift_right_arithmetic3A_480, %shift_left3A_481 : i32
      %and3A_483 = arith.constant 15 : i32
      %and3A_484 = arith.andi %squeeze3A_478, %and3A_483 : i32
      %eq3A_485 = vector.broadcast %and3A_484 : i32 to vector<16xi32>
      %eq3A_486 = arith.cmpi eq, %iota3A, %eq3A_485 : vector<16xi32>
      %broadcast_in_dim3A_487 = vector.broadcast %scan3A_8 : f32 to vector<16xf32>
      %broadcast_in_dim3A_488 = vector.broadcast %scan3A_9 : f32 to vector<16xf32>
      %select_n3A_489 = arith.select %eq3A_486, %broadcast_in_dim3A_487, %broadcast_in_dim3A_488 : vector<16xi1>, vector<16xf32>
      %swap3A_490 = arith.index_cast %shift_left3A_482 : i32 to index
      %swap3A_491 = tpu.vector_load %arg9[%swap3A_490] {strides = array<i32>} : memref<10112xf32, #tpu.memory_space<vmem>>, vector<16xf32>,
      %swap3A_492 = vector.shape_cast %swap3A_491 : vector<16xf32> to vector<16xf32>
      %swap3A_493 = vector.shape_cast %select_n3A_489 : vector<16xf32> to vector<16xf32>
      tpu.vector_store %arg9[%swap3A_490], %swap3A_493 {add = true, strides = array<i32>} : memref<10112xf32, #tpu.memory_space<vmem>>, vector<16xf32>,
      %slice3A_494 = vector.extract_strided_slice %get3A_50 {offsets = [13], sizes = [1], strides = [1]} : vector<16xi32> to vector<1xi32>
      %squeeze3A_495 = vector.extract %slice3A_494[0] : i32 from vector<1xi32>
      %shift_right_arithmetic3A_496 = arith.constant 4 : i32
      %shift_right_arithmetic3A_497 = arith.shrsi %squeeze3A_495, %shift_right_arithmetic3A_496 : i32
      %shift_left3A_498 = arith.constant 4 : i32
      %shift_left3A_499 = arith.shli %shift_right_arithmetic3A_497, %shift_left3A_498 : i32
      %and3A_500 = arith.constant 15 : i32
      %and3A_501 = arith.andi %squeeze3A_495, %and3A_500 : i32
      %eq3A_502 = vector.broadcast %and3A_501 : i32 to vector<16xi32>
      %eq3A_503 = arith.cmpi eq, %iota3A, %eq3A_502 : vector<16xi32>
      %broadcast_in_dim3A_504 = vector.broadcast %scan3A_8 : f32 to vector<16xf32>
      %broadcast_in_dim3A_505 = vector.broadcast %scan3A_9 : f32 to vector<16xf32>
      %select_n3A_506 = arith.select %eq3A_503, %broadcast_in_dim3A_504, %broadcast_in_dim3A_505 : vector<16xi1>, vector<16xf32>
      %swap3A_507 = arith.index_cast %shift_left3A_499 : i32 to index
      %swap3A_508 = tpu.vector_load %arg8[%swap3A_507] {strides = array<i32>} : memref<10112xf32, #tpu.memory_space<vmem>>, vector<16xf32>,
      %swap3A_509 = vector.shape_cast %swap3A_508 : vector<16xf32> to vector<16xf32>
      %swap3A_510 = vector.shape_cast %select_n3A_506 : vector<16xf32> to vector<16xf32>
      tpu.vector_store %arg8[%swap3A_507], %swap3A_510 {add = true, strides = array<i32>} : memref<10112xf32, #tpu.memory_space<vmem>>, vector<16xf32>,
      %slice3A_511 = vector.extract_strided_slice %get3A_56 {offsets = [13], sizes = [1], strides = [1]} : vector<16xi32> to vector<1xi32>
      %squeeze3A_512 = vector.extract %slice3A_511[0] : i32 from vector<1xi32>
      %shift_right_arithmetic3A_513 = arith.constant 4 : i32
      %shift_right_arithmetic3A_514 = arith.shrsi %squeeze3A_512, %shift_right_arithmetic3A_513 : i32
      %shift_left3A_515 = arith.constant 4 : i32
      %shift_left3A_516 = arith.shli %shift_right_arithmetic3A_514, %shift_left3A_515 : i32
      %and3A_517 = arith.constant 15 : i32
      %and3A_518 = arith.andi %squeeze3A_512, %and3A_517 : i32
      %eq3A_519 = vector.broadcast %and3A_518 : i32 to vector<16xi32>
      %eq3A_520 = arith.cmpi eq, %iota3A, %eq3A_519 : vector<16xi32>
      %broadcast_in_dim3A_521 = vector.broadcast %scan3A_8 : f32 to vector<16xf32>
      %broadcast_in_dim3A_522 = vector.broadcast %scan3A_9 : f32 to vector<16xf32>
      %select_n3A_523 = arith.select %eq3A_520, %broadcast_in_dim3A_521, %broadcast_in_dim3A_522 : vector<16xi1>, vector<16xf32>
      %swap3A_524 = arith.index_cast %shift_left3A_516 : i32 to index
      %swap3A_525 = tpu.vector_load %arg9[%swap3A_524] {strides = array<i32>} : memref<10112xf32, #tpu.memory_space<vmem>>, vector<16xf32>,
      %swap3A_526 = vector.shape_cast %swap3A_525 : vector<16xf32> to vector<16xf32>
      %swap3A_527 = vector.shape_cast %select_n3A_523 : vector<16xf32> to vector<16xf32>
      tpu.vector_store %arg9[%swap3A_524], %swap3A_527 {add = true, strides = array<i32>} : memref<10112xf32, #tpu.memory_space<vmem>>, vector<16xf32>,
      %slice3A_528 = vector.extract_strided_slice %get3A_50 {offsets = [14], sizes = [1], strides = [1]} : vector<16xi32> to vector<1xi32>
      %squeeze3A_529 = vector.extract %slice3A_528[0] : i32 from vector<1xi32>
      %shift_right_arithmetic3A_530 = arith.constant 4 : i32
      %shift_right_arithmetic3A_531 = arith.shrsi %squeeze3A_529, %shift_right_arithmetic3A_530 : i32
      %shift_left3A_532 = arith.constant 4 : i32
      %shift_left3A_533 = arith.shli %shift_right_arithmetic3A_531, %shift_left3A_532 : i32
      %and3A_534 = arith.constant 15 : i32
      %and3A_535 = arith.andi %squeeze3A_529, %and3A_534 : i32
      %eq3A_536 = vector.broadcast %and3A_535 : i32 to vector<16xi32>
      %eq3A_537 = arith.cmpi eq, %iota3A, %eq3A_536 : vector<16xi32>
      %broadcast_in_dim3A_538 = vector.broadcast %scan3A_8 : f32 to vector<16xf32>
      %broadcast_in_dim3A_539 = vector.broadcast %scan3A_9 : f32 to vector<16xf32>
      %select_n3A_540 = arith.select %eq3A_537, %broadcast_in_dim3A_538, %broadcast_in_dim3A_539 : vector<16xi1>, vector<16xf32>
      %swap3A_541 = arith.index_cast %shift_left3A_533 : i32 to index
      %swap3A_542 = tpu.vector_load %arg8[%swap3A_541] {strides = array<i32>} : memref<10112xf32, #tpu.memory_space<vmem>>, vector<16xf32>,
      %swap3A_543 = vector.shape_cast %swap3A_542 : vector<16xf32> to vector<16xf32>
      %swap3A_544 = vector.shape_cast %select_n3A_540 : vector<16xf32> to vector<16xf32>
      tpu.vector_store %arg8[%swap3A_541], %swap3A_544 {add = true, strides = array<i32>} : memref<10112xf32, #tpu.memory_space<vmem>>, vector<16xf32>,
      %slice3A_545 = vector.extract_strided_slice %get3A_56 {offsets = [14], sizes = [1], strides = [1]} : vector<16xi32> to vector<1xi32>
      %squeeze3A_546 = vector.extract %slice3A_545[0] : i32 from vector<1xi32>
      %shift_right_arithmetic3A_547 = arith.constant 4 : i32
      %shift_right_arithmetic3A_548 = arith.shrsi %squeeze3A_546, %shift_right_arithmetic3A_547 : i32
      %shift_left3A_549 = arith.constant 4 : i32
      %shift_left3A_550 = arith.shli %shift_right_arithmetic3A_548, %shift_left3A_549 : i32
      %and3A_551 = arith.constant 15 : i32
      %and3A_552 = arith.andi %squeeze3A_546, %and3A_551 : i32
      %eq3A_553 = vector.broadcast %and3A_552 : i32 to vector<16xi32>
      %eq3A_554 = arith.cmpi eq, %iota3A, %eq3A_553 : vector<16xi32>
      %broadcast_in_dim3A_555 = vector.broadcast %scan3A_8 : f32 to vector<16xf32>
      %broadcast_in_dim3A_556 = vector.broadcast %scan3A_9 : f32 to vector<16xf32>
      %select_n3A_557 = arith.select %eq3A_554, %broadcast_in_dim3A_555, %broadcast_in_dim3A_556 : vector<16xi1>, vector<16xf32>
      %swap3A_558 = arith.index_cast %shift_left3A_550 : i32 to index
      %swap3A_559 = tpu.vector_load %arg9[%swap3A_558] {strides = array<i32>} : memref<10112xf32, #tpu.memory_space<vmem>>, vector<16xf32>,
      %swap3A_560 = vector.shape_cast %swap3A_559 : vector<16xf32> to vector<16xf32>
      %swap3A_561 = vector.shape_cast %select_n3A_557 : vector<16xf32> to vector<16xf32>
      tpu.vector_store %arg9[%swap3A_558], %swap3A_561 {add = true, strides = array<i32>} : memref<10112xf32, #tpu.memory_space<vmem>>, vector<16xf32>,
      %slice3A_562 = vector.extract_strided_slice %get3A_50 {offsets = [15], sizes = [1], strides = [1]} : vector<16xi32> to vector<1xi32>
      %squeeze3A_563 = vector.extract %slice3A_562[0] : i32 from vector<1xi32>
      %shift_right_arithmetic3A_564 = arith.constant 4 : i32
      %shift_right_arithmetic3A_565 = arith.shrsi %squeeze3A_563, %shift_right_arithmetic3A_564 : i32
      %shift_left3A_566 = arith.constant 4 : i32
      %shift_left3A_567 = arith.shli %shift_right_arithmetic3A_565, %shift_left3A_566 : i32
      %and3A_568 = arith.constant 15 : i32
      %and3A_569 = arith.andi %squeeze3A_563, %and3A_568 : i32
      %eq3A_570 = vector.broadcast %and3A_569 : i32 to vector<16xi32>
      %eq3A_571 = arith.cmpi eq, %iota3A, %eq3A_570 : vector<16xi32>
      %broadcast_in_dim3A_572 = vector.broadcast %scan3A_8 : f32 to vector<16xf32>
      %broadcast_in_dim3A_573 = vector.broadcast %scan3A_9 : f32 to vector<16xf32>
      %select_n3A_574 = arith.select %eq3A_571, %broadcast_in_dim3A_572, %broadcast_in_dim3A_573 : vector<16xi1>, vector<16xf32>
      %swap3A_575 = arith.index_cast %shift_left3A_567 : i32 to index
      %swap3A_576 = tpu.vector_load %arg8[%swap3A_575] {strides = array<i32>} : memref<10112xf32, #tpu.memory_space<vmem>>, vector<16xf32>,
      %swap3A_577 = vector.shape_cast %swap3A_576 : vector<16xf32> to vector<16xf32>
      %swap3A_578 = vector.shape_cast %select_n3A_574 : vector<16xf32> to vector<16xf32>
      tpu.vector_store %arg8[%swap3A_575], %swap3A_578 {add = true, strides = array<i32>} : memref<10112xf32, #tpu.memory_space<vmem>>, vector<16xf32>,
      %slice3A_579 = vector.extract_strided_slice %get3A_56 {offsets = [15], sizes = [1], strides = [1]} : vector<16xi32> to vector<1xi32>
      %squeeze3A_580 = vector.extract %slice3A_579[0] : i32 from vector<1xi32>
      %shift_right_arithmetic3A_581 = arith.constant 4 : i32
      %shift_right_arithmetic3A_582 = arith.shrsi %squeeze3A_580, %shift_right_arithmetic3A_581 : i32
      %shift_left3A_583 = arith.constant 4 : i32
      %shift_left3A_584 = arith.shli %shift_right_arithmetic3A_582, %shift_left3A_583 : i32
      %and3A_585 = arith.constant 15 : i32
      %and3A_586 = arith.andi %squeeze3A_580, %and3A_585 : i32
      %eq3A_587 = vector.broadcast %and3A_586 : i32 to vector<16xi32>
      %eq3A_588 = arith.cmpi eq, %iota3A, %eq3A_587 : vector<16xi32>
      %broadcast_in_dim3A_589 = vector.broadcast %scan3A_8 : f32 to vector<16xf32>
      %broadcast_in_dim3A_590 = vector.broadcast %scan3A_9 : f32 to vector<16xf32>
      %select_n3A_591 = arith.select %eq3A_588, %broadcast_in_dim3A_589, %broadcast_in_dim3A_590 : vector<16xi1>, vector<16xf32>
      %swap3A_592 = arith.index_cast %shift_left3A_584 : i32 to index
      %swap3A_593 = tpu.vector_load %arg9[%swap3A_592] {strides = array<i32>} : memref<10112xf32, #tpu.memory_space<vmem>>, vector<16xf32>,
      %swap3A_594 = vector.shape_cast %swap3A_593 : vector<16xf32> to vector<16xf32>
      %swap3A_595 = vector.shape_cast %select_n3A_591 : vector<16xf32> to vector<16xf32>
      tpu.vector_store %arg9[%swap3A_592], %swap3A_595 {add = true, strides = array<i32>} : memref<10112xf32, #tpu.memory_space<vmem>>, vector<16xf32>,
    }
    %scan3A_14 = arith.constant 632 : i32
    "tpu.region"() ({
      %run_scoped3A = tpu.sem_alloc : memref<!tpu.dma_semaphore, #tpu.memory_space<semaphore_mem>>
      %dma_start3A = arith.constant 0 : i32
      %dma_start3A_15 = tpu.memref_slice %arg4[%add3A, %dma_start3A] : memref<32x10112xf32, #tpu.memory_space<hbm>> -> memref<1x10112xf32, #tpu.memory_space<hbm>>
      %dma_start3A_16 = tpu.memref_squeeze %dma_start3A_15 : memref<1x10112xf32, #tpu.memory_space<hbm>> -> memref<10112xf32, #tpu.memory_space<hbm>>
      %dma_start3A_17 = arith.constant 0 : i32
      %dma_start3A_18 = tpu.memref_slice %arg4[%add3A, %dma_start3A_17] : memref<32x10112xf32, #tpu.memory_space<hbm>> -> memref<1x10112xf32, #tpu.memory_space<hbm>>
      %dma_start3A_19 = tpu.memref_squeeze %dma_start3A_18 : memref<1x10112xf32, #tpu.memory_space<hbm>> -> memref<10112xf32, #tpu.memory_space<hbm>>
      tpu.enqueue_dma source(%arg8 : memref<10112xf32, #tpu.memory_space<vmem>>) target(%dma_start3A_19 : memref<10112xf32, #tpu.memory_space<hbm>>) target_semaphore(%run_scoped3A : memref<!tpu.dma_semaphore, #tpu.memory_space<semaphore_mem>>)
      %dma_wait3A = arith.constant 0 : i32
      %dma_wait3A_20 = tpu.memref_slice %arg4[%add3A, %dma_wait3A] : memref<32x10112xf32, #tpu.memory_space<hbm>> -> memref<1x10112xf32, #tpu.memory_space<hbm>>
      %dma_wait3A_21 = tpu.memref_squeeze %dma_wait3A_20 : memref<1x10112xf32, #tpu.memory_space<hbm>> -> memref<10112xf32, #tpu.memory_space<hbm>>
      %dma_wait3A_22 = arith.constant 0 : i32
      %dma_wait3A_23 = tpu.memref_slice %arg4[%add3A, %dma_wait3A_22] : memref<32x10112xf32, #tpu.memory_space<hbm>> -> memref<1x10112xf32, #tpu.memory_space<hbm>>
      %dma_wait3A_24 = tpu.memref_squeeze %dma_wait3A_23 : memref<1x10112xf32, #tpu.memory_space<hbm>> -> memref<10112xf32, #tpu.memory_space<hbm>>
      tpu.wait_dma2 semaphore(%run_scoped3A : memref<!tpu.dma_semaphore, #tpu.memory_space<semaphore_mem>>) src(%arg8 : memref<10112xf32, #tpu.memory_space<vmem>>) dst(%dma_wait3A_24 : memref<10112xf32, #tpu.memory_space<hbm>>)
      tpu.yield
    }) : () -> ()
    "tpu.region"() ({
      %run_scoped3A = tpu.sem_alloc : memref<!tpu.dma_semaphore, #tpu.memory_space<semaphore_mem>>
      %dma_start3A = arith.constant 0 : i32
      %dma_start3A_15 = tpu.memref_slice %arg5[%add3A, %dma_start3A] : memref<32x10112xf32, #tpu.memory_space<hbm>> -> memref<1x10112xf32, #tpu.memory_space<hbm>>
      %dma_start3A_16 = tpu.memref_squeeze %dma_start3A_15 : memref<1x10112xf32, #tpu.memory_space<hbm>> -> memref<10112xf32, #tpu.memory_space<hbm>>
      %dma_start3A_17 = arith.constant 0 : i32
      %dma_start3A_18 = tpu.memref_slice %arg5[%add3A, %dma_start3A_17] : memref<32x10112xf32, #tpu.memory_space<hbm>> -> memref<1x10112xf32, #tpu.memory_space<hbm>>
      %dma_start3A_19 = tpu.memref_squeeze %dma_start3A_18 : memref<1x10112xf32, #tpu.memory_space<hbm>> -> memref<10112xf32, #tpu.memory_space<hbm>>
      tpu.enqueue_dma source(%arg9 : memref<10112xf32, #tpu.memory_space<vmem>>) target(%dma_start3A_19 : memref<10112xf32, #tpu.memory_space<hbm>>) target_semaphore(%run_scoped3A : memref<!tpu.dma_semaphore, #tpu.memory_space<semaphore_mem>>)
      %dma_wait3A = arith.constant 0 : i32
      %dma_wait3A_20 = tpu.memref_slice %arg5[%add3A, %dma_wait3A] : memref<32x10112xf32, #tpu.memory_space<hbm>> -> memref<1x10112xf32, #tpu.memory_space<hbm>>
      %dma_wait3A_21 = tpu.memref_squeeze %dma_wait3A_20 : memref<1x10112xf32, #tpu.memory_space<hbm>> -> memref<10112xf32, #tpu.memory_space<hbm>>
      %dma_wait3A_22 = arith.constant 0 : i32
      %dma_wait3A_23 = tpu.memref_slice %arg5[%add3A, %dma_wait3A_22] : memref<32x10112xf32, #tpu.memory_space<hbm>> -> memref<1x10112xf32, #tpu.memory_space<hbm>>
      %dma_wait3A_24 = tpu.memref_squeeze %dma_wait3A_23 : memref<1x10112xf32, #tpu.memory_space<hbm>> -> memref<10112xf32, #tpu.memory_space<hbm>>
      tpu.wait_dma2 semaphore(%run_scoped3A : memref<!tpu.dma_semaphore, #tpu.memory_space<semaphore_mem>>) src(%arg9 : memref<10112xf32, #tpu.memory_space<vmem>>) dst(%dma_wait3A_24 : memref<10112xf32, #tpu.memory_space<hbm>>)
      tpu.yield
    }) : () -> ()
    return
  }
}

#map = affine_map<(d0, d1) -> (0, 0)>
#map1 = affine_map<(d0, d1) -> (0, 0, 0)>
module attributes {stable_mosaic.version = 14 : i64} {
  func.func @sc_acc_10000(%arg0: i32, %arg1: i32, %arg2: memref<10000x128xf32, #tpu.memory_space<hbm>>, %arg3: memref<32x128x128xi32, #tpu.memory_space<hbm>>, %arg4: memref<32x128x128xi32, #tpu.memory_space<hbm>>, %arg5: memref<632x128xf32, #tpu.memory_space<hbm>>, %arg6: memref<2x10112x128xf32, #tpu.memory_space<hbm>>, %arg7: memref<128x128xi32, #tpu.memory_space<vmem>>, %arg8: memref<128xi32, #tpu.memory_space<vmem>>, %arg9: memref<128xi32, #tpu.memory_space<vmem>>, %arg10: memref<128x128xf32, #tpu.memory_space<vmem>>, %arg11: memref<128x128xf32, #tpu.memory_space<vmem>>, %arg12: memref<10112x128xf32, #tpu.memory_space<vmem_shared>>, %arg13: memref<!tpu.dma_semaphore, #tpu.memory_space<semaphore_mem>>, %arg14: memref<!tpu.dma_semaphore, #tpu.memory_space<semaphore_mem>>, %arg15: memref<!tpu.dma_semaphore, #tpu.memory_space<semaphore_mem>>, %arg16: memref<!tpu.dma_semaphore, #tpu.memory_space<semaphore_mem>>) attributes {dimension_semantics = [#tpu.dimension_semantics<core_parallel>, #tpu.dimension_semantics<subcore_parallel>], iteration_bounds = array<i64: 2, 16>, scalar_prefetch = 0 : i64, scratch_operands = 10 : i64, tpu.core_type = #tpu.core_type<sc_vector_subcore>, window_params = [{transform_indices = #map}, {transform_indices = #map1}, {transform_indices = #map1}, {transform_indices = #map}, {transform_indices = #map1}]} {
    %mul3A = arith.constant 16 : i32
    %mul3A_0 = arith.muli %arg0, %mul3A : i32
    %add3A = arith.addi %mul3A_0, %arg1 : i32
    %eq3A = arith.constant 0 : i32
    %eq3A_1 = arith.cmpi eq, %arg0, %eq3A : i32
    %jit3A = arith.constant 128 : i32
    %jit3A_2 = arith.constant 30 : i32
    %select_n3A = arith.select %eq3A_1, %jit3A, %jit3A_2 : i32
    %mul3A_3 = arith.constant 632 : i32
    %mul3A_4 = arith.muli %arg1, %mul3A_3 : i32
    "tpu.region"() ({
      %run_scoped3A_46 = tpu.sem_alloc : memref<!tpu.dma_semaphore, #tpu.memory_space<semaphore_mem>>
      %dma_start3A_47 = arith.constant 0 : i32
      %dma_start3A_48 = tpu.memref_slice %arg12[%mul3A_4, %dma_start3A_47] : memref<10112x128xf32, #tpu.memory_space<vmem_shared>> -> memref<632x128xf32, #tpu.memory_space<vmem_shared>>
      tpu.enqueue_dma source(%arg5 : memref<632x128xf32, #tpu.memory_space<hbm>>) target(%dma_start3A_48 : memref<632x128xf32, #tpu.memory_space<vmem_shared>>) target_semaphore(%run_scoped3A_46 : memref<!tpu.dma_semaphore, #tpu.memory_space<semaphore_mem>>)
      %dma_wait3A = arith.constant 0 : i32
      %dma_wait3A_49 = tpu.memref_slice %arg12[%mul3A_4, %dma_wait3A] : memref<10112x128xf32, #tpu.memory_space<vmem_shared>> -> memref<632x128xf32, #tpu.memory_space<vmem_shared>>
      tpu.wait_dma2 semaphore(%run_scoped3A_46 : memref<!tpu.dma_semaphore, #tpu.memory_space<semaphore_mem>>) src(%arg5 : memref<632x128xf32, #tpu.memory_space<hbm>>) dst(%dma_wait3A_49 : memref<632x128xf32, #tpu.memory_space<vmem_shared>>)
      tpu.yield
    }) : () -> ()
    "tpu.region"() ({
      %run_scoped3A_46 = tpu.sem_alloc : memref<!tpu.dma_semaphore, #tpu.memory_space<semaphore_mem>>
      %dma_start3A_47 = arith.constant 0 : i32
      %dma_start3A_48 = arith.constant 0 : i32
      %dma_start3A_49 = tpu.memref_slice %arg4[%add3A, %dma_start3A_47, %dma_start3A_48] : memref<32x128x128xi32, #tpu.memory_space<hbm>> -> memref<1x128x128xi32, #tpu.memory_space<hbm>>
      %dma_start3A_50 = tpu.memref_squeeze %dma_start3A_49 : memref<1x128x128xi32, #tpu.memory_space<hbm>> -> memref<128x128xi32, #tpu.memory_space<hbm>>
      %dma_start3A_51 = arith.constant 0 : i32
      %dma_start3A_52 = arith.constant 0 : i32
      %dma_start3A_53 = tpu.memref_slice %arg4[%add3A, %dma_start3A_51, %dma_start3A_52] : memref<32x128x128xi32, #tpu.memory_space<hbm>> -> memref<1x128x128xi32, #tpu.memory_space<hbm>>
      %dma_start3A_54 = tpu.memref_squeeze %dma_start3A_53 : memref<1x128x128xi32, #tpu.memory_space<hbm>> -> memref<128x128xi32, #tpu.memory_space<hbm>>
      tpu.enqueue_dma source(%dma_start3A_54 : memref<128x128xi32, #tpu.memory_space<hbm>>) target(%arg7 : memref<128x128xi32, #tpu.memory_space<vmem>>) target_semaphore(%run_scoped3A_46 : memref<!tpu.dma_semaphore, #tpu.memory_space<semaphore_mem>>)
      %dma_wait3A = arith.constant 0 : i32
      %dma_wait3A_55 = arith.constant 0 : i32
      %dma_wait3A_56 = tpu.memref_slice %arg4[%add3A, %dma_wait3A, %dma_wait3A_55] : memref<32x128x128xi32, #tpu.memory_space<hbm>> -> memref<1x128x128xi32, #tpu.memory_space<hbm>>
      %dma_wait3A_57 = tpu.memref_squeeze %dma_wait3A_56 : memref<1x128x128xi32, #tpu.memory_space<hbm>> -> memref<128x128xi32, #tpu.memory_space<hbm>>
      %dma_wait3A_58 = arith.constant 0 : i32
      %dma_wait3A_59 = arith.constant 0 : i32
      %dma_wait3A_60 = tpu.memref_slice %arg4[%add3A, %dma_wait3A_58, %dma_wait3A_59] : memref<32x128x128xi32, #tpu.memory_space<hbm>> -> memref<1x128x128xi32, #tpu.memory_space<hbm>>
      %dma_wait3A_61 = tpu.memref_squeeze %dma_wait3A_60 : memref<1x128x128xi32, #tpu.memory_space<hbm>> -> memref<128x128xi32, #tpu.memory_space<hbm>>
      tpu.wait_dma2 semaphore(%run_scoped3A_46 : memref<!tpu.dma_semaphore, #tpu.memory_space<semaphore_mem>>) src(%dma_wait3A_61 : memref<128x128xi32, #tpu.memory_space<hbm>>) dst(%arg7 : memref<128x128xi32, #tpu.memory_space<vmem>>)
      tpu.yield
    }) : () -> ()
    %barrier3A = arith.constant 0 : index
    tpu.barrier barrier_id(%barrier3A)
    %run_scoped3A = arith.constant 0 : i32
    "tpu.region"() ({
      %run_scoped3A_46 = tpu.sem_alloc : memref<!tpu.dma_semaphore, #tpu.memory_space<semaphore_mem>>
      %dma_start3A_47 = arith.constant 0 : i32
      %dma_start3A_48 = tpu.memref_slice %arg3[%add3A, %run_scoped3A, %dma_start3A_47] : memref<32x128x128xi32, #tpu.memory_space<hbm>> -> memref<1x1x128xi32, #tpu.memory_space<hbm>>
      %dma_start3A_49 = tpu.memref_squeeze %dma_start3A_48 : memref<1x1x128xi32, #tpu.memory_space<hbm>> -> memref<128xi32, #tpu.memory_space<hbm>>
      %dma_start3A_50 = arith.constant 0 : i32
      %dma_start3A_51 = tpu.memref_slice %arg3[%add3A, %run_scoped3A, %dma_start3A_50] : memref<32x128x128xi32, #tpu.memory_space<hbm>> -> memref<1x1x128xi32, #tpu.memory_space<hbm>>
      %dma_start3A_52 = tpu.memref_squeeze %dma_start3A_51 : memref<1x1x128xi32, #tpu.memory_space<hbm>> -> memref<128xi32, #tpu.memory_space<hbm>>
      tpu.enqueue_dma source(%dma_start3A_52 : memref<128xi32, #tpu.memory_space<hbm>>) target(%arg8 : memref<128xi32, #tpu.memory_space<vmem>>) target_semaphore(%run_scoped3A_46 : memref<!tpu.dma_semaphore, #tpu.memory_space<semaphore_mem>>)
      %dma_wait3A = arith.constant 0 : i32
      %dma_wait3A_53 = tpu.memref_slice %arg3[%add3A, %run_scoped3A, %dma_wait3A] : memref<32x128x128xi32, #tpu.memory_space<hbm>> -> memref<1x1x128xi32, #tpu.memory_space<hbm>>
      %dma_wait3A_54 = tpu.memref_squeeze %dma_wait3A_53 : memref<1x1x128xi32, #tpu.memory_space<hbm>> -> memref<128xi32, #tpu.memory_space<hbm>>
      %dma_wait3A_55 = arith.constant 0 : i32
      %dma_wait3A_56 = tpu.memref_slice %arg3[%add3A, %run_scoped3A, %dma_wait3A_55] : memref<32x128x128xi32, #tpu.memory_space<hbm>> -> memref<1x1x128xi32, #tpu.memory_space<hbm>>
      %dma_wait3A_57 = tpu.memref_squeeze %dma_wait3A_56 : memref<1x1x128xi32, #tpu.memory_space<hbm>> -> memref<128xi32, #tpu.memory_space<hbm>>
      tpu.wait_dma2 semaphore(%run_scoped3A_46 : memref<!tpu.dma_semaphore, #tpu.memory_space<semaphore_mem>>) src(%dma_wait3A_57 : memref<128xi32, #tpu.memory_space<hbm>>) dst(%arg8 : memref<128xi32, #tpu.memory_space<vmem>>)
      tpu.yield
    }) : () -> ()
    %dma_start3A = arith.constant 0 : i32
    %dma_start3A_5 = arith.constant 0 : i32
    %dma_start3A_6 = tpu.memref_slice %arg2[%dma_start3A, %dma_start3A_5] : memref<10000x128xf32, #tpu.memory_space<hbm>> -> memref<10000x128xf32, #tpu.memory_space<hbm>>
    tpu.enqueue_indirect_dma source(%dma_start3A_6 : memref<10000x128xf32, #tpu.memory_space<hbm>>) target(%arg10 : memref<128x128xf32, #tpu.memory_space<vmem>>) offsets(%arg8 : memref<128xi32, #tpu.memory_space<vmem>>) semaphore(%arg13 : memref<!tpu.dma_semaphore, #tpu.memory_space<semaphore_mem>>)
    %dma_start3A_7 = arith.constant 1 : i32
    %dma_start3A_8 = arith.constant 0 : i32
    %dma_start3A_9 = tpu.memref_slice %arg3[%add3A, %dma_start3A_7, %dma_start3A_8] : memref<32x128x128xi32, #tpu.memory_space<hbm>> -> memref<1x1x128xi32, #tpu.memory_space<hbm>>
    %dma_start3A_10 = tpu.memref_squeeze %dma_start3A_9 : memref<1x1x128xi32, #tpu.memory_space<hbm>> -> memref<128xi32, #tpu.memory_space<hbm>>
    %dma_start3A_11 = arith.constant 0 : i32
    %dma_start3A_12 = tpu.memref_slice %arg3[%add3A, %dma_start3A_7, %dma_start3A_11] : memref<32x128x128xi32, #tpu.memory_space<hbm>> -> memref<1x1x128xi32, #tpu.memory_space<hbm>>
    %dma_start3A_13 = tpu.memref_squeeze %dma_start3A_12 : memref<1x1x128xi32, #tpu.memory_space<hbm>> -> memref<128xi32, #tpu.memory_space<hbm>>
    tpu.enqueue_dma source(%dma_start3A_13 : memref<128xi32, #tpu.memory_space<hbm>>) target(%arg9 : memref<128xi32, #tpu.memory_space<vmem>>) target_semaphore(%arg16 : memref<!tpu.dma_semaphore, #tpu.memory_space<semaphore_mem>>)
    %jit3A_14 = arith.constant 2 : i32
    %div3A = arith.divsi %select_n3A, %jit3A_14 : i32
    %sign3A = arith.constant 0 : i32
    %sign3A_15 = arith.cmpi sgt, %select_n3A, %sign3A : i32
    %sign3A_16 = arith.extui %sign3A_15 : i1 to i32
    %sign3A_17 = arith.constant 0 : i32
    %sign3A_18 = arith.cmpi slt, %select_n3A, %sign3A_17 : i32
    %sign3A_19 = arith.extui %sign3A_18 : i1 to i32
    %sign3A_20 = arith.subi %sign3A_16, %sign3A_19 : i32
    %sign3A_21 = arith.constant 0 : i32
    %sign3A_22 = arith.cmpi sgt, %jit3A_14, %sign3A_21 : i32
    %sign3A_23 = arith.extui %sign3A_22 : i1 to i32
    %sign3A_24 = arith.constant 0 : i32
    %sign3A_25 = arith.cmpi slt, %jit3A_14, %sign3A_24 : i32
    %sign3A_26 = arith.extui %sign3A_25 : i1 to i32
    %sign3A_27 = arith.subi %sign3A_23, %sign3A_26 : i32
    %ne3A = arith.cmpi ne, %sign3A_20, %sign3A_27 : i32
    %rem3A = arith.remsi %select_n3A, %jit3A_14 : i32
    %ne3A_28 = arith.constant 0 : i32
    %ne3A_29 = arith.cmpi ne, %rem3A, %ne3A_28 : i32
    %and3A = arith.andi %ne3A, %ne3A_29 : i1
    %sub3A = arith.constant 1 : i32
    %sub3A_30 = arith.subi %div3A, %sub3A : i32
    %select_n3A_31 = arith.select %and3A, %sub3A_30, %div3A : i32
    %while3A = arith.constant 0 : i32
    %while3A_32 = arith.constant 0 : i32
    %while3A_33 = arith.subi %select_n3A_31, %while3A_32 : i32
    %while3A_34 = arith.addi %while3A_32, %while3A_33 : i32
    %while3A_35 = arith.constant 1 : i32
    %while3A_36 = arith.divsi %while3A_33, %while3A_35 : i32
    %while3A_37 = arith.muli %while3A_36, %while3A_35 : i32
    %while3A_38 = arith.addi %while3A_32, %while3A_37 : i32
    %while3A_39 = arith.constant 1 : i32
    scf.for %while3A_46 = %while3A_32 to %while3A_38 step %while3A_39  : i32 {
      %mul3A_47 = arith.constant 2 : i32
      %mul3A_48 = arith.muli %while3A_46, %mul3A_47 : i32
      %add3A_49 = arith.constant 0 : i32
      %add3A_50 = arith.addi %mul3A_48, %add3A_49 : i32
      %add3A_51 = arith.constant 1 : i32
      %add3A_52 = arith.addi %add3A_50, %add3A_51 : i32
      %lt3A = arith.cmpi slt, %add3A_52, %select_n3A : i32
      %convert_element_type3A = arith.extui %lt3A : i1 to i32
      %cond3A = arith.constant 0 : i32
      %cond3A_53 = arith.cmpi ne, %convert_element_type3A, %cond3A : i32
      scf.if %cond3A_53 {
        %add3A_81 = arith.constant 1 : i32
        %add3A_82 = arith.addi %add3A_50, %add3A_81 : i32
        %dma_wait3A_83 = arith.constant 0 : i32
        %dma_wait3A_84 = tpu.memref_slice %arg3[%add3A, %add3A_82, %dma_wait3A_83] : memref<32x128x128xi32, #tpu.memory_space<hbm>> -> memref<1x1x128xi32, #tpu.memory_space<hbm>>
        %dma_wait3A_85 = tpu.memref_squeeze %dma_wait3A_84 : memref<1x1x128xi32, #tpu.memory_space<hbm>> -> memref<128xi32, #tpu.memory_space<hbm>>
        %dma_wait3A_86 = arith.constant 0 : i32
        %dma_wait3A_87 = tpu.memref_slice %arg3[%add3A, %add3A_82, %dma_wait3A_86] : memref<32x128x128xi32, #tpu.memory_space<hbm>> -> memref<1x1x128xi32, #tpu.memory_space<hbm>>
        %dma_wait3A_88 = tpu.memref_squeeze %dma_wait3A_87 : memref<1x1x128xi32, #tpu.memory_space<hbm>> -> memref<128xi32, #tpu.memory_space<hbm>>
        tpu.wait_dma2 semaphore(%arg16 : memref<!tpu.dma_semaphore, #tpu.memory_space<semaphore_mem>>) src(%dma_wait3A_88 : memref<128xi32, #tpu.memory_space<hbm>>) dst(%arg9 : memref<128xi32, #tpu.memory_space<vmem>>)
        %dma_start3A_89 = arith.constant 0 : i32
        %dma_start3A_90 = arith.constant 0 : i32
        %dma_start3A_91 = tpu.memref_slice %arg2[%dma_start3A_89, %dma_start3A_90] : memref<10000x128xf32, #tpu.memory_space<hbm>> -> memref<10000x128xf32, #tpu.memory_space<hbm>>
        tpu.enqueue_indirect_dma source(%dma_start3A_91 : memref<10000x128xf32, #tpu.memory_space<hbm>>) target(%arg11 : memref<128x128xf32, #tpu.memory_space<vmem>>) offsets(%arg9 : memref<128xi32, #tpu.memory_space<vmem>>) semaphore(%arg14 : memref<!tpu.dma_semaphore, #tpu.memory_space<semaphore_mem>>)
      } else {
      }
      %dma_wait3A = arith.constant 0 : i32
      %dma_wait3A_54 = arith.constant 0 : i32
      %dma_wait3A_55 = tpu.memref_slice %arg2[%dma_wait3A, %dma_wait3A_54] : memref<10000x128xf32, #tpu.memory_space<hbm>> -> memref<10000x128xf32, #tpu.memory_space<hbm>>
      tpu.wait_indirect_dma semaphore(%arg13 : memref<!tpu.dma_semaphore, #tpu.memory_space<semaphore_mem>>) src(%dma_wait3A_55 : memref<10000x128xf32, #tpu.memory_space<hbm>>) dst(%arg10 : memref<128x128xf32, #tpu.memory_space<vmem>>)
      %add3A_56 = arith.constant 2 : i32
      %add3A_57 = arith.addi %add3A_50, %add3A_56 : i32
      %lt3A_58 = arith.cmpi slt, %add3A_57, %select_n3A : i32
      %convert_element_type3A_59 = arith.extui %lt3A_58 : i1 to i32
      %cond3A_60 = arith.constant 0 : i32
      %cond3A_61 = arith.cmpi ne, %convert_element_type3A_59, %cond3A_60 : i32
      scf.if %cond3A_61 {
        %add3A_81 = arith.constant 2 : i32
        %add3A_82 = arith.addi %add3A_50, %add3A_81 : i32
        %dma_start3A_83 = arith.constant 0 : i32
        %dma_start3A_84 = tpu.memref_slice %arg3[%add3A, %add3A_82, %dma_start3A_83] : memref<32x128x128xi32, #tpu.memory_space<hbm>> -> memref<1x1x128xi32, #tpu.memory_space<hbm>>
        %dma_start3A_85 = tpu.memref_squeeze %dma_start3A_84 : memref<1x1x128xi32, #tpu.memory_space<hbm>> -> memref<128xi32, #tpu.memory_space<hbm>>
        %dma_start3A_86 = arith.constant 0 : i32
        %dma_start3A_87 = tpu.memref_slice %arg3[%add3A, %add3A_82, %dma_start3A_86] : memref<32x128x128xi32, #tpu.memory_space<hbm>> -> memref<1x1x128xi32, #tpu.memory_space<hbm>>
        %dma_start3A_88 = tpu.memref_squeeze %dma_start3A_87 : memref<1x1x128xi32, #tpu.memory_space<hbm>> -> memref<128xi32, #tpu.memory_space<hbm>>
        tpu.enqueue_dma source(%dma_start3A_88 : memref<128xi32, #tpu.memory_space<hbm>>) target(%arg8 : memref<128xi32, #tpu.memory_space<vmem>>) target_semaphore(%arg15 : memref<!tpu.dma_semaphore, #tpu.memory_space<semaphore_mem>>)
      } else {
      }
      "tpu.region"() ({
        %run_scoped3A_81 = tpu.sem_alloc : memref<!tpu.dma_semaphore, #tpu.memory_space<semaphore_mem>>
        %dma_start3A_82 = arith.constant 0 : i32
        %dma_start3A_83 = tpu.memref_slice %arg7[%add3A_50, %dma_start3A_82] : memref<128x128xi32, #tpu.memory_space<vmem>> -> memref<1x128xi32, #tpu.memory_space<vmem>>
        %dma_start3A_84 = tpu.memref_squeeze %dma_start3A_83 : memref<1x128xi32, #tpu.memory_space<vmem>> -> memref<128xi32, #tpu.memory_space<vmem>>
        %dma_start3A_85 = arith.constant 0 : i32
        %dma_start3A_86 = arith.constant 0 : i32
        %dma_start3A_87 = tpu.memref_slice %arg12[%dma_start3A_85, %dma_start3A_86] : memref<10112x128xf32, #tpu.memory_space<vmem_shared>> -> memref<10112x128xf32, #tpu.memory_space<vmem_shared>>
        tpu.enqueue_indirect_dma source(%arg10 : memref<128x128xf32, #tpu.memory_space<vmem>>) target(%dma_start3A_87 : memref<10112x128xf32, #tpu.memory_space<vmem_shared>>) offsets(%dma_start3A_84 : memref<128xi32, #tpu.memory_space<vmem>>) semaphore(%run_scoped3A_81 : memref<!tpu.dma_semaphore, #tpu.memory_space<semaphore_mem>>) {add = true}
        %dma_wait3A_88 = arith.constant 0 : i32
        %dma_wait3A_89 = tpu.memref_slice %arg7[%add3A_50, %dma_wait3A_88] : memref<128x128xi32, #tpu.memory_space<vmem>> -> memref<1x128xi32, #tpu.memory_space<vmem>>
        %dma_wait3A_90 = tpu.memref_squeeze %dma_wait3A_89 : memref<1x128xi32, #tpu.memory_space<vmem>> -> memref<128xi32, #tpu.memory_space<vmem>>
        %dma_wait3A_91 = arith.constant 0 : i32
        %dma_wait3A_92 = arith.constant 0 : i32
        %dma_wait3A_93 = tpu.memref_slice %arg12[%dma_wait3A_91, %dma_wait3A_92] : memref<10112x128xf32, #tpu.memory_space<vmem_shared>> -> memref<10112x128xf32, #tpu.memory_space<vmem_shared>>
        tpu.wait_indirect_dma semaphore(%run_scoped3A_81 : memref<!tpu.dma_semaphore, #tpu.memory_space<semaphore_mem>>) src(%arg10 : memref<128x128xf32, #tpu.memory_space<vmem>>) dst(%dma_wait3A_93 : memref<10112x128xf32, #tpu.memory_space<vmem_shared>>)
        tpu.yield
      }) : () -> ()
      %mul3A_62 = arith.constant 2 : i32
      %mul3A_63 = arith.muli %while3A_46, %mul3A_62 : i32
      %add3A_64 = arith.constant 1 : i32
      %add3A_65 = arith.addi %mul3A_63, %add3A_64 : i32
      %add3A_66 = arith.constant 1 : i32
      %add3A_67 = arith.addi %add3A_65, %add3A_66 : i32
      %lt3A_68 = arith.cmpi slt, %add3A_67, %select_n3A : i32
      %convert_element_type3A_69 = arith.extui %lt3A_68 : i1 to i32
      %cond3A_70 = arith.constant 0 : i32
      %cond3A_71 = arith.cmpi ne, %convert_element_type3A_69, %cond3A_70 : i32
      scf.if %cond3A_71 {
        %add3A_81 = arith.constant 1 : i32
        %add3A_82 = arith.addi %add3A_65, %add3A_81 : i32
        %dma_wait3A_83 = arith.constant 0 : i32
        %dma_wait3A_84 = tpu.memref_slice %arg3[%add3A, %add3A_82, %dma_wait3A_83] : memref<32x128x128xi32, #tpu.memory_space<hbm>> -> memref<1x1x128xi32, #tpu.memory_space<hbm>>
        %dma_wait3A_85 = tpu.memref_squeeze %dma_wait3A_84 : memref<1x1x128xi32, #tpu.memory_space<hbm>> -> memref<128xi32, #tpu.memory_space<hbm>>
        %dma_wait3A_86 = arith.constant 0 : i32
        %dma_wait3A_87 = tpu.memref_slice %arg3[%add3A, %add3A_82, %dma_wait3A_86] : memref<32x128x128xi32, #tpu.memory_space<hbm>> -> memref<1x1x128xi32, #tpu.memory_space<hbm>>
        %dma_wait3A_88 = tpu.memref_squeeze %dma_wait3A_87 : memref<1x1x128xi32, #tpu.memory_space<hbm>> -> memref<128xi32, #tpu.memory_space<hbm>>
        tpu.wait_dma2 semaphore(%arg15 : memref<!tpu.dma_semaphore, #tpu.memory_space<semaphore_mem>>) src(%dma_wait3A_88 : memref<128xi32, #tpu.memory_space<hbm>>) dst(%arg8 : memref<128xi32, #tpu.memory_space<vmem>>)
        %dma_start3A_89 = arith.constant 0 : i32
        %dma_start3A_90 = arith.constant 0 : i32
        %dma_start3A_91 = tpu.memref_slice %arg2[%dma_start3A_89, %dma_start3A_90] : memref<10000x128xf32, #tpu.memory_space<hbm>> -> memref<10000x128xf32, #tpu.memory_space<hbm>>
        tpu.enqueue_indirect_dma source(%dma_start3A_91 : memref<10000x128xf32, #tpu.memory_space<hbm>>) target(%arg10 : memref<128x128xf32, #tpu.memory_space<vmem>>) offsets(%arg8 : memref<128xi32, #tpu.memory_space<vmem>>) semaphore(%arg13 : memref<!tpu.dma_semaphore, #tpu.memory_space<semaphore_mem>>)
      } else {
      }
      %dma_wait3A_72 = arith.constant 0 : i32
      %dma_wait3A_73 = arith.constant 0 : i32
      %dma_wait3A_74 = tpu.memref_slice %arg2[%dma_wait3A_72, %dma_wait3A_73] : memref<10000x128xf32, #tpu.memory_space<hbm>> -> memref<10000x128xf32, #tpu.memory_space<hbm>>
      tpu.wait_indirect_dma semaphore(%arg14 : memref<!tpu.dma_semaphore, #tpu.memory_space<semaphore_mem>>) src(%dma_wait3A_74 : memref<10000x128xf32, #tpu.memory_space<hbm>>) dst(%arg11 : memref<128x128xf32, #tpu.memory_space<vmem>>)
      %add3A_75 = arith.constant 2 : i32
      %add3A_76 = arith.addi %add3A_65, %add3A_75 : i32
      %lt3A_77 = arith.cmpi slt, %add3A_76, %select_n3A : i32
      %convert_element_type3A_78 = arith.extui %lt3A_77 : i1 to i32
      %cond3A_79 = arith.constant 0 : i32
      %cond3A_80 = arith.cmpi ne, %convert_element_type3A_78, %cond3A_79 : i32
      scf.if %cond3A_80 {
        %add3A_81 = arith.constant 2 : i32
        %add3A_82 = arith.addi %add3A_65, %add3A_81 : i32
        %dma_start3A_83 = arith.constant 0 : i32
        %dma_start3A_84 = tpu.memref_slice %arg3[%add3A, %add3A_82, %dma_start3A_83] : memref<32x128x128xi32, #tpu.memory_space<hbm>> -> memref<1x1x128xi32, #tpu.memory_space<hbm>>
        %dma_start3A_85 = tpu.memref_squeeze %dma_start3A_84 : memref<1x1x128xi32, #tpu.memory_space<hbm>> -> memref<128xi32, #tpu.memory_space<hbm>>
        %dma_start3A_86 = arith.constant 0 : i32
        %dma_start3A_87 = tpu.memref_slice %arg3[%add3A, %add3A_82, %dma_start3A_86] : memref<32x128x128xi32, #tpu.memory_space<hbm>> -> memref<1x1x128xi32, #tpu.memory_space<hbm>>
        %dma_start3A_88 = tpu.memref_squeeze %dma_start3A_87 : memref<1x1x128xi32, #tpu.memory_space<hbm>> -> memref<128xi32, #tpu.memory_space<hbm>>
        tpu.enqueue_dma source(%dma_start3A_88 : memref<128xi32, #tpu.memory_space<hbm>>) target(%arg9 : memref<128xi32, #tpu.memory_space<vmem>>) target_semaphore(%arg16 : memref<!tpu.dma_semaphore, #tpu.memory_space<semaphore_mem>>)
      } else {
      }
      "tpu.region"() ({
        %run_scoped3A_81 = tpu.sem_alloc : memref<!tpu.dma_semaphore, #tpu.memory_space<semaphore_mem>>
        %dma_start3A_82 = arith.constant 0 : i32
        %dma_start3A_83 = tpu.memref_slice %arg7[%add3A_65, %dma_start3A_82] : memref<128x128xi32, #tpu.memory_space<vmem>> -> memref<1x128xi32, #tpu.memory_space<vmem>>
        %dma_start3A_84 = tpu.memref_squeeze %dma_start3A_83 : memref<1x128xi32, #tpu.memory_space<vmem>> -> memref<128xi32, #tpu.memory_space<vmem>>
        %dma_start3A_85 = arith.constant 0 : i32
        %dma_start3A_86 = arith.constant 0 : i32
        %dma_start3A_87 = tpu.memref_slice %arg12[%dma_start3A_85, %dma_start3A_86] : memref<10112x128xf32, #tpu.memory_space<vmem_shared>> -> memref<10112x128xf32, #tpu.memory_space<vmem_shared>>
        tpu.enqueue_indirect_dma source(%arg11 : memref<128x128xf32, #tpu.memory_space<vmem>>) target(%dma_start3A_87 : memref<10112x128xf32, #tpu.memory_space<vmem_shared>>) offsets(%dma_start3A_84 : memref<128xi32, #tpu.memory_space<vmem>>) semaphore(%run_scoped3A_81 : memref<!tpu.dma_semaphore, #tpu.memory_space<semaphore_mem>>) {add = true}
        %dma_wait3A_88 = arith.constant 0 : i32
        %dma_wait3A_89 = tpu.memref_slice %arg7[%add3A_65, %dma_wait3A_88] : memref<128x128xi32, #tpu.memory_space<vmem>> -> memref<1x128xi32, #tpu.memory_space<vmem>>
        %dma_wait3A_90 = tpu.memref_squeeze %dma_wait3A_89 : memref<1x128xi32, #tpu.memory_space<vmem>> -> memref<128xi32, #tpu.memory_space<vmem>>
        %dma_wait3A_91 = arith.constant 0 : i32
        %dma_wait3A_92 = arith.constant 0 : i32
        %dma_wait3A_93 = tpu.memref_slice %arg12[%dma_wait3A_91, %dma_wait3A_92] : memref<10112x128xf32, #tpu.memory_space<vmem_shared>> -> memref<10112x128xf32, #tpu.memory_space<vmem_shared>>
        tpu.wait_indirect_dma semaphore(%run_scoped3A_81 : memref<!tpu.dma_semaphore, #tpu.memory_space<semaphore_mem>>) src(%arg11 : memref<128x128xf32, #tpu.memory_space<vmem>>) dst(%dma_wait3A_93 : memref<10112x128xf32, #tpu.memory_space<vmem_shared>>)
        tpu.yield
      }) : () -> ()
    }
    %while3A_40 = arith.constant 1 : i32
    scf.for %while3A_46 = %while3A_38 to %while3A_34 step %while3A_40  : i32 {
      %mul3A_47 = arith.constant 2 : i32
      %mul3A_48 = arith.muli %while3A_46, %mul3A_47 : i32
      %add3A_49 = arith.constant 0 : i32
      %add3A_50 = arith.addi %mul3A_48, %add3A_49 : i32
      %add3A_51 = arith.constant 1 : i32
      %add3A_52 = arith.addi %add3A_50, %add3A_51 : i32
      %lt3A = arith.cmpi slt, %add3A_52, %select_n3A : i32
      %convert_element_type3A = arith.extui %lt3A : i1 to i32
      %cond3A = arith.constant 0 : i32
      %cond3A_53 = arith.cmpi ne, %convert_element_type3A, %cond3A : i32
      scf.if %cond3A_53 {
        %add3A_81 = arith.constant 1 : i32
        %add3A_82 = arith.addi %add3A_50, %add3A_81 : i32
        %dma_wait3A_83 = arith.constant 0 : i32
        %dma_wait3A_84 = tpu.memref_slice %arg3[%add3A, %add3A_82, %dma_wait3A_83] : memref<32x128x128xi32, #tpu.memory_space<hbm>> -> memref<1x1x128xi32, #tpu.memory_space<hbm>>
        %dma_wait3A_85 = tpu.memref_squeeze %dma_wait3A_84 : memref<1x1x128xi32, #tpu.memory_space<hbm>> -> memref<128xi32, #tpu.memory_space<hbm>>
        %dma_wait3A_86 = arith.constant 0 : i32
        %dma_wait3A_87 = tpu.memref_slice %arg3[%add3A, %add3A_82, %dma_wait3A_86] : memref<32x128x128xi32, #tpu.memory_space<hbm>> -> memref<1x1x128xi32, #tpu.memory_space<hbm>>
        %dma_wait3A_88 = tpu.memref_squeeze %dma_wait3A_87 : memref<1x1x128xi32, #tpu.memory_space<hbm>> -> memref<128xi32, #tpu.memory_space<hbm>>
        tpu.wait_dma2 semaphore(%arg16 : memref<!tpu.dma_semaphore, #tpu.memory_space<semaphore_mem>>) src(%dma_wait3A_88 : memref<128xi32, #tpu.memory_space<hbm>>) dst(%arg9 : memref<128xi32, #tpu.memory_space<vmem>>)
        %dma_start3A_89 = arith.constant 0 : i32
        %dma_start3A_90 = arith.constant 0 : i32
        %dma_start3A_91 = tpu.memref_slice %arg2[%dma_start3A_89, %dma_start3A_90] : memref<10000x128xf32, #tpu.memory_space<hbm>> -> memref<10000x128xf32, #tpu.memory_space<hbm>>
        tpu.enqueue_indirect_dma source(%dma_start3A_91 : memref<10000x128xf32, #tpu.memory_space<hbm>>) target(%arg11 : memref<128x128xf32, #tpu.memory_space<vmem>>) offsets(%arg9 : memref<128xi32, #tpu.memory_space<vmem>>) semaphore(%arg14 : memref<!tpu.dma_semaphore, #tpu.memory_space<semaphore_mem>>)
      } else {
      }
      %dma_wait3A = arith.constant 0 : i32
      %dma_wait3A_54 = arith.constant 0 : i32
      %dma_wait3A_55 = tpu.memref_slice %arg2[%dma_wait3A, %dma_wait3A_54] : memref<10000x128xf32, #tpu.memory_space<hbm>> -> memref<10000x128xf32, #tpu.memory_space<hbm>>
      tpu.wait_indirect_dma semaphore(%arg13 : memref<!tpu.dma_semaphore, #tpu.memory_space<semaphore_mem>>) src(%dma_wait3A_55 : memref<10000x128xf32, #tpu.memory_space<hbm>>) dst(%arg10 : memref<128x128xf32, #tpu.memory_space<vmem>>)
      %add3A_56 = arith.constant 2 : i32
      %add3A_57 = arith.addi %add3A_50, %add3A_56 : i32
      %lt3A_58 = arith.cmpi slt, %add3A_57, %select_n3A : i32
      %convert_element_type3A_59 = arith.extui %lt3A_58 : i1 to i32
      %cond3A_60 = arith.constant 0 : i32
      %cond3A_61 = arith.cmpi ne, %convert_element_type3A_59, %cond3A_60 : i32
      scf.if %cond3A_61 {
        %add3A_81 = arith.constant 2 : i32
        %add3A_82 = arith.addi %add3A_50, %add3A_81 : i32
        %dma_start3A_83 = arith.constant 0 : i32
        %dma_start3A_84 = tpu.memref_slice %arg3[%add3A, %add3A_82, %dma_start3A_83] : memref<32x128x128xi32, #tpu.memory_space<hbm>> -> memref<1x1x128xi32, #tpu.memory_space<hbm>>
        %dma_start3A_85 = tpu.memref_squeeze %dma_start3A_84 : memref<1x1x128xi32, #tpu.memory_space<hbm>> -> memref<128xi32, #tpu.memory_space<hbm>>
        %dma_start3A_86 = arith.constant 0 : i32
        %dma_start3A_87 = tpu.memref_slice %arg3[%add3A, %add3A_82, %dma_start3A_86] : memref<32x128x128xi32, #tpu.memory_space<hbm>> -> memref<1x1x128xi32, #tpu.memory_space<hbm>>
        %dma_start3A_88 = tpu.memref_squeeze %dma_start3A_87 : memref<1x1x128xi32, #tpu.memory_space<hbm>> -> memref<128xi32, #tpu.memory_space<hbm>>
        tpu.enqueue_dma source(%dma_start3A_88 : memref<128xi32, #tpu.memory_space<hbm>>) target(%arg8 : memref<128xi32, #tpu.memory_space<vmem>>) target_semaphore(%arg15 : memref<!tpu.dma_semaphore, #tpu.memory_space<semaphore_mem>>)
      } else {
      }
      "tpu.region"() ({
        %run_scoped3A_81 = tpu.sem_alloc : memref<!tpu.dma_semaphore, #tpu.memory_space<semaphore_mem>>
        %dma_start3A_82 = arith.constant 0 : i32
        %dma_start3A_83 = tpu.memref_slice %arg7[%add3A_50, %dma_start3A_82] : memref<128x128xi32, #tpu.memory_space<vmem>> -> memref<1x128xi32, #tpu.memory_space<vmem>>
        %dma_start3A_84 = tpu.memref_squeeze %dma_start3A_83 : memref<1x128xi32, #tpu.memory_space<vmem>> -> memref<128xi32, #tpu.memory_space<vmem>>
        %dma_start3A_85 = arith.constant 0 : i32
        %dma_start3A_86 = arith.constant 0 : i32
        %dma_start3A_87 = tpu.memref_slice %arg12[%dma_start3A_85, %dma_start3A_86] : memref<10112x128xf32, #tpu.memory_space<vmem_shared>> -> memref<10112x128xf32, #tpu.memory_space<vmem_shared>>
        tpu.enqueue_indirect_dma source(%arg10 : memref<128x128xf32, #tpu.memory_space<vmem>>) target(%dma_start3A_87 : memref<10112x128xf32, #tpu.memory_space<vmem_shared>>) offsets(%dma_start3A_84 : memref<128xi32, #tpu.memory_space<vmem>>) semaphore(%run_scoped3A_81 : memref<!tpu.dma_semaphore, #tpu.memory_space<semaphore_mem>>) {add = true}
        %dma_wait3A_88 = arith.constant 0 : i32
        %dma_wait3A_89 = tpu.memref_slice %arg7[%add3A_50, %dma_wait3A_88] : memref<128x128xi32, #tpu.memory_space<vmem>> -> memref<1x128xi32, #tpu.memory_space<vmem>>
        %dma_wait3A_90 = tpu.memref_squeeze %dma_wait3A_89 : memref<1x128xi32, #tpu.memory_space<vmem>> -> memref<128xi32, #tpu.memory_space<vmem>>
        %dma_wait3A_91 = arith.constant 0 : i32
        %dma_wait3A_92 = arith.constant 0 : i32
        %dma_wait3A_93 = tpu.memref_slice %arg12[%dma_wait3A_91, %dma_wait3A_92] : memref<10112x128xf32, #tpu.memory_space<vmem_shared>> -> memref<10112x128xf32, #tpu.memory_space<vmem_shared>>
        tpu.wait_indirect_dma semaphore(%run_scoped3A_81 : memref<!tpu.dma_semaphore, #tpu.memory_space<semaphore_mem>>) src(%arg10 : memref<128x128xf32, #tpu.memory_space<vmem>>) dst(%dma_wait3A_93 : memref<10112x128xf32, #tpu.memory_space<vmem_shared>>)
        tpu.yield
      }) : () -> ()
      %mul3A_62 = arith.constant 2 : i32
      %mul3A_63 = arith.muli %while3A_46, %mul3A_62 : i32
      %add3A_64 = arith.constant 1 : i32
      %add3A_65 = arith.addi %mul3A_63, %add3A_64 : i32
      %add3A_66 = arith.constant 1 : i32
      %add3A_67 = arith.addi %add3A_65, %add3A_66 : i32
      %lt3A_68 = arith.cmpi slt, %add3A_67, %select_n3A : i32
      %convert_element_type3A_69 = arith.extui %lt3A_68 : i1 to i32
      %cond3A_70 = arith.constant 0 : i32
      %cond3A_71 = arith.cmpi ne, %convert_element_type3A_69, %cond3A_70 : i32
      scf.if %cond3A_71 {
        %add3A_81 = arith.constant 1 : i32
        %add3A_82 = arith.addi %add3A_65, %add3A_81 : i32
        %dma_wait3A_83 = arith.constant 0 : i32
        %dma_wait3A_84 = tpu.memref_slice %arg3[%add3A, %add3A_82, %dma_wait3A_83] : memref<32x128x128xi32, #tpu.memory_space<hbm>> -> memref<1x1x128xi32, #tpu.memory_space<hbm>>
        %dma_wait3A_85 = tpu.memref_squeeze %dma_wait3A_84 : memref<1x1x128xi32, #tpu.memory_space<hbm>> -> memref<128xi32, #tpu.memory_space<hbm>>
        %dma_wait3A_86 = arith.constant 0 : i32
        %dma_wait3A_87 = tpu.memref_slice %arg3[%add3A, %add3A_82, %dma_wait3A_86] : memref<32x128x128xi32, #tpu.memory_space<hbm>> -> memref<1x1x128xi32, #tpu.memory_space<hbm>>
        %dma_wait3A_88 = tpu.memref_squeeze %dma_wait3A_87 : memref<1x1x128xi32, #tpu.memory_space<hbm>> -> memref<128xi32, #tpu.memory_space<hbm>>
        tpu.wait_dma2 semaphore(%arg15 : memref<!tpu.dma_semaphore, #tpu.memory_space<semaphore_mem>>) src(%dma_wait3A_88 : memref<128xi32, #tpu.memory_space<hbm>>) dst(%arg8 : memref<128xi32, #tpu.memory_space<vmem>>)
        %dma_start3A_89 = arith.constant 0 : i32
        %dma_start3A_90 = arith.constant 0 : i32
        %dma_start3A_91 = tpu.memref_slice %arg2[%dma_start3A_89, %dma_start3A_90] : memref<10000x128xf32, #tpu.memory_space<hbm>> -> memref<10000x128xf32, #tpu.memory_space<hbm>>
        tpu.enqueue_indirect_dma source(%dma_start3A_91 : memref<10000x128xf32, #tpu.memory_space<hbm>>) target(%arg10 : memref<128x128xf32, #tpu.memory_space<vmem>>) offsets(%arg8 : memref<128xi32, #tpu.memory_space<vmem>>) semaphore(%arg13 : memref<!tpu.dma_semaphore, #tpu.memory_space<semaphore_mem>>)
      } else {
      }
      %dma_wait3A_72 = arith.constant 0 : i32
      %dma_wait3A_73 = arith.constant 0 : i32
      %dma_wait3A_74 = tpu.memref_slice %arg2[%dma_wait3A_72, %dma_wait3A_73] : memref<10000x128xf32, #tpu.memory_space<hbm>> -> memref<10000x128xf32, #tpu.memory_space<hbm>>
      tpu.wait_indirect_dma semaphore(%arg14 : memref<!tpu.dma_semaphore, #tpu.memory_space<semaphore_mem>>) src(%dma_wait3A_74 : memref<10000x128xf32, #tpu.memory_space<hbm>>) dst(%arg11 : memref<128x128xf32, #tpu.memory_space<vmem>>)
      %add3A_75 = arith.constant 2 : i32
      %add3A_76 = arith.addi %add3A_65, %add3A_75 : i32
      %lt3A_77 = arith.cmpi slt, %add3A_76, %select_n3A : i32
      %convert_element_type3A_78 = arith.extui %lt3A_77 : i1 to i32
      %cond3A_79 = arith.constant 0 : i32
      %cond3A_80 = arith.cmpi ne, %convert_element_type3A_78, %cond3A_79 : i32
      scf.if %cond3A_80 {
        %add3A_81 = arith.constant 2 : i32
        %add3A_82 = arith.addi %add3A_65, %add3A_81 : i32
        %dma_start3A_83 = arith.constant 0 : i32
        %dma_start3A_84 = tpu.memref_slice %arg3[%add3A, %add3A_82, %dma_start3A_83] : memref<32x128x128xi32, #tpu.memory_space<hbm>> -> memref<1x1x128xi32, #tpu.memory_space<hbm>>
        %dma_start3A_85 = tpu.memref_squeeze %dma_start3A_84 : memref<1x1x128xi32, #tpu.memory_space<hbm>> -> memref<128xi32, #tpu.memory_space<hbm>>
        %dma_start3A_86 = arith.constant 0 : i32
        %dma_start3A_87 = tpu.memref_slice %arg3[%add3A, %add3A_82, %dma_start3A_86] : memref<32x128x128xi32, #tpu.memory_space<hbm>> -> memref<1x1x128xi32, #tpu.memory_space<hbm>>
        %dma_start3A_88 = tpu.memref_squeeze %dma_start3A_87 : memref<1x1x128xi32, #tpu.memory_space<hbm>> -> memref<128xi32, #tpu.memory_space<hbm>>
        tpu.enqueue_dma source(%dma_start3A_88 : memref<128xi32, #tpu.memory_space<hbm>>) target(%arg9 : memref<128xi32, #tpu.memory_space<vmem>>) target_semaphore(%arg16 : memref<!tpu.dma_semaphore, #tpu.memory_space<semaphore_mem>>)
      } else {
      }
      "tpu.region"() ({
        %run_scoped3A_81 = tpu.sem_alloc : memref<!tpu.dma_semaphore, #tpu.memory_space<semaphore_mem>>
        %dma_start3A_82 = arith.constant 0 : i32
        %dma_start3A_83 = tpu.memref_slice %arg7[%add3A_65, %dma_start3A_82] : memref<128x128xi32, #tpu.memory_space<vmem>> -> memref<1x128xi32, #tpu.memory_space<vmem>>
        %dma_start3A_84 = tpu.memref_squeeze %dma_start3A_83 : memref<1x128xi32, #tpu.memory_space<vmem>> -> memref<128xi32, #tpu.memory_space<vmem>>
        %dma_start3A_85 = arith.constant 0 : i32
        %dma_start3A_86 = arith.constant 0 : i32
        %dma_start3A_87 = tpu.memref_slice %arg12[%dma_start3A_85, %dma_start3A_86] : memref<10112x128xf32, #tpu.memory_space<vmem_shared>> -> memref<10112x128xf32, #tpu.memory_space<vmem_shared>>
        tpu.enqueue_indirect_dma source(%arg11 : memref<128x128xf32, #tpu.memory_space<vmem>>) target(%dma_start3A_87 : memref<10112x128xf32, #tpu.memory_space<vmem_shared>>) offsets(%dma_start3A_84 : memref<128xi32, #tpu.memory_space<vmem>>) semaphore(%run_scoped3A_81 : memref<!tpu.dma_semaphore, #tpu.memory_space<semaphore_mem>>) {add = true}
        %dma_wait3A_88 = arith.constant 0 : i32
        %dma_wait3A_89 = tpu.memref_slice %arg7[%add3A_65, %dma_wait3A_88] : memref<128x128xi32, #tpu.memory_space<vmem>> -> memref<1x128xi32, #tpu.memory_space<vmem>>
        %dma_wait3A_90 = tpu.memref_squeeze %dma_wait3A_89 : memref<1x128xi32, #tpu.memory_space<vmem>> -> memref<128xi32, #tpu.memory_space<vmem>>
        %dma_wait3A_91 = arith.constant 0 : i32
        %dma_wait3A_92 = arith.constant 0 : i32
        %dma_wait3A_93 = tpu.memref_slice %arg12[%dma_wait3A_91, %dma_wait3A_92] : memref<10112x128xf32, #tpu.memory_space<vmem_shared>> -> memref<10112x128xf32, #tpu.memory_space<vmem_shared>>
        tpu.wait_indirect_dma semaphore(%run_scoped3A_81 : memref<!tpu.dma_semaphore, #tpu.memory_space<semaphore_mem>>) src(%arg11 : memref<128x128xf32, #tpu.memory_space<vmem>>) dst(%dma_wait3A_93 : memref<10112x128xf32, #tpu.memory_space<vmem_shared>>)
        tpu.yield
      }) : () -> ()
    }
    %barrier3A_41 = arith.constant 0 : index
    tpu.barrier barrier_id(%barrier3A_41)
    %mul3A_42 = arith.constant 632 : i32
    %mul3A_43 = arith.muli %arg1, %mul3A_42 : i32
    %mul3A_44 = arith.constant 632 : i32
    %mul3A_45 = arith.muli %arg1, %mul3A_44 : i32
    "tpu.region"() ({
      %run_scoped3A_46 = tpu.sem_alloc : memref<!tpu.dma_semaphore, #tpu.memory_space<semaphore_mem>>
      %dma_start3A_47 = arith.constant 0 : i32
      %dma_start3A_48 = tpu.memref_slice %arg6[%arg0, %mul3A_45, %dma_start3A_47] : memref<2x10112x128xf32, #tpu.memory_space<hbm>> -> memref<1x632x128xf32, #tpu.memory_space<hbm>>
      %dma_start3A_49 = tpu.memref_squeeze %dma_start3A_48 : memref<1x632x128xf32, #tpu.memory_space<hbm>> -> memref<632x128xf32, #tpu.memory_space<hbm>>
      %dma_start3A_50 = arith.constant 0 : i32
      %dma_start3A_51 = tpu.memref_slice %arg12[%mul3A_43, %dma_start3A_50] : memref<10112x128xf32, #tpu.memory_space<vmem_shared>> -> memref<632x128xf32, #tpu.memory_space<vmem_shared>>
      tpu.enqueue_dma source(%dma_start3A_51 : memref<632x128xf32, #tpu.memory_space<vmem_shared>>) target(%dma_start3A_49 : memref<632x128xf32, #tpu.memory_space<hbm>>) target_semaphore(%run_scoped3A_46 : memref<!tpu.dma_semaphore, #tpu.memory_space<semaphore_mem>>)
      %dma_wait3A = arith.constant 0 : i32
      %dma_wait3A_52 = tpu.memref_slice %arg6[%arg0, %mul3A_45, %dma_wait3A] : memref<2x10112x128xf32, #tpu.memory_space<hbm>> -> memref<1x632x128xf32, #tpu.memory_space<hbm>>
      %dma_wait3A_53 = tpu.memref_squeeze %dma_wait3A_52 : memref<1x632x128xf32, #tpu.memory_space<hbm>> -> memref<632x128xf32, #tpu.memory_space<hbm>>
      %dma_wait3A_54 = arith.constant 0 : i32
      %dma_wait3A_55 = tpu.memref_slice %arg12[%mul3A_43, %dma_wait3A_54] : memref<10112x128xf32, #tpu.memory_space<vmem_shared>> -> memref<632x128xf32, #tpu.memory_space<vmem_shared>>
      tpu.wait_dma2 semaphore(%run_scoped3A_46 : memref<!tpu.dma_semaphore, #tpu.memory_space<semaphore_mem>>) src(%dma_wait3A_55 : memref<632x128xf32, #tpu.memory_space<vmem_shared>>) dst(%dma_wait3A_53 : memref<632x128xf32, #tpu.memory_space<hbm>>)
      tpu.yield
    }) : () -> ()
    return
  }
}

#map = affine_map<(d0, d1) -> (0, 0)>
#map1 = affine_map<(d0, d1) -> (0, 0, 0)>
module attributes {stable_mosaic.version = 14 : i64} {
  func.func @sc_acc_10000(%arg0: i32, %arg1: i32, %arg2: memref<10000x128xf32, #tpu.memory_space<hbm>>, %arg3: memref<32x128x128xi32, #tpu.memory_space<hbm>>, %arg4: memref<32x128x128xi32, #tpu.memory_space<hbm>>, %arg5: memref<632x128xf32, #tpu.memory_space<hbm>>, %arg6: memref<2x10112x128xf32, #tpu.memory_space<hbm>>, %arg7: memref<128x128xi32, #tpu.memory_space<vmem>>, %arg8: memref<128xi32, #tpu.memory_space<vmem>>, %arg9: memref<128xi32, #tpu.memory_space<vmem>>, %arg10: memref<128x128xf32, #tpu.memory_space<vmem>>, %arg11: memref<128x128xf32, #tpu.memory_space<vmem>>, %arg12: memref<10112x128xf32, #tpu.memory_space<vmem_shared>>, %arg13: memref<!tpu.dma_semaphore, #tpu.memory_space<semaphore_mem>>, %arg14: memref<!tpu.dma_semaphore, #tpu.memory_space<semaphore_mem>>, %arg15: memref<!tpu.dma_semaphore, #tpu.memory_space<semaphore_mem>>, %arg16: memref<!tpu.dma_semaphore, #tpu.memory_space<semaphore_mem>>) attributes {dimension_semantics = [#tpu.dimension_semantics<core_parallel>, #tpu.dimension_semantics<subcore_parallel>], iteration_bounds = array<i64: 2, 16>, scalar_prefetch = 0 : i64, scratch_operands = 10 : i64, tpu.core_type = #tpu.core_type<sc_vector_subcore>, window_params = [{transform_indices = #map}, {transform_indices = #map1}, {transform_indices = #map1}, {transform_indices = #map}, {transform_indices = #map1}]} {
    %mul3A = arith.constant 16 : i32
    %mul3A_0 = arith.muli %arg0, %mul3A : i32
    %add3A = arith.addi %mul3A_0, %arg1 : i32
    %eq3A = arith.constant 0 : i32
    %eq3A_1 = arith.cmpi eq, %arg0, %eq3A : i32
    %jit3A = arith.constant 128 : i32
    %jit3A_2 = arith.constant 30 : i32
    %select_n3A = arith.select %eq3A_1, %jit3A, %jit3A_2 : i32
    %mul3A_3 = arith.constant 632 : i32
    %mul3A_4 = arith.muli %arg1, %mul3A_3 : i32
    "tpu.region"() ({
      %run_scoped3A_46 = tpu.sem_alloc : memref<!tpu.dma_semaphore, #tpu.memory_space<semaphore_mem>>
      %dma_start3A_47 = arith.constant 0 : i32
      %dma_start3A_48 = tpu.memref_slice %arg12[%mul3A_4, %dma_start3A_47] : memref<10112x128xf32, #tpu.memory_space<vmem_shared>> -> memref<632x128xf32, #tpu.memory_space<vmem_shared>>
      tpu.enqueue_dma source(%arg5 : memref<632x128xf32, #tpu.memory_space<hbm>>) target(%dma_start3A_48 : memref<632x128xf32, #tpu.memory_space<vmem_shared>>) target_semaphore(%run_scoped3A_46 : memref<!tpu.dma_semaphore, #tpu.memory_space<semaphore_mem>>)
      %dma_wait3A = arith.constant 0 : i32
      %dma_wait3A_49 = tpu.memref_slice %arg12[%mul3A_4, %dma_wait3A] : memref<10112x128xf32, #tpu.memory_space<vmem_shared>> -> memref<632x128xf32, #tpu.memory_space<vmem_shared>>
      tpu.wait_dma2 semaphore(%run_scoped3A_46 : memref<!tpu.dma_semaphore, #tpu.memory_space<semaphore_mem>>) src(%arg5 : memref<632x128xf32, #tpu.memory_space<hbm>>) dst(%dma_wait3A_49 : memref<632x128xf32, #tpu.memory_space<vmem_shared>>)
      tpu.yield
    }) : () -> ()
    "tpu.region"() ({
      %run_scoped3A_46 = tpu.sem_alloc : memref<!tpu.dma_semaphore, #tpu.memory_space<semaphore_mem>>
      %dma_start3A_47 = arith.constant 0 : i32
      %dma_start3A_48 = arith.constant 0 : i32
      %dma_start3A_49 = tpu.memref_slice %arg4[%add3A, %dma_start3A_47, %dma_start3A_48] : memref<32x128x128xi32, #tpu.memory_space<hbm>> -> memref<1x128x128xi32, #tpu.memory_space<hbm>>
      %dma_start3A_50 = tpu.memref_squeeze %dma_start3A_49 : memref<1x128x128xi32, #tpu.memory_space<hbm>> -> memref<128x128xi32, #tpu.memory_space<hbm>>
      %dma_start3A_51 = arith.constant 0 : i32
      %dma_start3A_52 = arith.constant 0 : i32
      %dma_start3A_53 = tpu.memref_slice %arg4[%add3A, %dma_start3A_51, %dma_start3A_52] : memref<32x128x128xi32, #tpu.memory_space<hbm>> -> memref<1x128x128xi32, #tpu.memory_space<hbm>>
      %dma_start3A_54 = tpu.memref_squeeze %dma_start3A_53 : memref<1x128x128xi32, #tpu.memory_space<hbm>> -> memref<128x128xi32, #tpu.memory_space<hbm>>
      tpu.enqueue_dma source(%dma_start3A_54 : memref<128x128xi32, #tpu.memory_space<hbm>>) target(%arg7 : memref<128x128xi32, #tpu.memory_space<vmem>>) target_semaphore(%run_scoped3A_46 : memref<!tpu.dma_semaphore, #tpu.memory_space<semaphore_mem>>)
      %dma_wait3A = arith.constant 0 : i32
      %dma_wait3A_55 = arith.constant 0 : i32
      %dma_wait3A_56 = tpu.memref_slice %arg4[%add3A, %dma_wait3A, %dma_wait3A_55] : memref<32x128x128xi32, #tpu.memory_space<hbm>> -> memref<1x128x128xi32, #tpu.memory_space<hbm>>
      %dma_wait3A_57 = tpu.memref_squeeze %dma_wait3A_56 : memref<1x128x128xi32, #tpu.memory_space<hbm>> -> memref<128x128xi32, #tpu.memory_space<hbm>>
      %dma_wait3A_58 = arith.constant 0 : i32
      %dma_wait3A_59 = arith.constant 0 : i32
      %dma_wait3A_60 = tpu.memref_slice %arg4[%add3A, %dma_wait3A_58, %dma_wait3A_59] : memref<32x128x128xi32, #tpu.memory_space<hbm>> -> memref<1x128x128xi32, #tpu.memory_space<hbm>>
      %dma_wait3A_61 = tpu.memref_squeeze %dma_wait3A_60 : memref<1x128x128xi32, #tpu.memory_space<hbm>> -> memref<128x128xi32, #tpu.memory_space<hbm>>
      tpu.wait_dma2 semaphore(%run_scoped3A_46 : memref<!tpu.dma_semaphore, #tpu.memory_space<semaphore_mem>>) src(%dma_wait3A_61 : memref<128x128xi32, #tpu.memory_space<hbm>>) dst(%arg7 : memref<128x128xi32, #tpu.memory_space<vmem>>)
      tpu.yield
    }) : () -> ()
    %barrier3A = arith.constant 0 : index
    tpu.barrier barrier_id(%barrier3A)
    %run_scoped3A = arith.constant 0 : i32
    "tpu.region"() ({
      %run_scoped3A_46 = tpu.sem_alloc : memref<!tpu.dma_semaphore, #tpu.memory_space<semaphore_mem>>
      %dma_start3A_47 = arith.constant 0 : i32
      %dma_start3A_48 = tpu.memref_slice %arg3[%add3A, %run_scoped3A, %dma_start3A_47] : memref<32x128x128xi32, #tpu.memory_space<hbm>> -> memref<1x1x128xi32, #tpu.memory_space<hbm>>
      %dma_start3A_49 = tpu.memref_squeeze %dma_start3A_48 : memref<1x1x128xi32, #tpu.memory_space<hbm>> -> memref<128xi32, #tpu.memory_space<hbm>>
      %dma_start3A_50 = arith.constant 0 : i32
      %dma_start3A_51 = tpu.memref_slice %arg3[%add3A, %run_scoped3A, %dma_start3A_50] : memref<32x128x128xi32, #tpu.memory_space<hbm>> -> memref<1x1x128xi32, #tpu.memory_space<hbm>>
      %dma_start3A_52 = tpu.memref_squeeze %dma_start3A_51 : memref<1x1x128xi32, #tpu.memory_space<hbm>> -> memref<128xi32, #tpu.memory_space<hbm>>
      tpu.enqueue_dma source(%dma_start3A_52 : memref<128xi32, #tpu.memory_space<hbm>>) target(%arg8 : memref<128xi32, #tpu.memory_space<vmem>>) target_semaphore(%run_scoped3A_46 : memref<!tpu.dma_semaphore, #tpu.memory_space<semaphore_mem>>)
      %dma_wait3A = arith.constant 0 : i32
      %dma_wait3A_53 = tpu.memref_slice %arg3[%add3A, %run_scoped3A, %dma_wait3A] : memref<32x128x128xi32, #tpu.memory_space<hbm>> -> memref<1x1x128xi32, #tpu.memory_space<hbm>>
      %dma_wait3A_54 = tpu.memref_squeeze %dma_wait3A_53 : memref<1x1x128xi32, #tpu.memory_space<hbm>> -> memref<128xi32, #tpu.memory_space<hbm>>
      %dma_wait3A_55 = arith.constant 0 : i32
      %dma_wait3A_56 = tpu.memref_slice %arg3[%add3A, %run_scoped3A, %dma_wait3A_55] : memref<32x128x128xi32, #tpu.memory_space<hbm>> -> memref<1x1x128xi32, #tpu.memory_space<hbm>>
      %dma_wait3A_57 = tpu.memref_squeeze %dma_wait3A_56 : memref<1x1x128xi32, #tpu.memory_space<hbm>> -> memref<128xi32, #tpu.memory_space<hbm>>
      tpu.wait_dma2 semaphore(%run_scoped3A_46 : memref<!tpu.dma_semaphore, #tpu.memory_space<semaphore_mem>>) src(%dma_wait3A_57 : memref<128xi32, #tpu.memory_space<hbm>>) dst(%arg8 : memref<128xi32, #tpu.memory_space<vmem>>)
      tpu.yield
    }) : () -> ()
    %dma_start3A = arith.constant 0 : i32
    %dma_start3A_5 = arith.constant 0 : i32
    %dma_start3A_6 = tpu.memref_slice %arg2[%dma_start3A, %dma_start3A_5] : memref<10000x128xf32, #tpu.memory_space<hbm>> -> memref<10000x128xf32, #tpu.memory_space<hbm>>
    tpu.enqueue_indirect_dma source(%dma_start3A_6 : memref<10000x128xf32, #tpu.memory_space<hbm>>) target(%arg10 : memref<128x128xf32, #tpu.memory_space<vmem>>) offsets(%arg8 : memref<128xi32, #tpu.memory_space<vmem>>) semaphore(%arg13 : memref<!tpu.dma_semaphore, #tpu.memory_space<semaphore_mem>>)
    %dma_start3A_7 = arith.constant 1 : i32
    %dma_start3A_8 = arith.constant 0 : i32
    %dma_start3A_9 = tpu.memref_slice %arg3[%add3A, %dma_start3A_7, %dma_start3A_8] : memref<32x128x128xi32, #tpu.memory_space<hbm>> -> memref<1x1x128xi32, #tpu.memory_space<hbm>>
    %dma_start3A_10 = tpu.memref_squeeze %dma_start3A_9 : memref<1x1x128xi32, #tpu.memory_space<hbm>> -> memref<128xi32, #tpu.memory_space<hbm>>
    %dma_start3A_11 = arith.constant 0 : i32
    %dma_start3A_12 = tpu.memref_slice %arg3[%add3A, %dma_start3A_7, %dma_start3A_11] : memref<32x128x128xi32, #tpu.memory_space<hbm>> -> memref<1x1x128xi32, #tpu.memory_space<hbm>>
    %dma_start3A_13 = tpu.memref_squeeze %dma_start3A_12 : memref<1x1x128xi32, #tpu.memory_space<hbm>> -> memref<128xi32, #tpu.memory_space<hbm>>
    tpu.enqueue_dma source(%dma_start3A_13 : memref<128xi32, #tpu.memory_space<hbm>>) target(%arg9 : memref<128xi32, #tpu.memory_space<vmem>>) target_semaphore(%arg16 : memref<!tpu.dma_semaphore, #tpu.memory_space<semaphore_mem>>)
    %jit3A_14 = arith.constant 2 : i32
    %div3A = arith.divsi %select_n3A, %jit3A_14 : i32
    %sign3A = arith.constant 0 : i32
    %sign3A_15 = arith.cmpi sgt, %select_n3A, %sign3A : i32
    %sign3A_16 = arith.extui %sign3A_15 : i1 to i32
    %sign3A_17 = arith.constant 0 : i32
    %sign3A_18 = arith.cmpi slt, %select_n3A, %sign3A_17 : i32
    %sign3A_19 = arith.extui %sign3A_18 : i1 to i32
    %sign3A_20 = arith.subi %sign3A_16, %sign3A_19 : i32
    %sign3A_21 = arith.constant 0 : i32
    %sign3A_22 = arith.cmpi sgt, %jit3A_14, %sign3A_21 : i32
    %sign3A_23 = arith.extui %sign3A_22 : i1 to i32
    %sign3A_24 = arith.constant 0 : i32
    %sign3A_25 = arith.cmpi slt, %jit3A_14, %sign3A_24 : i32
    %sign3A_26 = arith.extui %sign3A_25 : i1 to i32
    %sign3A_27 = arith.subi %sign3A_23, %sign3A_26 : i32
    %ne3A = arith.cmpi ne, %sign3A_20, %sign3A_27 : i32
    %rem3A = arith.remsi %select_n3A, %jit3A_14 : i32
    %ne3A_28 = arith.constant 0 : i32
    %ne3A_29 = arith.cmpi ne, %rem3A, %ne3A_28 : i32
    %and3A = arith.andi %ne3A, %ne3A_29 : i1
    %sub3A = arith.constant 1 : i32
    %sub3A_30 = arith.subi %div3A, %sub3A : i32
    %select_n3A_31 = arith.select %and3A, %sub3A_30, %div3A : i32
    %while3A = arith.constant 0 : i32
    %while3A_32 = arith.constant 0 : i32
    %while3A_33 = arith.subi %select_n3A_31, %while3A_32 : i32
    %while3A_34 = arith.addi %while3A_32, %while3A_33 : i32
    %while3A_35 = arith.constant 1 : i32
    %while3A_36 = arith.divsi %while3A_33, %while3A_35 : i32
    %while3A_37 = arith.muli %while3A_36, %while3A_35 : i32
    %while3A_38 = arith.addi %while3A_32, %while3A_37 : i32
    %while3A_39 = arith.constant 1 : i32
    scf.for %while3A_46 = %while3A_32 to %while3A_38 step %while3A_39  : i32 {
      %mul3A_47 = arith.constant 2 : i32
      %mul3A_48 = arith.muli %while3A_46, %mul3A_47 : i32
      %add3A_49 = arith.constant 0 : i32
      %add3A_50 = arith.addi %mul3A_48, %add3A_49 : i32
      %add3A_51 = arith.constant 1 : i32
      %add3A_52 = arith.addi %add3A_50, %add3A_51 : i32
      %lt3A = arith.cmpi slt, %add3A_52, %select_n3A : i32
      %convert_element_type3A = arith.extui %lt3A : i1 to i32
      %cond3A = arith.constant 0 : i32
      %cond3A_53 = arith.cmpi ne, %convert_element_type3A, %cond3A : i32
      scf.if %cond3A_53 {
        %add3A_81 = arith.constant 1 : i32
        %add3A_82 = arith.addi %add3A_50, %add3A_81 : i32
        %dma_wait3A_83 = arith.constant 0 : i32
        %dma_wait3A_84 = tpu.memref_slice %arg3[%add3A, %add3A_82, %dma_wait3A_83] : memref<32x128x128xi32, #tpu.memory_space<hbm>> -> memref<1x1x128xi32, #tpu.memory_space<hbm>>
        %dma_wait3A_85 = tpu.memref_squeeze %dma_wait3A_84 : memref<1x1x128xi32, #tpu.memory_space<hbm>> -> memref<128xi32, #tpu.memory_space<hbm>>
        %dma_wait3A_86 = arith.constant 0 : i32
        %dma_wait3A_87 = tpu.memref_slice %arg3[%add3A, %add3A_82, %dma_wait3A_86] : memref<32x128x128xi32, #tpu.memory_space<hbm>> -> memref<1x1x128xi32, #tpu.memory_space<hbm>>
        %dma_wait3A_88 = tpu.memref_squeeze %dma_wait3A_87 : memref<1x1x128xi32, #tpu.memory_space<hbm>> -> memref<128xi32, #tpu.memory_space<hbm>>
        tpu.wait_dma2 semaphore(%arg16 : memref<!tpu.dma_semaphore, #tpu.memory_space<semaphore_mem>>) src(%dma_wait3A_88 : memref<128xi32, #tpu.memory_space<hbm>>) dst(%arg9 : memref<128xi32, #tpu.memory_space<vmem>>)
        %dma_start3A_89 = arith.constant 0 : i32
        %dma_start3A_90 = arith.constant 0 : i32
        %dma_start3A_91 = tpu.memref_slice %arg2[%dma_start3A_89, %dma_start3A_90] : memref<10000x128xf32, #tpu.memory_space<hbm>> -> memref<10000x128xf32, #tpu.memory_space<hbm>>
        tpu.enqueue_indirect_dma source(%dma_start3A_91 : memref<10000x128xf32, #tpu.memory_space<hbm>>) target(%arg11 : memref<128x128xf32, #tpu.memory_space<vmem>>) offsets(%arg9 : memref<128xi32, #tpu.memory_space<vmem>>) semaphore(%arg14 : memref<!tpu.dma_semaphore, #tpu.memory_space<semaphore_mem>>)
      } else {
      }
      %dma_wait3A = arith.constant 0 : i32
      %dma_wait3A_54 = arith.constant 0 : i32
      %dma_wait3A_55 = tpu.memref_slice %arg2[%dma_wait3A, %dma_wait3A_54] : memref<10000x128xf32, #tpu.memory_space<hbm>> -> memref<10000x128xf32, #tpu.memory_space<hbm>>
      tpu.wait_indirect_dma semaphore(%arg13 : memref<!tpu.dma_semaphore, #tpu.memory_space<semaphore_mem>>) src(%dma_wait3A_55 : memref<10000x128xf32, #tpu.memory_space<hbm>>) dst(%arg10 : memref<128x128xf32, #tpu.memory_space<vmem>>)
      %add3A_56 = arith.constant 2 : i32
      %add3A_57 = arith.addi %add3A_50, %add3A_56 : i32
      %lt3A_58 = arith.cmpi slt, %add3A_57, %select_n3A : i32
      %convert_element_type3A_59 = arith.extui %lt3A_58 : i1 to i32
      %cond3A_60 = arith.constant 0 : i32
      %cond3A_61 = arith.cmpi ne, %convert_element_type3A_59, %cond3A_60 : i32
      scf.if %cond3A_61 {
        %add3A_81 = arith.constant 2 : i32
        %add3A_82 = arith.addi %add3A_50, %add3A_81 : i32
        %dma_start3A_83 = arith.constant 0 : i32
        %dma_start3A_84 = tpu.memref_slice %arg3[%add3A, %add3A_82, %dma_start3A_83] : memref<32x128x128xi32, #tpu.memory_space<hbm>> -> memref<1x1x128xi32, #tpu.memory_space<hbm>>
        %dma_start3A_85 = tpu.memref_squeeze %dma_start3A_84 : memref<1x1x128xi32, #tpu.memory_space<hbm>> -> memref<128xi32, #tpu.memory_space<hbm>>
        %dma_start3A_86 = arith.constant 0 : i32
        %dma_start3A_87 = tpu.memref_slice %arg3[%add3A, %add3A_82, %dma_start3A_86] : memref<32x128x128xi32, #tpu.memory_space<hbm>> -> memref<1x1x128xi32, #tpu.memory_space<hbm>>
        %dma_start3A_88 = tpu.memref_squeeze %dma_start3A_87 : memref<1x1x128xi32, #tpu.memory_space<hbm>> -> memref<128xi32, #tpu.memory_space<hbm>>
        tpu.enqueue_dma source(%dma_start3A_88 : memref<128xi32, #tpu.memory_space<hbm>>) target(%arg8 : memref<128xi32, #tpu.memory_space<vmem>>) target_semaphore(%arg15 : memref<!tpu.dma_semaphore, #tpu.memory_space<semaphore_mem>>)
      } else {
      }
      "tpu.region"() ({
        %run_scoped3A_81 = tpu.sem_alloc : memref<!tpu.dma_semaphore, #tpu.memory_space<semaphore_mem>>
        %dma_start3A_82 = arith.constant 0 : i32
        %dma_start3A_83 = tpu.memref_slice %arg7[%add3A_50, %dma_start3A_82] : memref<128x128xi32, #tpu.memory_space<vmem>> -> memref<1x128xi32, #tpu.memory_space<vmem>>
        %dma_start3A_84 = tpu.memref_squeeze %dma_start3A_83 : memref<1x128xi32, #tpu.memory_space<vmem>> -> memref<128xi32, #tpu.memory_space<vmem>>
        %dma_start3A_85 = arith.constant 0 : i32
        %dma_start3A_86 = arith.constant 0 : i32
        %dma_start3A_87 = tpu.memref_slice %arg12[%dma_start3A_85, %dma_start3A_86] : memref<10112x128xf32, #tpu.memory_space<vmem_shared>> -> memref<10112x128xf32, #tpu.memory_space<vmem_shared>>
        tpu.enqueue_indirect_dma source(%arg10 : memref<128x128xf32, #tpu.memory_space<vmem>>) target(%dma_start3A_87 : memref<10112x128xf32, #tpu.memory_space<vmem_shared>>) offsets(%dma_start3A_84 : memref<128xi32, #tpu.memory_space<vmem>>) semaphore(%run_scoped3A_81 : memref<!tpu.dma_semaphore, #tpu.memory_space<semaphore_mem>>) {add = true}
        %dma_wait3A_88 = arith.constant 0 : i32
        %dma_wait3A_89 = tpu.memref_slice %arg7[%add3A_50, %dma_wait3A_88] : memref<128x128xi32, #tpu.memory_space<vmem>> -> memref<1x128xi32, #tpu.memory_space<vmem>>
        %dma_wait3A_90 = tpu.memref_squeeze %dma_wait3A_89 : memref<1x128xi32, #tpu.memory_space<vmem>> -> memref<128xi32, #tpu.memory_space<vmem>>
        %dma_wait3A_91 = arith.constant 0 : i32
        %dma_wait3A_92 = arith.constant 0 : i32
        %dma_wait3A_93 = tpu.memref_slice %arg12[%dma_wait3A_91, %dma_wait3A_92] : memref<10112x128xf32, #tpu.memory_space<vmem_shared>> -> memref<10112x128xf32, #tpu.memory_space<vmem_shared>>
        tpu.wait_indirect_dma semaphore(%run_scoped3A_81 : memref<!tpu.dma_semaphore, #tpu.memory_space<semaphore_mem>>) src(%arg10 : memref<128x128xf32, #tpu.memory_space<vmem>>) dst(%dma_wait3A_93 : memref<10112x128xf32, #tpu.memory_space<vmem_shared>>)
        tpu.yield
      }) : () -> ()
      %mul3A_62 = arith.constant 2 : i32
      %mul3A_63 = arith.muli %while3A_46, %mul3A_62 : i32
      %add3A_64 = arith.constant 1 : i32
      %add3A_65 = arith.addi %mul3A_63, %add3A_64 : i32
      %add3A_66 = arith.constant 1 : i32
      %add3A_67 = arith.addi %add3A_65, %add3A_66 : i32
      %lt3A_68 = arith.cmpi slt, %add3A_67, %select_n3A : i32
      %convert_element_type3A_69 = arith.extui %lt3A_68 : i1 to i32
      %cond3A_70 = arith.constant 0 : i32
      %cond3A_71 = arith.cmpi ne, %convert_element_type3A_69, %cond3A_70 : i32
      scf.if %cond3A_71 {
        %add3A_81 = arith.constant 1 : i32
        %add3A_82 = arith.addi %add3A_65, %add3A_81 : i32
        %dma_wait3A_83 = arith.constant 0 : i32
        %dma_wait3A_84 = tpu.memref_slice %arg3[%add3A, %add3A_82, %dma_wait3A_83] : memref<32x128x128xi32, #tpu.memory_space<hbm>> -> memref<1x1x128xi32, #tpu.memory_space<hbm>>
        %dma_wait3A_85 = tpu.memref_squeeze %dma_wait3A_84 : memref<1x1x128xi32, #tpu.memory_space<hbm>> -> memref<128xi32, #tpu.memory_space<hbm>>
        %dma_wait3A_86 = arith.constant 0 : i32
        %dma_wait3A_87 = tpu.memref_slice %arg3[%add3A, %add3A_82, %dma_wait3A_86] : memref<32x128x128xi32, #tpu.memory_space<hbm>> -> memref<1x1x128xi32, #tpu.memory_space<hbm>>
        %dma_wait3A_88 = tpu.memref_squeeze %dma_wait3A_87 : memref<1x1x128xi32, #tpu.memory_space<hbm>> -> memref<128xi32, #tpu.memory_space<hbm>>
        tpu.wait_dma2 semaphore(%arg15 : memref<!tpu.dma_semaphore, #tpu.memory_space<semaphore_mem>>) src(%dma_wait3A_88 : memref<128xi32, #tpu.memory_space<hbm>>) dst(%arg8 : memref<128xi32, #tpu.memory_space<vmem>>)
        %dma_start3A_89 = arith.constant 0 : i32
        %dma_start3A_90 = arith.constant 0 : i32
        %dma_start3A_91 = tpu.memref_slice %arg2[%dma_start3A_89, %dma_start3A_90] : memref<10000x128xf32, #tpu.memory_space<hbm>> -> memref<10000x128xf32, #tpu.memory_space<hbm>>
        tpu.enqueue_indirect_dma source(%dma_start3A_91 : memref<10000x128xf32, #tpu.memory_space<hbm>>) target(%arg10 : memref<128x128xf32, #tpu.memory_space<vmem>>) offsets(%arg8 : memref<128xi32, #tpu.memory_space<vmem>>) semaphore(%arg13 : memref<!tpu.dma_semaphore, #tpu.memory_space<semaphore_mem>>)
      } else {
      }
      %dma_wait3A_72 = arith.constant 0 : i32
      %dma_wait3A_73 = arith.constant 0 : i32
      %dma_wait3A_74 = tpu.memref_slice %arg2[%dma_wait3A_72, %dma_wait3A_73] : memref<10000x128xf32, #tpu.memory_space<hbm>> -> memref<10000x128xf32, #tpu.memory_space<hbm>>
      tpu.wait_indirect_dma semaphore(%arg14 : memref<!tpu.dma_semaphore, #tpu.memory_space<semaphore_mem>>) src(%dma_wait3A_74 : memref<10000x128xf32, #tpu.memory_space<hbm>>) dst(%arg11 : memref<128x128xf32, #tpu.memory_space<vmem>>)
      %add3A_75 = arith.constant 2 : i32
      %add3A_76 = arith.addi %add3A_65, %add3A_75 : i32
      %lt3A_77 = arith.cmpi slt, %add3A_76, %select_n3A : i32
      %convert_element_type3A_78 = arith.extui %lt3A_77 : i1 to i32
      %cond3A_79 = arith.constant 0 : i32
      %cond3A_80 = arith.cmpi ne, %convert_element_type3A_78, %cond3A_79 : i32
      scf.if %cond3A_80 {
        %add3A_81 = arith.constant 2 : i32
        %add3A_82 = arith.addi %add3A_65, %add3A_81 : i32
        %dma_start3A_83 = arith.constant 0 : i32
        %dma_start3A_84 = tpu.memref_slice %arg3[%add3A, %add3A_82, %dma_start3A_83] : memref<32x128x128xi32, #tpu.memory_space<hbm>> -> memref<1x1x128xi32, #tpu.memory_space<hbm>>
        %dma_start3A_85 = tpu.memref_squeeze %dma_start3A_84 : memref<1x1x128xi32, #tpu.memory_space<hbm>> -> memref<128xi32, #tpu.memory_space<hbm>>
        %dma_start3A_86 = arith.constant 0 : i32
        %dma_start3A_87 = tpu.memref_slice %arg3[%add3A, %add3A_82, %dma_start3A_86] : memref<32x128x128xi32, #tpu.memory_space<hbm>> -> memref<1x1x128xi32, #tpu.memory_space<hbm>>
        %dma_start3A_88 = tpu.memref_squeeze %dma_start3A_87 : memref<1x1x128xi32, #tpu.memory_space<hbm>> -> memref<128xi32, #tpu.memory_space<hbm>>
        tpu.enqueue_dma source(%dma_start3A_88 : memref<128xi32, #tpu.memory_space<hbm>>) target(%arg9 : memref<128xi32, #tpu.memory_space<vmem>>) target_semaphore(%arg16 : memref<!tpu.dma_semaphore, #tpu.memory_space<semaphore_mem>>)
      } else {
      }
      "tpu.region"() ({
        %run_scoped3A_81 = tpu.sem_alloc : memref<!tpu.dma_semaphore, #tpu.memory_space<semaphore_mem>>
        %dma_start3A_82 = arith.constant 0 : i32
        %dma_start3A_83 = tpu.memref_slice %arg7[%add3A_65, %dma_start3A_82] : memref<128x128xi32, #tpu.memory_space<vmem>> -> memref<1x128xi32, #tpu.memory_space<vmem>>
        %dma_start3A_84 = tpu.memref_squeeze %dma_start3A_83 : memref<1x128xi32, #tpu.memory_space<vmem>> -> memref<128xi32, #tpu.memory_space<vmem>>
        %dma_start3A_85 = arith.constant 0 : i32
        %dma_start3A_86 = arith.constant 0 : i32
        %dma_start3A_87 = tpu.memref_slice %arg12[%dma_start3A_85, %dma_start3A_86] : memref<10112x128xf32, #tpu.memory_space<vmem_shared>> -> memref<10112x128xf32, #tpu.memory_space<vmem_shared>>
        tpu.enqueue_indirect_dma source(%arg11 : memref<128x128xf32, #tpu.memory_space<vmem>>) target(%dma_start3A_87 : memref<10112x128xf32, #tpu.memory_space<vmem_shared>>) offsets(%dma_start3A_84 : memref<128xi32, #tpu.memory_space<vmem>>) semaphore(%run_scoped3A_81 : memref<!tpu.dma_semaphore, #tpu.memory_space<semaphore_mem>>) {add = true}
        %dma_wait3A_88 = arith.constant 0 : i32
        %dma_wait3A_89 = tpu.memref_slice %arg7[%add3A_65, %dma_wait3A_88] : memref<128x128xi32, #tpu.memory_space<vmem>> -> memref<1x128xi32, #tpu.memory_space<vmem>>
        %dma_wait3A_90 = tpu.memref_squeeze %dma_wait3A_89 : memref<1x128xi32, #tpu.memory_space<vmem>> -> memref<128xi32, #tpu.memory_space<vmem>>
        %dma_wait3A_91 = arith.constant 0 : i32
        %dma_wait3A_92 = arith.constant 0 : i32
        %dma_wait3A_93 = tpu.memref_slice %arg12[%dma_wait3A_91, %dma_wait3A_92] : memref<10112x128xf32, #tpu.memory_space<vmem_shared>> -> memref<10112x128xf32, #tpu.memory_space<vmem_shared>>
        tpu.wait_indirect_dma semaphore(%run_scoped3A_81 : memref<!tpu.dma_semaphore, #tpu.memory_space<semaphore_mem>>) src(%arg11 : memref<128x128xf32, #tpu.memory_space<vmem>>) dst(%dma_wait3A_93 : memref<10112x128xf32, #tpu.memory_space<vmem_shared>>)
        tpu.yield
      }) : () -> ()
    }
    %while3A_40 = arith.constant 1 : i32
    scf.for %while3A_46 = %while3A_38 to %while3A_34 step %while3A_40  : i32 {
      %mul3A_47 = arith.constant 2 : i32
      %mul3A_48 = arith.muli %while3A_46, %mul3A_47 : i32
      %add3A_49 = arith.constant 0 : i32
      %add3A_50 = arith.addi %mul3A_48, %add3A_49 : i32
      %add3A_51 = arith.constant 1 : i32
      %add3A_52 = arith.addi %add3A_50, %add3A_51 : i32
      %lt3A = arith.cmpi slt, %add3A_52, %select_n3A : i32
      %convert_element_type3A = arith.extui %lt3A : i1 to i32
      %cond3A = arith.constant 0 : i32
      %cond3A_53 = arith.cmpi ne, %convert_element_type3A, %cond3A : i32
      scf.if %cond3A_53 {
        %add3A_81 = arith.constant 1 : i32
        %add3A_82 = arith.addi %add3A_50, %add3A_81 : i32
        %dma_wait3A_83 = arith.constant 0 : i32
        %dma_wait3A_84 = tpu.memref_slice %arg3[%add3A, %add3A_82, %dma_wait3A_83] : memref<32x128x128xi32, #tpu.memory_space<hbm>> -> memref<1x1x128xi32, #tpu.memory_space<hbm>>
        %dma_wait3A_85 = tpu.memref_squeeze %dma_wait3A_84 : memref<1x1x128xi32, #tpu.memory_space<hbm>> -> memref<128xi32, #tpu.memory_space<hbm>>
        %dma_wait3A_86 = arith.constant 0 : i32
        %dma_wait3A_87 = tpu.memref_slice %arg3[%add3A, %add3A_82, %dma_wait3A_86] : memref<32x128x128xi32, #tpu.memory_space<hbm>> -> memref<1x1x128xi32, #tpu.memory_space<hbm>>
        %dma_wait3A_88 = tpu.memref_squeeze %dma_wait3A_87 : memref<1x1x128xi32, #tpu.memory_space<hbm>> -> memref<128xi32, #tpu.memory_space<hbm>>
        tpu.wait_dma2 semaphore(%arg16 : memref<!tpu.dma_semaphore, #tpu.memory_space<semaphore_mem>>) src(%dma_wait3A_88 : memref<128xi32, #tpu.memory_space<hbm>>) dst(%arg9 : memref<128xi32, #tpu.memory_space<vmem>>)
        %dma_start3A_89 = arith.constant 0 : i32
        %dma_start3A_90 = arith.constant 0 : i32
        %dma_start3A_91 = tpu.memref_slice %arg2[%dma_start3A_89, %dma_start3A_90] : memref<10000x128xf32, #tpu.memory_space<hbm>> -> memref<10000x128xf32, #tpu.memory_space<hbm>>
        tpu.enqueue_indirect_dma source(%dma_start3A_91 : memref<10000x128xf32, #tpu.memory_space<hbm>>) target(%arg11 : memref<128x128xf32, #tpu.memory_space<vmem>>) offsets(%arg9 : memref<128xi32, #tpu.memory_space<vmem>>) semaphore(%arg14 : memref<!tpu.dma_semaphore, #tpu.memory_space<semaphore_mem>>)
      } else {
      }
      %dma_wait3A = arith.constant 0 : i32
      %dma_wait3A_54 = arith.constant 0 : i32
      %dma_wait3A_55 = tpu.memref_slice %arg2[%dma_wait3A, %dma_wait3A_54] : memref<10000x128xf32, #tpu.memory_space<hbm>> -> memref<10000x128xf32, #tpu.memory_space<hbm>>
      tpu.wait_indirect_dma semaphore(%arg13 : memref<!tpu.dma_semaphore, #tpu.memory_space<semaphore_mem>>) src(%dma_wait3A_55 : memref<10000x128xf32, #tpu.memory_space<hbm>>) dst(%arg10 : memref<128x128xf32, #tpu.memory_space<vmem>>)
      %add3A_56 = arith.constant 2 : i32
      %add3A_57 = arith.addi %add3A_50, %add3A_56 : i32
      %lt3A_58 = arith.cmpi slt, %add3A_57, %select_n3A : i32
      %convert_element_type3A_59 = arith.extui %lt3A_58 : i1 to i32
      %cond3A_60 = arith.constant 0 : i32
      %cond3A_61 = arith.cmpi ne, %convert_element_type3A_59, %cond3A_60 : i32
      scf.if %cond3A_61 {
        %add3A_81 = arith.constant 2 : i32
        %add3A_82 = arith.addi %add3A_50, %add3A_81 : i32
        %dma_start3A_83 = arith.constant 0 : i32
        %dma_start3A_84 = tpu.memref_slice %arg3[%add3A, %add3A_82, %dma_start3A_83] : memref<32x128x128xi32, #tpu.memory_space<hbm>> -> memref<1x1x128xi32, #tpu.memory_space<hbm>>
        %dma_start3A_85 = tpu.memref_squeeze %dma_start3A_84 : memref<1x1x128xi32, #tpu.memory_space<hbm>> -> memref<128xi32, #tpu.memory_space<hbm>>
        %dma_start3A_86 = arith.constant 0 : i32
        %dma_start3A_87 = tpu.memref_slice %arg3[%add3A, %add3A_82, %dma_start3A_86] : memref<32x128x128xi32, #tpu.memory_space<hbm>> -> memref<1x1x128xi32, #tpu.memory_space<hbm>>
        %dma_start3A_88 = tpu.memref_squeeze %dma_start3A_87 : memref<1x1x128xi32, #tpu.memory_space<hbm>> -> memref<128xi32, #tpu.memory_space<hbm>>
        tpu.enqueue_dma source(%dma_start3A_88 : memref<128xi32, #tpu.memory_space<hbm>>) target(%arg8 : memref<128xi32, #tpu.memory_space<vmem>>) target_semaphore(%arg15 : memref<!tpu.dma_semaphore, #tpu.memory_space<semaphore_mem>>)
      } else {
      }
      "tpu.region"() ({
        %run_scoped3A_81 = tpu.sem_alloc : memref<!tpu.dma_semaphore, #tpu.memory_space<semaphore_mem>>
        %dma_start3A_82 = arith.constant 0 : i32
        %dma_start3A_83 = tpu.memref_slice %arg7[%add3A_50, %dma_start3A_82] : memref<128x128xi32, #tpu.memory_space<vmem>> -> memref<1x128xi32, #tpu.memory_space<vmem>>
        %dma_start3A_84 = tpu.memref_squeeze %dma_start3A_83 : memref<1x128xi32, #tpu.memory_space<vmem>> -> memref<128xi32, #tpu.memory_space<vmem>>
        %dma_start3A_85 = arith.constant 0 : i32
        %dma_start3A_86 = arith.constant 0 : i32
        %dma_start3A_87 = tpu.memref_slice %arg12[%dma_start3A_85, %dma_start3A_86] : memref<10112x128xf32, #tpu.memory_space<vmem_shared>> -> memref<10112x128xf32, #tpu.memory_space<vmem_shared>>
        tpu.enqueue_indirect_dma source(%arg10 : memref<128x128xf32, #tpu.memory_space<vmem>>) target(%dma_start3A_87 : memref<10112x128xf32, #tpu.memory_space<vmem_shared>>) offsets(%dma_start3A_84 : memref<128xi32, #tpu.memory_space<vmem>>) semaphore(%run_scoped3A_81 : memref<!tpu.dma_semaphore, #tpu.memory_space<semaphore_mem>>) {add = true}
        %dma_wait3A_88 = arith.constant 0 : i32
        %dma_wait3A_89 = tpu.memref_slice %arg7[%add3A_50, %dma_wait3A_88] : memref<128x128xi32, #tpu.memory_space<vmem>> -> memref<1x128xi32, #tpu.memory_space<vmem>>
        %dma_wait3A_90 = tpu.memref_squeeze %dma_wait3A_89 : memref<1x128xi32, #tpu.memory_space<vmem>> -> memref<128xi32, #tpu.memory_space<vmem>>
        %dma_wait3A_91 = arith.constant 0 : i32
        %dma_wait3A_92 = arith.constant 0 : i32
        %dma_wait3A_93 = tpu.memref_slice %arg12[%dma_wait3A_91, %dma_wait3A_92] : memref<10112x128xf32, #tpu.memory_space<vmem_shared>> -> memref<10112x128xf32, #tpu.memory_space<vmem_shared>>
        tpu.wait_indirect_dma semaphore(%run_scoped3A_81 : memref<!tpu.dma_semaphore, #tpu.memory_space<semaphore_mem>>) src(%arg10 : memref<128x128xf32, #tpu.memory_space<vmem>>) dst(%dma_wait3A_93 : memref<10112x128xf32, #tpu.memory_space<vmem_shared>>)
        tpu.yield
      }) : () -> ()
      %mul3A_62 = arith.constant 2 : i32
      %mul3A_63 = arith.muli %while3A_46, %mul3A_62 : i32
      %add3A_64 = arith.constant 1 : i32
      %add3A_65 = arith.addi %mul3A_63, %add3A_64 : i32
      %add3A_66 = arith.constant 1 : i32
      %add3A_67 = arith.addi %add3A_65, %add3A_66 : i32
      %lt3A_68 = arith.cmpi slt, %add3A_67, %select_n3A : i32
      %convert_element_type3A_69 = arith.extui %lt3A_68 : i1 to i32
      %cond3A_70 = arith.constant 0 : i32
      %cond3A_71 = arith.cmpi ne, %convert_element_type3A_69, %cond3A_70 : i32
      scf.if %cond3A_71 {
        %add3A_81 = arith.constant 1 : i32
        %add3A_82 = arith.addi %add3A_65, %add3A_81 : i32
        %dma_wait3A_83 = arith.constant 0 : i32
        %dma_wait3A_84 = tpu.memref_slice %arg3[%add3A, %add3A_82, %dma_wait3A_83] : memref<32x128x128xi32, #tpu.memory_space<hbm>> -> memref<1x1x128xi32, #tpu.memory_space<hbm>>
        %dma_wait3A_85 = tpu.memref_squeeze %dma_wait3A_84 : memref<1x1x128xi32, #tpu.memory_space<hbm>> -> memref<128xi32, #tpu.memory_space<hbm>>
        %dma_wait3A_86 = arith.constant 0 : i32
        %dma_wait3A_87 = tpu.memref_slice %arg3[%add3A, %add3A_82, %dma_wait3A_86] : memref<32x128x128xi32, #tpu.memory_space<hbm>> -> memref<1x1x128xi32, #tpu.memory_space<hbm>>
        %dma_wait3A_88 = tpu.memref_squeeze %dma_wait3A_87 : memref<1x1x128xi32, #tpu.memory_space<hbm>> -> memref<128xi32, #tpu.memory_space<hbm>>
        tpu.wait_dma2 semaphore(%arg15 : memref<!tpu.dma_semaphore, #tpu.memory_space<semaphore_mem>>) src(%dma_wait3A_88 : memref<128xi32, #tpu.memory_space<hbm>>) dst(%arg8 : memref<128xi32, #tpu.memory_space<vmem>>)
        %dma_start3A_89 = arith.constant 0 : i32
        %dma_start3A_90 = arith.constant 0 : i32
        %dma_start3A_91 = tpu.memref_slice %arg2[%dma_start3A_89, %dma_start3A_90] : memref<10000x128xf32, #tpu.memory_space<hbm>> -> memref<10000x128xf32, #tpu.memory_space<hbm>>
        tpu.enqueue_indirect_dma source(%dma_start3A_91 : memref<10000x128xf32, #tpu.memory_space<hbm>>) target(%arg10 : memref<128x128xf32, #tpu.memory_space<vmem>>) offsets(%arg8 : memref<128xi32, #tpu.memory_space<vmem>>) semaphore(%arg13 : memref<!tpu.dma_semaphore, #tpu.memory_space<semaphore_mem>>)
      } else {
      }
      %dma_wait3A_72 = arith.constant 0 : i32
      %dma_wait3A_73 = arith.constant 0 : i32
      %dma_wait3A_74 = tpu.memref_slice %arg2[%dma_wait3A_72, %dma_wait3A_73] : memref<10000x128xf32, #tpu.memory_space<hbm>> -> memref<10000x128xf32, #tpu.memory_space<hbm>>
      tpu.wait_indirect_dma semaphore(%arg14 : memref<!tpu.dma_semaphore, #tpu.memory_space<semaphore_mem>>) src(%dma_wait3A_74 : memref<10000x128xf32, #tpu.memory_space<hbm>>) dst(%arg11 : memref<128x128xf32, #tpu.memory_space<vmem>>)
      %add3A_75 = arith.constant 2 : i32
      %add3A_76 = arith.addi %add3A_65, %add3A_75 : i32
      %lt3A_77 = arith.cmpi slt, %add3A_76, %select_n3A : i32
      %convert_element_type3A_78 = arith.extui %lt3A_77 : i1 to i32
      %cond3A_79 = arith.constant 0 : i32
      %cond3A_80 = arith.cmpi ne, %convert_element_type3A_78, %cond3A_79 : i32
      scf.if %cond3A_80 {
        %add3A_81 = arith.constant 2 : i32
        %add3A_82 = arith.addi %add3A_65, %add3A_81 : i32
        %dma_start3A_83 = arith.constant 0 : i32
        %dma_start3A_84 = tpu.memref_slice %arg3[%add3A, %add3A_82, %dma_start3A_83] : memref<32x128x128xi32, #tpu.memory_space<hbm>> -> memref<1x1x128xi32, #tpu.memory_space<hbm>>
        %dma_start3A_85 = tpu.memref_squeeze %dma_start3A_84 : memref<1x1x128xi32, #tpu.memory_space<hbm>> -> memref<128xi32, #tpu.memory_space<hbm>>
        %dma_start3A_86 = arith.constant 0 : i32
        %dma_start3A_87 = tpu.memref_slice %arg3[%add3A, %add3A_82, %dma_start3A_86] : memref<32x128x128xi32, #tpu.memory_space<hbm>> -> memref<1x1x128xi32, #tpu.memory_space<hbm>>
        %dma_start3A_88 = tpu.memref_squeeze %dma_start3A_87 : memref<1x1x128xi32, #tpu.memory_space<hbm>> -> memref<128xi32, #tpu.memory_space<hbm>>
        tpu.enqueue_dma source(%dma_start3A_88 : memref<128xi32, #tpu.memory_space<hbm>>) target(%arg9 : memref<128xi32, #tpu.memory_space<vmem>>) target_semaphore(%arg16 : memref<!tpu.dma_semaphore, #tpu.memory_space<semaphore_mem>>)
      } else {
      }
      "tpu.region"() ({
        %run_scoped3A_81 = tpu.sem_alloc : memref<!tpu.dma_semaphore, #tpu.memory_space<semaphore_mem>>
        %dma_start3A_82 = arith.constant 0 : i32
        %dma_start3A_83 = tpu.memref_slice %arg7[%add3A_65, %dma_start3A_82] : memref<128x128xi32, #tpu.memory_space<vmem>> -> memref<1x128xi32, #tpu.memory_space<vmem>>
        %dma_start3A_84 = tpu.memref_squeeze %dma_start3A_83 : memref<1x128xi32, #tpu.memory_space<vmem>> -> memref<128xi32, #tpu.memory_space<vmem>>
        %dma_start3A_85 = arith.constant 0 : i32
        %dma_start3A_86 = arith.constant 0 : i32
        %dma_start3A_87 = tpu.memref_slice %arg12[%dma_start3A_85, %dma_start3A_86] : memref<10112x128xf32, #tpu.memory_space<vmem_shared>> -> memref<10112x128xf32, #tpu.memory_space<vmem_shared>>
        tpu.enqueue_indirect_dma source(%arg11 : memref<128x128xf32, #tpu.memory_space<vmem>>) target(%dma_start3A_87 : memref<10112x128xf32, #tpu.memory_space<vmem_shared>>) offsets(%dma_start3A_84 : memref<128xi32, #tpu.memory_space<vmem>>) semaphore(%run_scoped3A_81 : memref<!tpu.dma_semaphore, #tpu.memory_space<semaphore_mem>>) {add = true}
        %dma_wait3A_88 = arith.constant 0 : i32
        %dma_wait3A_89 = tpu.memref_slice %arg7[%add3A_65, %dma_wait3A_88] : memref<128x128xi32, #tpu.memory_space<vmem>> -> memref<1x128xi32, #tpu.memory_space<vmem>>
        %dma_wait3A_90 = tpu.memref_squeeze %dma_wait3A_89 : memref<1x128xi32, #tpu.memory_space<vmem>> -> memref<128xi32, #tpu.memory_space<vmem>>
        %dma_wait3A_91 = arith.constant 0 : i32
        %dma_wait3A_92 = arith.constant 0 : i32
        %dma_wait3A_93 = tpu.memref_slice %arg12[%dma_wait3A_91, %dma_wait3A_92] : memref<10112x128xf32, #tpu.memory_space<vmem_shared>> -> memref<10112x128xf32, #tpu.memory_space<vmem_shared>>
        tpu.wait_indirect_dma semaphore(%run_scoped3A_81 : memref<!tpu.dma_semaphore, #tpu.memory_space<semaphore_mem>>) src(%arg11 : memref<128x128xf32, #tpu.memory_space<vmem>>) dst(%dma_wait3A_93 : memref<10112x128xf32, #tpu.memory_space<vmem_shared>>)
        tpu.yield
      }) : () -> ()
    }
    %barrier3A_41 = arith.constant 0 : index
    tpu.barrier barrier_id(%barrier3A_41)
    %mul3A_42 = arith.constant 632 : i32
    %mul3A_43 = arith.muli %arg1, %mul3A_42 : i32
    %mul3A_44 = arith.constant 632 : i32
    %mul3A_45 = arith.muli %arg1, %mul3A_44 : i32
    "tpu.region"() ({
      %run_scoped3A_46 = tpu.sem_alloc : memref<!tpu.dma_semaphore, #tpu.memory_space<semaphore_mem>>
      %dma_start3A_47 = arith.constant 0 : i32
      %dma_start3A_48 = tpu.memref_slice %arg6[%arg0, %mul3A_45, %dma_start3A_47] : memref<2x10112x128xf32, #tpu.memory_space<hbm>> -> memref<1x632x128xf32, #tpu.memory_space<hbm>>
      %dma_start3A_49 = tpu.memref_squeeze %dma_start3A_48 : memref<1x632x128xf32, #tpu.memory_space<hbm>> -> memref<632x128xf32, #tpu.memory_space<hbm>>
      %dma_start3A_50 = arith.constant 0 : i32
      %dma_start3A_51 = tpu.memref_slice %arg12[%mul3A_43, %dma_start3A_50] : memref<10112x128xf32, #tpu.memory_space<vmem_shared>> -> memref<632x128xf32, #tpu.memory_space<vmem_shared>>
      tpu.enqueue_dma source(%dma_start3A_51 : memref<632x128xf32, #tpu.memory_space<vmem_shared>>) target(%dma_start3A_49 : memref<632x128xf32, #tpu.memory_space<hbm>>) target_semaphore(%run_scoped3A_46 : memref<!tpu.dma_semaphore, #tpu.memory_space<semaphore_mem>>)
      %dma_wait3A = arith.constant 0 : i32
      %dma_wait3A_52 = tpu.memref_slice %arg6[%arg0, %mul3A_45, %dma_wait3A] : memref<2x10112x128xf32, #tpu.memory_space<hbm>> -> memref<1x632x128xf32, #tpu.memory_space<hbm>>
      %dma_wait3A_53 = tpu.memref_squeeze %dma_wait3A_52 : memref<1x632x128xf32, #tpu.memory_space<hbm>> -> memref<632x128xf32, #tpu.memory_space<hbm>>
      %dma_wait3A_54 = arith.constant 0 : i32
      %dma_wait3A_55 = tpu.memref_slice %arg12[%mul3A_43, %dma_wait3A_54] : memref<10112x128xf32, #tpu.memory_space<vmem_shared>> -> memref<632x128xf32, #tpu.memory_space<vmem_shared>>
      tpu.wait_dma2 semaphore(%run_scoped3A_46 : memref<!tpu.dma_semaphore, #tpu.memory_space<semaphore_mem>>) src(%dma_wait3A_55 : memref<632x128xf32, #tpu.memory_space<vmem_shared>>) dst(%dma_wait3A_53 : memref<632x128xf32, #tpu.memory_space<hbm>>)
      tpu.yield
    }) : () -> ()
    return
  }
}

module attributes {stable_mosaic.version = 14 : i64} {
  func.func @_pre_body(%arg0: i32, %arg1: memref<1000x128xf32, #tpu.memory_space<vmem>>, %arg2: memref<1000x128xf32, #tpu.memory_space<vmem>>, %arg3: memref<128x128xf32, #tpu.memory_space<vmem>>, %arg4: memref<128x128xf32, #tpu.memory_space<vmem>>, %arg5: memref<1x128xf32, #tpu.memory_space<vmem>>, %arg6: memref<1000x128xf32, #tpu.memory_space<vmem>>, %arg7: memref<1000x128xf32, #tpu.memory_space<vmem>>) attributes {dimension_semantics = [#tpu.dimension_semantics<arbitrary>], iteration_bounds = array<i64: 10>, scalar_prefetch = 0 : i64, scratch_operands = 0 : i64, tpu.core_type = #tpu.core_type<tc>, window_params = [{transform_indices = @transform_0, window_bounds = array<i64: 1000, 128>}, {transform_indices = @transform_1, window_bounds = array<i64: 1000, 128>}, {pipeline_mode = #tpu.pipeline_mode<synchronous>, transform_indices = @transform_2, window_bounds = array<i64: 128, 128>}, {pipeline_mode = #tpu.pipeline_mode<synchronous>, transform_indices = @transform_3, window_bounds = array<i64: 128, 128>}, {pipeline_mode = #tpu.pipeline_mode<synchronous>, transform_indices = @transform_4, window_bounds = array<i64: 1, 128>}, {transform_indices = @transform_5, window_bounds = array<i64: 1000, 128>}, {transform_indices = @transform_6, window_bounds = array<i64: 1000, 128>}]} {
    %get3A = arith.constant 0 : index
    %get3A_0 = arith.constant 0 : index
    %get3A_1 = vector.load %arg1[%get3A, %get3A_0] : memref<1000x128xf32, #tpu.memory_space<vmem>>, vector<1000x128xf32>
    %get3A_2 = arith.constant 0 : index
    %get3A_3 = arith.constant 0 : index
    %get3A_4 = vector.load %arg3[%get3A_2, %get3A_3] : memref<128x128xf32, #tpu.memory_space<vmem>>, vector<128x128xf32>
    %dot_general3A = arith.constant dense<0.000000e+00> : vector<1000x128xf32>
    %dot_general3A_5 = tpu.matmul %get3A_1, %get3A_4, %dot_general3A {dimension_numbers = #tpu.dot_dimension_numbers<[1], [0], [0], [1], [0, 0, 1, 1], [], []>, transpose_lhs_hint = false} : vector<1000x128xf32>, vector<128x128xf32>, vector<1000x128xf32> -> vector<1000x128xf32>
    %get3A_6 = arith.constant 0 : index
    %get3A_7 = arith.constant 0 : index
    %get3A_8 = vector.load %arg5[%get3A_6, %get3A_7] : memref<1x128xf32, #tpu.memory_space<vmem>>, vector<1x128xf32>
    %add3A = vector.broadcast %get3A_8 : vector<1x128xf32> to vector<1000x128xf32>
    %add3A_9 = arith.addf %dot_general3A_5, %add3A : vector<1000x128xf32>
    %swap3A = arith.constant 0 : index
    %swap3A_10 = arith.constant 0 : index
    %swap3A_11 = vector.load %arg6[%swap3A, %swap3A_10] : memref<1000x128xf32, #tpu.memory_space<vmem>>, vector<1000x128xf32>
    tpu.vector_store %arg6[%swap3A, %swap3A_10], %add3A_9 {strides = array<i32>} : memref<1000x128xf32, #tpu.memory_space<vmem>>, vector<1000x128xf32>,
    %get3A_12 = arith.constant 0 : index
    %get3A_13 = arith.constant 0 : index
    %get3A_14 = vector.load %arg2[%get3A_12, %get3A_13] : memref<1000x128xf32, #tpu.memory_space<vmem>>, vector<1000x128xf32>
    %get3A_15 = arith.constant 0 : index
    %get3A_16 = arith.constant 0 : index
    %get3A_17 = vector.load %arg4[%get3A_15, %get3A_16] : memref<128x128xf32, #tpu.memory_space<vmem>>, vector<128x128xf32>
    %dot_general3A_18 = arith.constant dense<0.000000e+00> : vector<1000x128xf32>
    %dot_general3A_19 = tpu.matmul %get3A_14, %get3A_17, %dot_general3A_18 {dimension_numbers = #tpu.dot_dimension_numbers<[1], [0], [0], [1], [0, 0, 1, 1], [], []>, transpose_lhs_hint = false} : vector<1000x128xf32>, vector<128x128xf32>, vector<1000x128xf32> -> vector<1000x128xf32>
    %swap3A_20 = arith.constant 0 : index
    %swap3A_21 = arith.constant 0 : index
    %swap3A_22 = vector.load %arg7[%swap3A_20, %swap3A_21] : memref<1000x128xf32, #tpu.memory_space<vmem>>, vector<1000x128xf32>
    tpu.vector_store %arg7[%swap3A_20, %swap3A_21], %dot_general3A_19 {strides = array<i32>} : memref<1000x128xf32, #tpu.memory_space<vmem>>, vector<1000x128xf32>,
    return
  }
  func.func @transform_0(%arg0: i32) -> (i32, i32) {
    %c0_i32 = arith.constant 0 : i32
    %c0_i32_0 = arith.constant 0 : i32
    return %arg0, %c0_i32 : i32, i32
  }
  func.func @transform_1(%arg0: i32) -> (i32, i32) {
    %c0_i32 = arith.constant 0 : i32
    %c0_i32_0 = arith.constant 0 : i32
    return %arg0, %c0_i32 : i32, i32
  }
  func.func @transform_2(%arg0: i32) -> (i32, i32) {
    %c0_i32 = arith.constant 0 : i32
    %c0_i32_0 = arith.constant 0 : i32
    %c0_i32_1 = arith.constant 0 : i32
    return %c0_i32, %c0_i32_0 : i32, i32
  }
  func.func @transform_3(%arg0: i32) -> (i32, i32) {
    %c0_i32 = arith.constant 0 : i32
    %c0_i32_0 = arith.constant 0 : i32
    %c0_i32_1 = arith.constant 0 : i32
    return %c0_i32, %c0_i32_0 : i32, i32
  }
  func.func @transform_4(%arg0: i32) -> (i32, i32) {
    %c0_i32 = arith.constant 0 : i32
    %c0_i32_0 = arith.constant 0 : i32
    %c0_i32_1 = arith.constant 0 : i32
    return %c0_i32, %c0_i32_0 : i32, i32
  }
  func.func @transform_5(%arg0: i32) -> (i32, i32) {
    %c0_i32 = arith.constant 0 : i32
    %c0_i32_0 = arith.constant 0 : i32
    return %arg0, %c0_i32 : i32, i32
  }
  func.func @transform_6(%arg0: i32) -> (i32, i32) {
    %c0_i32 = arith.constant 0 : i32
    %c0_i32_0 = arith.constant 0 : i32
    return %arg0, %c0_i32 : i32, i32
  }
}

module attributes {stable_mosaic.version = 14 : i64} {
  func.func @_mid_body(%arg0: i32, %arg1: memref<1000x128xf32, #tpu.memory_space<vmem>>, %arg2: memref<2x1000x128xf32, #tpu.memory_space<vmem>>, %arg3: memref<1000x32xf32, #tpu.memory_space<vmem>>, %arg4: memref<1000x128xf32, #tpu.memory_space<vmem>>, %arg5: memref<128x128xf32, #tpu.memory_space<vmem>>, %arg6: memref<128x128xf32, #tpu.memory_space<vmem>>, %arg7: memref<1x128xf32, #tpu.memory_space<vmem>>, %arg8: memref<1000x128xf32, #tpu.memory_space<vmem>>, %arg9: memref<1000x128xf32, #tpu.memory_space<vmem>>, %arg10: memref<1000x128xf32, #tpu.memory_space<vmem>>) attributes {dimension_semantics = [#tpu.dimension_semantics<arbitrary>], iteration_bounds = array<i64: 10>, scalar_prefetch = 0 : i64, scratch_operands = 0 : i64, tpu.core_type = #tpu.core_type<tc>, window_params = [{transform_indices = @transform_0, window_bounds = array<i64: 1000, 128>}, {transform_indices = @transform_1, window_bounds = array<i64: 2, 1000, 128>}, {transform_indices = @transform_2, window_bounds = array<i64: 1000, 32>}, {transform_indices = @transform_3, window_bounds = array<i64: 1000, 128>}, {pipeline_mode = #tpu.pipeline_mode<synchronous>, transform_indices = @transform_4, window_bounds = array<i64: 128, 128>}, {pipeline_mode = #tpu.pipeline_mode<synchronous>, transform_indices = @transform_5, window_bounds = array<i64: 128, 128>}, {pipeline_mode = #tpu.pipeline_mode<synchronous>, transform_indices = @transform_6, window_bounds = array<i64: 1, 128>}, {transform_indices = @transform_7, window_bounds = array<i64: 1000, 128>}, {transform_indices = @transform_8, window_bounds = array<i64: 1000, 128>}, {transform_indices = @transform_9, window_bounds = array<i64: 1000, 128>}]} {
    %get3A = arith.constant 0 : index
    %get3A_0 = arith.constant 0 : index
    %get3A_1 = arith.constant 0 : index
    %get3A_2 = vector.load %arg2[%get3A, %get3A_0, %get3A_1] : memref<2x1000x128xf32, #tpu.memory_space<vmem>>, vector<1x1000x128xf32>
    %get3A_3 = vector.shape_cast %get3A_2 : vector<1x1000x128xf32> to vector<1000x128xf32>
    %get3A_4 = arith.constant 1 : index
    %get3A_5 = arith.constant 0 : index
    %get3A_6 = arith.constant 0 : index
    %get3A_7 = vector.load %arg2[%get3A_4, %get3A_5, %get3A_6] : memref<2x1000x128xf32, #tpu.memory_space<vmem>>, vector<1x1000x128xf32>
    %get3A_8 = vector.shape_cast %get3A_7 : vector<1x1000x128xf32> to vector<1000x128xf32>
    %add3A = arith.addf %get3A_3, %get3A_8 : vector<1000x128xf32>
    %get3A_9 = arith.constant 0 : index
    %get3A_10 = arith.constant 0 : index
    %get3A_11 = vector.load %arg3[%get3A_9, %get3A_10] : memref<1000x32xf32, #tpu.memory_space<vmem>>, vector<1000x32xf32>
    %reduce_sum3A = arith.constant dense<0.000000e+00> : vector<1000xf32>
    %reduce_sum3A_12 = vector.multi_reduction <add>, %get3A_11, %reduce_sum3A [1] : vector<1000x32xf32> to vector<1000xf32>
    %broadcast_in_dim3A = vector.shape_cast %reduce_sum3A_12 : vector<1000xf32> to vector<1000x1xf32>
    %get3A_13 = arith.constant 0 : index
    %get3A_14 = arith.constant 0 : index
    %get3A_15 = vector.load %arg1[%get3A_13, %get3A_14] : memref<1000x128xf32, #tpu.memory_space<vmem>>, vector<1000x128xf32>
    %max3A = arith.constant 1.000000e+00 : f32
    %max3A_16 = vector.broadcast %max3A : f32 to vector<1000x1xf32>
    %max3A_17 = arith.maximumf %broadcast_in_dim3A, %max3A_16 : vector<1000x1xf32>
    %div3A = vector.broadcast %max3A_17 : vector<1000x1xf32> to vector<1000x128xf32>
    %div3A_18 = arith.divf %add3A, %div3A : vector<1000x128xf32>
    %add3A_19 = arith.addf %get3A_15, %div3A_18 : vector<1000x128xf32>
    %tanh3A = math.tanh %add3A_19 : vector<1000x128xf32>
    %swap3A = arith.constant 0 : index
    %swap3A_20 = arith.constant 0 : index
    %swap3A_21 = vector.load %arg8[%swap3A, %swap3A_20] : memref<1000x128xf32, #tpu.memory_space<vmem>>, vector<1000x128xf32>
    tpu.vector_store %arg8[%swap3A, %swap3A_20], %tanh3A {strides = array<i32>} : memref<1000x128xf32, #tpu.memory_space<vmem>>, vector<1000x128xf32>,
    %get3A_22 = arith.constant 0 : index
    %get3A_23 = arith.constant 0 : index
    %get3A_24 = vector.load %arg6[%get3A_22, %get3A_23] : memref<128x128xf32, #tpu.memory_space<vmem>>, vector<128x128xf32>
    %dot_general3A = arith.constant dense<0.000000e+00> : vector<1000x128xf32>
    %dot_general3A_25 = tpu.matmul %tanh3A, %get3A_24, %dot_general3A {dimension_numbers = #tpu.dot_dimension_numbers<[1], [0], [0], [1], [0, 0, 1, 1], [], []>, transpose_lhs_hint = false} : vector<1000x128xf32>, vector<128x128xf32>, vector<1000x128xf32> -> vector<1000x128xf32>
    %swap3A_26 = arith.constant 0 : index
    %swap3A_27 = arith.constant 0 : index
    %swap3A_28 = vector.load %arg9[%swap3A_26, %swap3A_27] : memref<1000x128xf32, #tpu.memory_space<vmem>>, vector<1000x128xf32>
    tpu.vector_store %arg9[%swap3A_26, %swap3A_27], %dot_general3A_25 {strides = array<i32>} : memref<1000x128xf32, #tpu.memory_space<vmem>>, vector<1000x128xf32>,
    %get3A_29 = arith.constant 0 : index
    %get3A_30 = arith.constant 0 : index
    %get3A_31 = vector.load %arg4[%get3A_29, %get3A_30] : memref<1000x128xf32, #tpu.memory_space<vmem>>, vector<1000x128xf32>
    %get3A_32 = arith.constant 0 : index
    %get3A_33 = arith.constant 0 : index
    %get3A_34 = vector.load %arg5[%get3A_32, %get3A_33] : memref<128x128xf32, #tpu.memory_space<vmem>>, vector<128x128xf32>
    %dot_general3A_35 = arith.constant dense<0.000000e+00> : vector<1000x128xf32>
    %dot_general3A_36 = tpu.matmul %get3A_31, %get3A_34, %dot_general3A_35 {dimension_numbers = #tpu.dot_dimension_numbers<[1], [0], [0], [1], [0, 0, 1, 1], [], []>, transpose_lhs_hint = false} : vector<1000x128xf32>, vector<128x128xf32>, vector<1000x128xf32> -> vector<1000x128xf32>
    %get3A_37 = arith.constant 0 : index
    %get3A_38 = arith.constant 0 : index
    %get3A_39 = vector.load %arg7[%get3A_37, %get3A_38] : memref<1x128xf32, #tpu.memory_space<vmem>>, vector<1x128xf32>
    %add3A_40 = vector.broadcast %get3A_39 : vector<1x128xf32> to vector<1000x128xf32>
    %add3A_41 = arith.addf %dot_general3A_36, %add3A_40 : vector<1000x128xf32>
    %swap3A_42 = arith.constant 0 : index
    %swap3A_43 = arith.constant 0 : index
    %swap3A_44 = vector.load %arg10[%swap3A_42, %swap3A_43] : memref<1000x128xf32, #tpu.memory_space<vmem>>, vector<1000x128xf32>
    tpu.vector_store %arg10[%swap3A_42, %swap3A_43], %add3A_41 {strides = array<i32>} : memref<1000x128xf32, #tpu.memory_space<vmem>>, vector<1000x128xf32>,
    return
  }
  func.func @transform_0(%arg0: i32) -> (i32, i32) {
    %c0_i32 = arith.constant 0 : i32
    %c0_i32_0 = arith.constant 0 : i32
    return %arg0, %c0_i32 : i32, i32
  }
  func.func @transform_1(%arg0: i32) -> (i32, i32, i32) {
    %c0_i32 = arith.constant 0 : i32
    %c0_i32_0 = arith.constant 0 : i32
    %c0_i32_1 = arith.constant 0 : i32
    return %c0_i32, %arg0, %c0_i32_0 : i32, i32, i32
  }
  func.func @transform_2(%arg0: i32) -> (i32, i32) {
    %c0_i32 = arith.constant 0 : i32
    %c0_i32_0 = arith.constant 0 : i32
    return %arg0, %c0_i32 : i32, i32
  }
  func.func @transform_3(%arg0: i32) -> (i32, i32) {
    %c0_i32 = arith.constant 0 : i32
    %c0_i32_0 = arith.constant 0 : i32
    return %arg0, %c0_i32 : i32, i32
  }
  func.func @transform_4(%arg0: i32) -> (i32, i32) {
    %c0_i32 = arith.constant 0 : i32
    %c0_i32_0 = arith.constant 0 : i32
    %c0_i32_1 = arith.constant 0 : i32
    return %c0_i32, %c0_i32_0 : i32, i32
  }
  func.func @transform_5(%arg0: i32) -> (i32, i32) {
    %c0_i32 = arith.constant 0 : i32
    %c0_i32_0 = arith.constant 0 : i32
    %c0_i32_1 = arith.constant 0 : i32
    return %c0_i32, %c0_i32_0 : i32, i32
  }
  func.func @transform_6(%arg0: i32) -> (i32, i32) {
    %c0_i32 = arith.constant 0 : i32
    %c0_i32_0 = arith.constant 0 : i32
    %c0_i32_1 = arith.constant 0 : i32
    return %c0_i32, %c0_i32_0 : i32, i32
  }
  func.func @transform_7(%arg0: i32) -> (i32, i32) {
    %c0_i32 = arith.constant 0 : i32
    %c0_i32_0 = arith.constant 0 : i32
    return %arg0, %c0_i32 : i32, i32
  }
  func.func @transform_8(%arg0: i32) -> (i32, i32) {
    %c0_i32 = arith.constant 0 : i32
    %c0_i32_0 = arith.constant 0 : i32
    return %arg0, %c0_i32 : i32, i32
  }
  func.func @transform_9(%arg0: i32) -> (i32, i32) {
    %c0_i32 = arith.constant 0 : i32
    %c0_i32_0 = arith.constant 0 : i32
    return %arg0, %c0_i32 : i32, i32
  }
}

module attributes {stable_mosaic.version = 14 : i64} {
  func.func @_post_body(%arg0: i32, %arg1: memref<1000x128xf32, #tpu.memory_space<vmem>>, %arg2: memref<2x1000x128xf32, #tpu.memory_space<vmem>>, %arg3: memref<1000x32xf32, #tpu.memory_space<vmem>>, %arg4: memref<1000x128xf32, #tpu.memory_space<vmem>>) attributes {dimension_semantics = [#tpu.dimension_semantics<arbitrary>], iteration_bounds = array<i64: 10>, scalar_prefetch = 0 : i64, scratch_operands = 0 : i64, tpu.core_type = #tpu.core_type<tc>, window_params = [{transform_indices = @transform_0, window_bounds = array<i64: 1000, 128>}, {transform_indices = @transform_1, window_bounds = array<i64: 2, 1000, 128>}, {transform_indices = @transform_2, window_bounds = array<i64: 1000, 32>}, {transform_indices = @transform_3, window_bounds = array<i64: 1000, 128>}]} {
    %get3A = arith.constant 0 : index
    %get3A_0 = arith.constant 0 : index
    %get3A_1 = arith.constant 0 : index
    %get3A_2 = vector.load %arg2[%get3A, %get3A_0, %get3A_1] : memref<2x1000x128xf32, #tpu.memory_space<vmem>>, vector<1x1000x128xf32>
    %get3A_3 = vector.shape_cast %get3A_2 : vector<1x1000x128xf32> to vector<1000x128xf32>
    %get3A_4 = arith.constant 1 : index
    %get3A_5 = arith.constant 0 : index
    %get3A_6 = arith.constant 0 : index
    %get3A_7 = vector.load %arg2[%get3A_4, %get3A_5, %get3A_6] : memref<2x1000x128xf32, #tpu.memory_space<vmem>>, vector<1x1000x128xf32>
    %get3A_8 = vector.shape_cast %get3A_7 : vector<1x1000x128xf32> to vector<1000x128xf32>
    %add3A = arith.addf %get3A_3, %get3A_8 : vector<1000x128xf32>
    %get3A_9 = arith.constant 0 : index
    %get3A_10 = arith.constant 0 : index
    %get3A_11 = vector.load %arg3[%get3A_9, %get3A_10] : memref<1000x32xf32, #tpu.memory_space<vmem>>, vector<1000x32xf32>
    %reduce_sum3A = arith.constant dense<0.000000e+00> : vector<1000xf32>
    %reduce_sum3A_12 = vector.multi_reduction <add>, %get3A_11, %reduce_sum3A [1] : vector<1000x32xf32> to vector<1000xf32>
    %broadcast_in_dim3A = vector.shape_cast %reduce_sum3A_12 : vector<1000xf32> to vector<1000x1xf32>
    %get3A_13 = arith.constant 0 : index
    %get3A_14 = arith.constant 0 : index
    %get3A_15 = vector.load %arg1[%get3A_13, %get3A_14] : memref<1000x128xf32, #tpu.memory_space<vmem>>, vector<1000x128xf32>
    %max3A = arith.constant 1.000000e+00 : f32
    %max3A_16 = vector.broadcast %max3A : f32 to vector<1000x1xf32>
    %max3A_17 = arith.maximumf %broadcast_in_dim3A, %max3A_16 : vector<1000x1xf32>
    %div3A = vector.broadcast %max3A_17 : vector<1000x1xf32> to vector<1000x128xf32>
    %div3A_18 = arith.divf %add3A, %div3A : vector<1000x128xf32>
    %add3A_19 = arith.addf %get3A_15, %div3A_18 : vector<1000x128xf32>
    %tanh3A = math.tanh %add3A_19 : vector<1000x128xf32>
    %swap3A = arith.constant 0 : index
    %swap3A_20 = arith.constant 0 : index
    %swap3A_21 = vector.load %arg4[%swap3A, %swap3A_20] : memref<1000x128xf32, #tpu.memory_space<vmem>>, vector<1000x128xf32>
    tpu.vector_store %arg4[%swap3A, %swap3A_20], %tanh3A {strides = array<i32>} : memref<1000x128xf32, #tpu.memory_space<vmem>>, vector<1000x128xf32>,
    return
  }
  func.func @transform_0(%arg0: i32) -> (i32, i32) {
    %c0_i32 = arith.constant 0 : i32
    %c0_i32_0 = arith.constant 0 : i32
    return %arg0, %c0_i32 : i32, i32
  }
  func.func @transform_1(%arg0: i32) -> (i32, i32, i32) {
    %c0_i32 = arith.constant 0 : i32
    %c0_i32_0 = arith.constant 0 : i32
    %c0_i32_1 = arith.constant 0 : i32
    return %c0_i32, %arg0, %c0_i32_0 : i32, i32, i32
  }
  func.func @transform_2(%arg0: i32) -> (i32, i32) {
    %c0_i32 = arith.constant 0 : i32
    %c0_i32_0 = arith.constant 0 : i32
    return %arg0, %c0_i32 : i32, i32
  }
  func.func @transform_3(%arg0: i32) -> (i32, i32) {
    %c0_i32 = arith.constant 0 : i32
    %c0_i32_0 = arith.constant 0 : i32
    return %arg0, %c0_i32 : i32, i32
  }
}

</mosaic_0001>

<sc_bundles>
// kernel: sc_acc_10000.4.cloned.1.call-start
scs
__scs_entry_jumppad:
0x0: {  	(pc) =	sbr.rel $0x88, $3  }
0x1: {  	(tag) =	ssettag $0x0;
	lr =	simm.s32 $0x1  }
0x2: {  	[smem:$0x3F97] =	sst lr;
	_ =	strace $0xD0000000  }
0x3: {  	_ = 	snop  }
0x4: {  	_ = 	snop  }
0x5: {  	_ = 	snop  }
0x6: {  	_ = 	snop  }
0x7: {  	_ = 	snop  }
__scs_overlays_trampoline_lowered:
0x8: {  	[smem:$0x3FA6] =	sst s0  }
0x9: {  	[smem:$0x3FA7] =	sst s1  }
0xa: {  	[smem:$0x3FA8] =	sst s2  }
0xb: {  	[smem:$0x3FA9] =	sst s3  }
0xc: {  	[smem:$0x3FAA] =	sst s4  }
0xd: {  	[smem:$0x3FAB] =	sst s5  }
0xe: {  	[smem:$0x3FAC] =	sst s6  }
0xf: {  	[smem:$0x3FAD] =	sst s7  }
0x10: {  	[smem:$0x3FAE] =	sst s8  }
0x11: {  	[smem:$0x3FAF] =	sst s9;
	s0 =	simm.s32 @!p0 $0x0  }
0x12: {  	s1 =	sld [smem:$0x3F95];
	s0 =	simm.s32 @p0 $0x1  }
0x13: {  	[smem:$0x3FB0] =	sst s0;
	s0 =	simm.s32 @!p1 $0x0  }
0x14: {  	s2 =	sld [smem:$0x3F94];
	s0 =	simm.s32 @p1 $0x1  }
0x15: {  	[smem:$0x3FB1] =	sst s0;
	s0 =	simm.s32 @!p2 $0x0  }
0x16: {  	s3 =	sld [smem:$0x3FDB];
	s0 =	simm.s32 @p2 $0x1  }
0x17: {  	s4 =	simm.s32 $0x1BF5;
	[smem:$0x3FB3] =	sst s0  }
0x18: {  	s0 =	sld [smem:$0x3F96];
	_ =	swait.ge [sflag:s4], $0x0  }
0x19: {  	s7 =	sld [smem:$0x3F97]  }
0x1a: {  	s8 =	sadd.s32 $0xFFFFE003, lr  }
0x1b: {  	s9 =	sadd.s32 $0xFFFFFEF7, lr;
	s5 =	simm.s32 $0xFFFFFFFF;
	p2 =	slt.u32 s8, $0xFFFFF086  }
0x1c: {  	p1 =	slt.u32 s9, $0xF7A;
	s5 =	simm.s32 @!p2 $0x0  }
0x1d: {  	s5 =	simm.s32 @p1 $0x1;
	p0 =	seq.s32 s7, s2  }
0x1e: {  	s7 =	smul.u32 @!p0 $0xF7A, s2;
	p2 =	seq.s32 @!p0 s5, $0x0  }
0x1f: {  	s9 =	smul.u32 $0xF7A, s1;
	s8 =	simm.s32 @!p0 $0x1BF5;
	p2 =	por !p2, p0  }
0x20: {  	[sflag:s8] =	ssyncset.s32 @!p0 $0xFFFFF086;
	s6 =	sadd.s32 @!p0 s3, s7;
	s7 =	simm.s32 @!p0 $0x108  }
0x21: {  	s3 =	sadd.s32 s3, s9;
	s6 =	sadd.s32 @!p0 $0x88, s6;
	s7 =	simm.s32 @p2 $0x1082  }
0x22: {  	[simem:s7], [sflag:s8] =	dma.local @!p0 [hbm:s6], $0xF7A  }
0x23: {  	s9 =	sor.u32 $0xD0000000, s2;
	s6 =	simm.s32 $0x108;
	_ =	swait.ge @!p0 [sflag:s8], $0x0  }
0x24: {  	s3 =	sadd.s32 $0x88, s3;
	s6 =	simm.s32 @!p1 $0x1082;
	[sflag:s4] =	ssyncset.s32 $0xFFFFF086  }
0x25: {  	[simem:s6], [sflag:s4] =	dma.local [hbm:s3], $0xF7A  }
0x26: {  	[smem:$0x3F97] =	sst s1;
	(tag) =	ssettag s2;
	_ =	strace s9  }
0x27: {  	s1 =	sld [smem:$0x3FA7]  }
0x28: {  	s2 =	sld [smem:$0x3FA8]  }
0x29: {  	s4 =	sld [smem:$0x3FAA]  }
0x2a: {  	p0 =	seq.s32 s5, $0x0;
	s5 =	sld [smem:$0x3FAB]  }
0x2b: {  	s6 =	sld [smem:$0x3FAC]  }
0x2c: {  	s7 =	sld [smem:$0x3FAD]  }
0x2d: {  	s3 =	simm.s32 $0x108;
	s8 =	sld [smem:$0x3FAE]  }
0x2e: {  	s3 =	simm.s32 @!p0 $0x1082;
	s9 =	sld [smem:$0x3FAF]  }
0x2f: {  	lr =	sadd.s32 s0, s3;
	s0 =	sld [smem:$0x3FA6]  }
0x30: {  	s3 =	sld [smem:$0x3FA9]  }
0x31: {  	[smem:$0x3FB2] =	sst s10  }
0x32: {  	s10 =	sld [smem:$0x3FB0];
	_ =	sdelay $0x3  }
0x33: {  	p0 =	seq.s32 s10, $0x1;
	s10 =	sld [smem:$0x3FB2];
	_ =	sdelay $0x3  }
0x34: {  	[smem:$0x3FB2] =	sst s10  }
0x35: {  	s10 =	sld [smem:$0x3FB1];
	_ =	sdelay $0x3  }
0x36: {  	p1 =	seq.s32 s10, $0x1;
	s10 =	sld [smem:$0x3FB2];
	_ =	sdelay $0x3  }
0x37: {  	[smem:$0x3FB2] =	sst s10  }
0x38: {  	s10 =	sld [smem:$0x3FB3]  }
0x39: {  	_ = 	snop;
	(pc) =	sbr.ind lr, $3  }
0x3a: {  	_ = 	snop  }
0x3b: {  	_ = 	snop  }
0x3c: {  	p2 =	seq.s32 s10, $0x1;
	s10 =	sld [smem:$0x3FB2]  }
0x3d: {  	_ =	shalt  }
0x3e: {  	_ =	shalt  }
0x3f: {  	_ =	shalt  }
0x40: {  	_ =	shalt  }
0x41: {  	_ =	shalt  }
0x42: {  	_ =	shalt  }
0x43: {  	_ =	shalt  }
0x44: {  	_ =	shalt  }
0x45: {  	_ =	shalt  }
0x46: {  	_ =	shalt  }
0x47: {  	_ =	shalt  }
0x48: {  	_ =	shalt  }
0x49: {  	_ =	shalt  }
0x4a: {  	_ =	shalt  }
0x4b: {  	_ =	shalt  }
0x4c: {  	_ =	shalt  }
0x4d: {  	_ =	shalt  }
0x4e: {  	_ =	shalt  }
0x4f: {  	_ =	shalt  }
0x50: {  	_ =	shalt  }
0x51: {  	_ =	shalt  }
0x52: {  	_ =	shalt  }
0x53: {  	_ =	shalt  }
0x54: {  	_ =	shalt  }
0x55: {  	_ =	shalt  }
0x56: {  	_ =	shalt  }
0x57: {  	_ =	shalt  }
0x58: {  	_ =	shalt  }
0x59: {  	_ =	shalt  }
0x5a: {  	_ =	shalt  }
0x5b: {  	_ =	shalt  }
0x5c: {  	_ =	shalt  }
0x5d: {  	_ =	shalt  }
0x5e: {  	_ =	shalt  }
0x5f: {  	_ =	shalt  }
0x60: {  	_ =	shalt  }
0x61: {  	_ =	shalt  }
0x62: {  	_ =	shalt  }
0x63: {  	_ =	shalt  }
0x64: {  	_ =	shalt  }
0x65: {  	_ =	shalt  }
0x66: {  	_ =	shalt  }
0x67: {  	_ =	shalt  }
0x68: {  	_ =	shalt  }
0x69: {  	_ =	shalt  }
0x6a: {  	_ =	shalt  }
0x6b: {  	_ =	shalt  }
0x6c: {  	_ =	shalt  }
0x6d: {  	_ =	shalt  }
0x6e: {  	_ =	shalt  }
0x6f: {  	_ =	shalt  }
0x70: {  	_ =	shalt  }
0x71: {  	_ =	shalt  }
0x72: {  	_ =	shalt  }
0x73: {  	_ =	shalt  }
0x74: {  	_ =	shalt  }
0x75: {  	_ =	shalt  }
0x76: {  	_ =	shalt  }
0x77: {  	_ =	shalt  }
0x78: {  	_ =	shalt  }
0x79: {  	_ =	shalt  }
0x7a: {  	_ =	shalt  }
0x7b: {  	_ =	shalt  }
0x7c: {  	_ =	shalt  }
0x7d: {  	_ =	shalt  }
0x7e: {  	_ =	shalt  }
0x7f: {  	_ =	shalt  }
0x80: {  	_ =	shalt  }
0x81: {  	_ =	shalt  }
0x82: {  	_ =	shalt  }
0x83: {  	_ =	shalt  }
0x84: {  	_ =	shalt  }
0x85: {  	_ =	shalt  }
0x86: {  	_ =	shalt  }
0x87: {  	_ =	shalt  }
.Lfunc_end0:
.L_simem_size_0:
called_computation.1_lowered:
.L_overlay_start_0:
0x88: {  	s2 =	sld [smem:$0x3FD9]  }
0x89: {  	s3 =	sld [smem:$0x3FFE];
	_ =	sdelay $0x1  }
0x8a: {  	s1 =	srdreg.scid  }
0x8b: {  	s0 =	sand.u32 $0x1, s1  }
0x8c: {  	s15 =	sshll.u32 s0, $0xA;
	s2 =	sadd.s32 s3, s2  }
0x8d: {  	s2 =	sadd.s32 s2, s15  }
0x8e: {  	[smem:$0x3FBE] =	sst s2  }
0x8f: {  	_ = 	snop  }
0x90: {  	s2 =	sld [smem:$0x3FD0];
	_ =	sdelay $0x2  }
0x91: {  	s4 =	simm.s32 $0xB;
	s16 =	simm.s32 $0x10  }
0x92: {  	[smem:s16], [sflag:s4] =	dma.local [hbm:s2], $0x1  }
0x93: {  	_ =	swait.eq [sflag:s4], $0x1  }
0x94: {  	[sflag:s4] =	ssyncset.done $0x0  }
0x95: {  	s17 =	sld [smem:$0x10];
	[sflag:s4] =	ssyncadd.s32 $0xFFFFFFFF  }
0x96: {  	s18 =	sld [smem:$0x11];
	(tm) =	ssettm $0x1  }
0x97: {  	s19 =	sld [smem:$0x3FFB];
	_ =	sdelay $0x3  }
0x98: {  	_ =	strace s19  }
0x99: {  	s2 =	sld [smem:$0x3FFC];
	_ =	sdelay $0x3  }
0x9a: {  	_ =	strace s2  }
0x9b: {  	s2 =	sld [smem:$0x3FFD];
	_ =	sdelay $0x3  }
0x9c: {  	_ =	strace s2  }
0x9d: {  	_ =	strace $0x8FFFFFFF  }
0x9e: {  	s20 =	sld [smem:$0x3FDB];
	_ =	sdelay $0x1  }
0x9f: {  	s5 =	simm.s32 $_scs_section_size  }
0xa0: {  	s6 =	simm.s32 $_size__tile_overlayer_lowered;
	s7 =	simm.s32 $_tile_overlayer_lowered  }
0xa1: {  	s8 =	simm.s32 $0x1BFF;
	s21 =	sshll.u32 s7, $0x1;
	s5 =	sadd.s32 s5, s20  }
0xa2: {  	s22 =	simm.s32 $0x0;
	s6 =	sshll.u32 s6, $0x1;
	s7 =	sadd.s32 s21, s5  }
0xa3: {  	[timem:s22], [sflag:s8] =	dma.local [hbm:s7], s6  }
0xa4: {  	_ =	swait.ge [sflag:s8], s6  }
0xa5: {  	s6 =	ssub.s32 $0x0, s6;
	[sflag:s8] =	ssyncset.done $0x0  }
0xa6: {  	[sflag:s8] =	ssyncadd.s32 s6;
	_ =	sdelay $0x1  }
0xa7: {  	s23 =	simm.s32 $0x1B8B  }
0xa8: {  	_ =	swait.ge [sflag:s23], $0x1  }
0xa9: {  	[sflag:s23] =	ssyncset.done $0x0  }
0xaa: {  	[sflag:s23] =	ssyncadd.s32 $0xFFFFFFFF  }
0xab: {  	s6 =	sld [smem:$0x0]  }
0xac: {  	s7 =	sand.u32 $0xFFFFFFFE, s1  }
0xad: {  	p0 =	sne.s32 s1, s7  }
0xae: {  	s7 =	sshll.u32 @p0 s7, $0xE  }
0xaf: {  	s7 =	sadd.s32 @p0 $0x11B8D, s7;
	s8 =	sshll.u32 @p0 s6, $0x11  }
0xb0: {  	s7 =	sor.u32 @p0 s8, s7  }
0xb1: {  	[sflag:s7] =	ssyncadd.remote.s32 @p0 $0x1;
	_ =	sdelay $0x1  }
0xb2: {  	s7 =	simm.s32 @p0 $0x1B8D  }
0xb3: {  	_ =	swait.eq @p0 [sflag:s7], $0x1  }
0xb4: {  	[sflag:s7] =	ssyncadd.s32 @p0 $0xFFFFFFFF  }
0xb5: {  	s8 =	sshll.u32 @!p0 s1, $0xE  }
0xb6: {  	s8 =	sor.u32 @!p0 $0x4000, s8;
	s7 =	simm.s32 @!p0 $0x1B8D  }
0xb7: {  	s6 =	sshll.u32 @!p0 s6, $0x11;
	s8 =	sadd.s32 @!p0 $0x11B8D, s8;
	_ =	swait.eq @!p0 [sflag:s7], $0x1  }
0xb8: {  	s6 =	sor.u32 @!p0 s6, s8;
	[sflag:s7] =	ssyncadd.s32 @!p0 $0xFFFFFFFF  }
0xb9: {  	s25 =	simm.s32 $0x1B8E;
	s24 =	sld [smem:$0x3FFE];
	[sflag:s6] =	ssyncadd.remote.s32 @!p0 $0x1  }
0xba: {  	s26 =	simm.s32 $execute0_lowered;
	[smem:$0x3FD2] =	sst s25  }
0xbb: {  	s7 =	sshll.u32 s26, $0x1;
	_ =	strace $0x80000049;
	[dreg:$0x1] =	wrdreg $0xFFFFFFFF  }
0xbc: {  	s28 =	simm.s32 $_size_execute0_lowered;
	s5 =	sadd.s32 s5, s7;
	[dreg:$0x0] =	wrdreg $0x0  }
0xbd: {  	s7 =	sshll.u32 s28, $0x1;
	[dreg:$0x2] =	wrdreg s5  }
0xbe: {  	[dreg:$0x3] =	wrdreg s7  }
0xbf: {  	[dreg:$0x4] =	wrdreg $0xC0  }
0xc0: {  	_ =	task [dreg:s22], $0x5FFFF  }
0xc1: {  	[dreg:$0x1] =	wrdreg $0xFFFFFFFF  }
0xc2: {  	[dreg:$0x0] =	wrdreg $0x60  }
0xc3: {  	[dreg:$0x2] =	wrdreg s18  }
0xc4: {  	[dreg:$0x3] =	wrdreg s17  }
0xc5: {  	[dreg:$0x4] =	wrdreg s24  }
0xc6: {  	[dreg:$0x5] =	wrdreg $0xC1000  }
0xc7: {  	[dreg:$0x6] =	wrdreg $0xA  }
0xc8: {  	_ =	task.clear_ibuf [dreg:s22], $0x7FFFF;
	_ =	strace $0x90000049  }
0xc9: {  	s29 =	simm.s32 $0xA;
	_ =	strace $0x8000004B  }
0xca: {  	_ =	swait.ge [sflag:s29], $0x1  }
0xcb: {  	[sflag:s29] =	ssyncadd.s32 $0xFFFFFFFF  }
0xcc: {  	_ =	strace $0x9000004B  }
0xcd: {  	_ =	sfence  }
0xce: {  	s30 =	sld [smem:$0x0];
	_ =	sdelay $0x2  }
0xcf: {  	s31 =	sshll.u32 s1, $0xD;
	s1 =	sshrl.u32 s1, $0x2  }
0xd0: {  	s4 =	sand.u32 $0x4000, s31;
	s1 =	sadd.s32 s1, s30  }
0xd1: {  	s0 =	sor.u32 s4, s0;
	s1 =	sshll.u32 s1, $0x11  }
0xd2: {  	s0 =	sor.u32 s1, s0  }
0xd3: {  	s0 =	sadd.s32 $0x8F2B, s0  }
0xd4: {  	[sflag:s0] =	ssyncadd.remote.s32 $0x1  }
0xd5: {  	_ =	sfence.sel $0xFFFF  }
0xd6: {  	[dreg:$0x0] =	wrdreg $0xFFFFFFFF;
	(pc) =	sbr.abs _section_cstart, $3  }
0xd7: {  	[dreg:$0x1] =	wrdreg $0xFFFFFFFF  }
0xd8: {  	_ =	task.clear_ibuf [dreg:s22], $0x2FFFF;
	_ =	strace $0x9FFFFFFF  }
0xd9: {  	(tm) =	ssettm $0x7FFFFFFF  }
tec
execute0_lowered:
.L_overlay_start_1:
0x0: {  	(tag) =	ssettag $0x1  }
0x1: {  	s1 =	rddreg [dreg:$0x0]  }
0x2: {  	s2 =	rddreg [dreg:$0x1]  }
0x3: {  	s8 =	rddreg [dreg:$0x2]  }
0x4: {  	s4 =	rddreg [dreg:$0x3];
	s6 =	srdreg.scid;
	s5 =	simm.s32 $0x0  }
0x5: {  	s0 =	stileid.u32;
	s18 =	simm.s32 $0x5;
	s19 =	simm.s32 $0x4000  }
0x6: {  	s21 =	simm.s32 $0x4080;
	s22 =	simm.s32 $0x1;
	s24 =	simm.s32 $0x8100  }
0x7: {  	s23 =	simm.s32 $0x2;
	s9 =	sand.u32 $0x1, s6;
	s29 =	smul.u32 $0x13C00, s0  }
0x8: {  	s7 =	sshll.u32 s0, $0xE;
	[smem:$0x7FF] =	sst s5;
	s30 =	smul.u32 $0x4F000, s0  }
0x9: {  	s31 =	sshll.u32 s0, $0x6;
	s6 =	sshll.u32 s9, $0x12;
	s10 =	smul.u32 $0x13C000, s9  }
0xa: {  	_ =	strace $0x8000004A;
	s13 =	ssub.s32 $0x2, s9;
	p0 =	seq.s32 s9, $0x0  }
0xb: {  	s9 =	simm.s32 $0x80;
	[dreg:$0x5] =	wrdreg s24;
	s24 =	simm.s32 $0x0  }
0xc: {  	s6 =	sor.u32 s7, s6;
	s7 =	sadd.s32 $0x5CC00, s8;
	s14 =	sshrl.u32 s13, $0x1  }
0xd: {  	s9 =	simm.s32 @!p0 $0x1E;
	s11 =	sshrl.u32 s6, $0x3;
	s10 =	sadd.s32 s29, s10  }
0xe: {  	s16 =	ssub.s32 s13, s14;
	s14 =	sshrl.u32 s9, $0x1;
	s12 =	sadd.s32 s11, s8  }
0xf: {  	s10 =	sshrl.u32 s10, $0x3;
	s11 =	sadd.s32 s2, s11;
	s16 =	smax.u32 s16, $0x1  }
0x10: {  	s15 =	sadd.s32 s10, s8;
	s8 =	simm.s32 $0x80;
	s10 =	sshrl.u32 s30, $0x2  }
0x11: {  	s12 =	sadd.s32 $0x3CC00, s12;
	s13 =	sadd.s32 $0x10, s11;
	s17 =	sadd.s32 s10, s4  }
0x12: {  	s10 =	sor.u32 $0x1C05, s31;
	s15 =	sadd.s32 $0x5F400, s15;
	s17 =	sshrl.u32 s17, $0x3  }
.LBB2_1:
0x13: {  	[spmem:s17], [sflag:s10] =	dma.local [hbm:s7], $0x2780  }
0x14: {  	_ =	swait.ge [sflag:s18], $0x2780  }
0x15: {  	[sflag:s18] =	ssyncset.done $0x0  }
0x16: {  	[sflag:s18] =	ssyncadd.s32 $0xFFFFD880  }
0x17: {  	[tilespmem:s5], [sflag:$0x5] =	stream.linear.gather [hbm4b:s12+s5], $0x4000, $0x38;
	[tilespmem:$0x1FD00] =	vst v63  }
0x18: {  	_ =	swait.ge [sflag:s18], $0x4000  }
0x19: {  	[sflag:s18] =	ssyncset.done $0x0  }
0x1a: {  	[sflag:s18] =	ssyncadd.s32 $0xFFFFC000  }
0x1b: {  	s26 =	sadd.s32 $0xFFFFFFFF, s14;
	[bflag:$0x0] =	sbarrier.arrive $0xFFFF  }
0x1c: {  	[tilespmem:s19], [sflag:$0x5] =	stream.linear.gather [hbm4b:s11+s5], $0x80, $0x38;
	[tilespmem:$0x1FD00] =	vst v63  }
0x1d: {  	p2 =	sne.s32 s26, $0x0;
	_ =	swait.ge [sflag:s18], $0x80  }
.Ltmp0:
0x1e: {  	[sflag:s18] =	ssyncset.done $0x0;
	(pc) =	sbr.rel @!p2 .LBB2_2-.Ltmp0, $4  }
0x1f: {  	s0 =	simm.s32 $0x4100;
	[sflag:s18] =	ssyncadd.s32 $0xFFFFFF80  }
0x20: {  	[tilespmem:s0], [sflag:$0x1] =	stream.indirect.gather [hbm4b:s1+s8], $0x80, s19, s8, $0xb8;
	[tilespmem:$0x1FD00] =	vst v63  }
0x21: {  	s25 =	simm.s32 $0x100;
	p1 =	sle.u32 s9, $0x1;
	p0 =	por $0x0, $0x0  }
0x22: {  	[tilespmem:s21], [sflag:$0x4] =	stream.linear.gather [hbm4b:s13+s5], $0x80, $0x38;
	[tilespmem:$0x1FD00] =	vst v63  }
0x23: {  	s28 =	simm.s32 @!p1 $0x4  }
0x24: {  	_ =	swait.ge @!p1 [sflag:s28], $0x80  }
0x25: {  	s29 =	simm.s32 @!p1 $0x8100;
	s30 =	simm.s32 @!p1 $0x80;
	[sflag:s28] =	ssyncset.done @!p1 $0x0  }
0x26: {  	s31 =	simm.s32 @!p1 $0x4080;
	p0 =	sle.u32 s9, $0x2;
	[sflag:s28] =	ssyncadd.s32 @!p1 $0xFFFFFF80  }
0x27: {  	[tilespmem:s29], [sflag:$0x2] =	stream.indirect.gather @!p1 [hbm4b:s1+s30], $0x80, s31, s30, $0xb8;
	[tilespmem:$0x1FD00] =	vst v63  }
0x28: {  	s28 =	simm.s32 @p0 $0x80;
	s29 =	simm.s32 @p0 $0x5;
	_ =	swait.ge [sflag:s22], $0x4000  }
0x29: {  	s30 =	simm.s32 @p0 $0x4100;
	s31 =	sand.u32 @!p0 $0x7FFFFC00, s25;
	[sflag:s22] =	ssyncset.done $0x0  }
0x2a: {  	s25 =	sand.u32 @!p0 $0x300, s25;
	s31 =	sadd.s32 @!p0 s6, s31;
	[sflag:s22] =	ssyncadd.s32 $0xFFFFC000  }
0x2b: {  	[spmem:s4] =	stream.indirect.scatter.add.f32 @p0 [tilespmem:s30], [sflag:$0x5], $0x80, s5, s28, $0xb8;
	[tilespmem:$0x1FD00] =	vst v63  }
0x2c: {  	s25 =	sor.u32 @!p0 s25, s31;
	_ =	swait.ge @p0 [sflag:s29], $0x4000  }
0x2d: {  	s25 =	sshrl.u32 @!p0 s25, $0x3;
	s28 =	simm.s32 @!p0 $0x0;
	[sflag:s29] =	ssyncset.done @p0 $0x0  }
0x2e: {  	s25 =	sadd.s32 @!p0 s2, s25;
	s30 =	simm.s32 @!p0 $0x4000;
	[sflag:s29] =	ssyncadd.s32 @p0 $0xFFFFC000  }
0x2f: {  	[tilespmem:s30], [sflag:$0x3] =	stream.linear.gather @!p0 [hbm4b:s25+s28], $0x80, $0x38;
	[tilespmem:$0x1FD00] =	vst v63  }
0x30: {  	s29 =	simm.s32 @!p0 $0x5;
	s25 =	simm.s32 @!p0 $0x4100;
	s28 =	simm.s32 @!p0 $0x80  }
0x31: {  	[spmem:s4] =	stream.indirect.scatter.add.f32 @!p0 [tilespmem:s25], [sflag:$0x5], $0x80, s5, s28, $0xb8;
	[tilespmem:$0x1FD00] =	vst v63  }
0x32: {  	_ =	swait.ge @!p0 [sflag:s29], $0x4000  }
0x33: {  	[sflag:s29] =	ssyncset.done @!p0 $0x0  }
0x34: {  	s31 =	simm.s32 @!p0 $0x3;
	[sflag:s29] =	ssyncadd.s32 @!p0 $0xFFFFC000  }
0x35: {  	p1 =	sle.u32 s9, $0x3;
	_ =	swait.ge @!p0 [sflag:s31], $0x80  }
0x36: {  	s0 =	simm.s32 @!p1 $0x180;
	s29 =	sadd.s32 $0xFFFFFFFF, s26;
	[sflag:s31] =	ssyncset.done @!p0 $0x0  }
0x37: {  	s26 =	sand.u32 @!p1 $0x7FFFFC00, s0;
	s0 =	sand.u32 @!p1 $0x380, s0;
	[sflag:s31] =	ssyncadd.s32 @!p0 $0xFFFFFF80  }
0x38: {  	[tilespmem:s25], [sflag:$0x1] =	stream.indirect.gather @!p0 [hbm4b:s1+s28], $0x80, s30, s28, $0xb8;
	[tilespmem:$0x1FD00] =	vst v63  }
0x39: {  	p2 =	sne.s32 s29, $0x0;
	s31 =	simm.s32 $0x80;
	s25 =	sadd.s32 @!p1 s6, s26  }
0x3a: {  	s28 =	simm.s32 $0x3;
	s26 =	simm.s32 @!p1 $0x0;
	p0 =	por $0x1, $0x1  }
.Ltmp1:
0x3b: {  	_ =	swait.ge [sflag:s23], $0x4000;
	s0 =	sor.u32 @!p1 s0, s25;
	(pc) =	sbr.rel @!p2 .LBB2_5-.Ltmp1, $4  }
0x3c: {  	s25 =	simm.s32 @!p1 $0x4080;
	[sflag:s23] =	ssyncset.done $0x0;
	s0 =	sshrl.u32 @!p1 s0, $0x3  }
0x3d: {  	s30 =	rddreg [dreg:$0x5];
	[sflag:s23] =	ssyncadd.s32 $0xFFFFC000;
	s0 =	sadd.s32 @!p1 s2, s0  }
0x3e: {  	[tilespmem:s25], [sflag:$0x4] =	stream.linear.gather @!p1 [hbm4b:s0+s26], $0x80, $0x38;
	[tilespmem:$0x1FD00] =	vst v63  }
0x3f: {  	p1 =	sle.u32 s9, $0x3;
	s26 =	simm.s32 $0x100;
	s25 =	simm.s32 $0x200  }
.LBB2_4:
0x40: {  	[spmem:s4] =	stream.indirect.scatter.add.f32 [tilespmem:s30], [sflag:$0x5], $0x80, s31, s8, $0xb8;
	[tilespmem:$0x1FD00] =	vst v63  }
0x41: {  	_ =	swait.ge [sflag:s18], $0x4000  }
0x42: {  	[sflag:s18] =	ssyncset.done $0x0  }
0x43: {  	s0 =	simm.s32 @!p1 $0x4;
	[sflag:s18] =	ssyncadd.s32 $0xFFFFC000  }
0x44: {  	s30 =	simm.s32 @!p1 $0x8100;
	_ =	swait.ge @!p1 [sflag:s0], $0x80  }
0x45: {  	s31 =	simm.s32 @!p1 $0x80;
	s20 =	sadd.s32 $0x1, s28;
	[sflag:s0] =	ssyncset.done @!p1 $0x0  }
0x46: {  	s3 =	simm.s32 @!p1 $0x4080;
	p3 =	sge.u32 s20, s9;
	[sflag:s0] =	ssyncadd.s32 @!p1 $0xFFFFFF80  }
0x47: {  	[tilespmem:s30], [sflag:$0x2] =	stream.indirect.gather @!p1 [hbm4b:s1+s31], $0x80, s3, s31, $0xb8;
	[tilespmem:$0x1FD00] =	vst v63  }
0x48: {  	s20 =	simm.s32 @p3 $0x4100;
	s0 =	simm.s32 @p3 $0x80;
	_ =	swait.ge [sflag:s22], $0x4000  }
0x49: {  	s3 =	simm.s32 @p3 $0x5;
	s30 =	sand.u32 @!p3 $0x7FFFFC00, s25;
	[sflag:s22] =	ssyncset.done $0x0  }
0x4a: {  	s31 =	sand.u32 @!p3 $0x300, s25;
	s30 =	sadd.s32 @!p3 s6, s30;
	[sflag:s22] =	ssyncadd.s32 $0xFFFFC000  }
0x4b: {  	[spmem:s4] =	stream.indirect.scatter.add.f32 @p3 [tilespmem:s20], [sflag:$0x5], $0x80, s26, s0, $0xb8;
	[tilespmem:$0x1FD00] =	vst v63  }
0x4c: {  	s0 =	sor.u32 @!p3 s31, s30;
	_ =	swait.ge @p3 [sflag:s3], $0x4000  }
0x4d: {  	s20 =	simm.s32 @!p3 $0x0;
	s0 =	sshrl.u32 @!p3 s0, $0x3;
	[sflag:s3] =	ssyncset.done @p3 $0x0  }
0x4e: {  	s0 =	sadd.s32 @!p3 s2, s0;
	[sflag:s3] =	ssyncadd.s32 @p3 $0xFFFFC000;
	s3 =	simm.s32 @!p3 $0x4000  }
0x4f: {  	[tilespmem:s3], [sflag:$0x3] =	stream.linear.gather @!p3 [hbm4b:s0+s20], $0x80, $0x38;
	[tilespmem:$0x1FD00] =	vst v63  }
0x50: {  	s30 =	simm.s32 @!p3 $0x4100;
	s0 =	simm.s32 @!p3 $0x80;
	s20 =	simm.s32 @!p3 $0x5  }
0x51: {  	[spmem:s4] =	stream.indirect.scatter.add.f32 @!p3 [tilespmem:s30], [sflag:$0x5], $0x80, s26, s0, $0xb8;
	[tilespmem:$0x1FD00] =	vst v63  }
0x52: {  	_ =	swait.ge @!p3 [sflag:s20], $0x4000  }
0x53: {  	[sflag:s20] =	ssyncset.done @!p3 $0x0  }
0x54: {  	s28 =	sadd.s32 $0x2, s28;
	[sflag:s20] =	ssyncadd.s32 @!p3 $0xFFFFC000;
	s20 =	simm.s32 @!p3 $0x3  }
0x55: {  	p1 =	sge.u32 s28, s9;
	_ =	swait.ge @!p3 [sflag:s20], $0x80  }
0x56: {  	s29 =	sadd.s32 $0xFFFFFFFF, s29;
	s31 =	sadd.s32 @!p1 $0x80, s25;
	[sflag:s20] =	ssyncset.done @!p3 $0x0  }
0x57: {  	p2 =	sne.s32 s29, $0x0;
	[sflag:s20] =	ssyncadd.s32 @!p3 $0xFFFFFF80;
	s20 =	sand.u32 @!p1 $0x7FFFFC00, s31  }
0x58: {  	[tilespmem:s30], [sflag:$0x1] =	stream.indirect.gather @!p3 [hbm4b:s1+s0], $0x80, s3, s0, $0xb8;
	[tilespmem:$0x1FD00] =	vst v63  }
0x59: {  	s25 =	sadd.s32 $0x100, s25;
	s31 =	sand.u32 @!p1 $0x380, s31;
	s0 =	sadd.s32 @!p1 s6, s20  }
.Ltmp2:
0x5a: {  	s3 =	simm.s32 @!p1 $0x4080;
	s20 =	simm.s32 @!p1 $0x0;
	(pc) =	sbr.rel @p2 .LBB2_4-.Ltmp2, $4  }
0x5b: {  	_ =	swait.ge [sflag:s23], $0x4000;
	s0 =	sor.u32 @!p1 s31, s0;
	s31 =	sadd.s32 $0x80, s26  }
0x5c: {  	s26 =	sadd.s32 $0x100, s26;
	[sflag:s23] =	ssyncset.done $0x0;
	s0 =	sshrl.u32 @!p1 s0, $0x3  }
0x5d: {  	s30 =	rddreg [dreg:$0x5];
	[sflag:s23] =	ssyncadd.s32 $0xFFFFC000;
	s0 =	sadd.s32 @!p1 s2, s0  }
0x5e: {  	[tilespmem:s3], [sflag:$0x4] =	stream.linear.gather @!p1 [hbm4b:s0+s20], $0x80, $0x38;
	[tilespmem:$0x1FD00] =	vst v63  }
.LBB2_5:
0x5f: {  	[spmem:s4] =	stream.indirect.scatter.add.f32 @p0 [tilespmem:s30], [sflag:$0x5], $0x80, s31, s8, $0xb8;
	[tilespmem:$0x1FD00] =	vst v63  }
0x60: {  	_ =	swait.ge @p0 [sflag:s18], $0x4000  }
0x61: {  	[sflag:s18] =	ssyncset.done @p0 $0x0  }
0x62: {  	s0 =	simm.s32 @!p1 $0x4;
	[sflag:s18] =	ssyncadd.s32 @p0 $0xFFFFC000  }
0x63: {  	s3 =	simm.s32 @!p1 $0x8100;
	s29 =	sadd.s32 $0x1, s28;
	_ =	swait.ge @!p1 [sflag:s0], $0x80  }
0x64: {  	s20 =	simm.s32 @!p1 $0x80;
	p0 =	sge.u32 s29, s9;
	[sflag:s0] =	ssyncset.done @!p1 $0x0  }
0x65: {  	s30 =	simm.s32 @!p1 $0x4080;
	s29 =	sand.u32 @!p0 $0x7FFFFC00, s25;
	[sflag:s0] =	ssyncadd.s32 @!p1 $0xFFFFFF80  }
0x66: {  	[tilespmem:s3], [sflag:$0x2] =	stream.indirect.gather @!p1 [hbm4b:s1+s20], $0x80, s30, s20, $0xb8;
	[tilespmem:$0x1FD00] =	vst v63  }
0x67: {  	s29 =	sadd.s32 @!p0 s6, s29;
	_ =	swait.ge [sflag:s22], $0x4000  }
0x68: {  	s0 =	simm.s32 @p0 $0x80;
	s3 =	simm.s32 @p0 $0x5;
	[sflag:s22] =	ssyncset.done $0x0  }
0x69: {  	s20 =	simm.s32 @p0 $0x4100;
	s30 =	sand.u32 @!p0 $0x300, s25;
	[sflag:s22] =	ssyncadd.s32 $0xFFFFC000  }
0x6a: {  	[spmem:s4] =	stream.indirect.scatter.add.f32 @p0 [tilespmem:s20], [sflag:$0x5], $0x80, s26, s0, $0xb8;
	[tilespmem:$0x1FD00] =	vst v63  }
0x6b: {  	s0 =	sor.u32 @!p0 s30, s29;
	_ =	swait.ge @p0 [sflag:s3], $0x4000  }
0x6c: {  	s20 =	simm.s32 @!p0 $0x0;
	s0 =	sshrl.u32 @!p0 s0, $0x3;
	[sflag:s3] =	ssyncset.done @p0 $0x0  }
0x6d: {  	s0 =	sadd.s32 @!p0 s2, s0;
	[sflag:s3] =	ssyncadd.s32 @p0 $0xFFFFC000;
	s3 =	simm.s32 @!p0 $0x4000  }
0x6e: {  	[tilespmem:s3], [sflag:$0x3] =	stream.linear.gather @!p0 [hbm4b:s0+s20], $0x80, $0x38;
	[tilespmem:$0x1FD00] =	vst v63  }
0x6f: {  	s29 =	simm.s32 @!p0 $0x5;
	s0 =	simm.s32 @!p0 $0x4100;
	s20 =	simm.s32 @!p0 $0x80  }
0x70: {  	[spmem:s4] =	stream.indirect.scatter.add.f32 @!p0 [tilespmem:s0], [sflag:$0x5], $0x80, s26, s20, $0xb8;
	[tilespmem:$0x1FD00] =	vst v63  }
0x71: {  	_ =	swait.ge @!p0 [sflag:s29], $0x4000  }
0x72: {  	[sflag:s29] =	ssyncset.done @!p0 $0x0  }
0x73: {  	s31 =	sadd.s32 $0x2, s28;
	[sflag:s29] =	ssyncadd.s32 @!p0 $0xFFFFC000;
	s29 =	simm.s32 @!p0 $0x3  }
0x74: {  	p1 =	sge.u32 s31, s9;
	_ =	swait.ge @!p0 [sflag:s29], $0x80  }
0x75: {  	s25 =	sadd.s32 @!p1 $0x80, s25;
	[sflag:s29] =	ssyncset.done @!p0 $0x0  }
0x76: {  	s28 =	sand.u32 @!p1 $0x7FFFFC00, s25;
	[sflag:s29] =	ssyncadd.s32 @!p0 $0xFFFFFF80  }
0x77: {  	[tilespmem:s0], [sflag:$0x1] =	stream.indirect.gather @!p0 [hbm4b:s1+s20], $0x80, s3, s20, $0xb8;
	[tilespmem:$0x1FD00] =	vst v63  }
0x78: {  	s0 =	sand.u32 @!p1 $0x380, s25;
	s3 =	sadd.s32 @!p1 s6, s28  }
0x79: {  	_ =	swait.ge [sflag:s23], $0x4000;
	s0 =	sor.u32 @!p1 s0, s3  }
0x7a: {  	s20 =	simm.s32 @!p1 $0x4080;
	[sflag:s23] =	ssyncset.done $0x0;
	s0 =	sshrl.u32 @!p1 s0, $0x3  }
0x7b: {  	s3 =	simm.s32 @!p1 $0x0;
	[sflag:s23] =	ssyncadd.s32 $0xFFFFC000;
	s0 =	sadd.s32 @!p1 s2, s0  }
0x7c: {  	[tilespmem:s20], [sflag:$0x4] =	stream.linear.gather @!p1 [hbm4b:s0+s3], $0x80, $0x38;
	[tilespmem:$0x1FD00] =	vst v63  }
0x7d: {  	s31 =	sadd.s32 $0x80, s26;
	s30 =	rddreg [dreg:$0x5]  }
0x7e: {  	[spmem:s4] =	stream.indirect.scatter.add.f32 [tilespmem:s30], [sflag:$0x5], $0x80, s31, s8, $0xb8;
	[tilespmem:$0x1FD00] =	vst v63  }
0x7f: {  	_ =	swait.ge [sflag:s18], $0x4000  }
0x80: {  	[sflag:s18] =	ssyncset.done $0x0  }
0x81: {  	s24 =	sadd.s32 $0x1, s24;
	[sflag:s18] =	ssyncadd.s32 $0xFFFFC000  }
0x82: {  	p0 =	sne.s32 s24, s16;
	[bflag:$0x0] =	sbarrier.arrive $0xFFFF  }
0x83: {  	[hbm:s15], [sflag:s10] =	dma.local [spmem:s17], $0x2780  }
.Ltmp3:
0x84: {  	_ = 	snop;
	(pc) =	sbr.rel @p0 .LBB2_1-.Ltmp3, $4  }
.Ltmp4:
0x85: {  	_ = 	snop;
	(pc) =	sbr.rel @!p0 .LBB2_6-.Ltmp4, $4  }
0x86: {  	_ =	swait.ge [sflag:s18], $0x2780  }
0x87: {  	[sflag:s18] =	ssyncset.done $0x0  }
0x88: {  	[sflag:s18] =	ssyncadd.s32 $0xFFFFD880  }
0x89: {  	_ = 	snop  }
.LBB2_2:
.Ltmp5:
0x8a: {  	(pc) =	sbr.rel .LBB2_5-.Ltmp5, $2  }
0x8b: {  	_ =	sdelay $0x2  }
0x8c: {  	s28 =	simm.s32 $0x1;
	s26 =	simm.s32 $0x0  }
.LBB2_6:
0x8d: {  	_ =	sfence.sel $0x180000  }
0x8e: {  	[bflag:$0x0] =	sbarrier.arrive $0xFFFF  }
0x8f: {  	_ =	strace $0x9000004A  }
0x90: {  	s0 =	stileid.u32;
	[bflag:$0x2] =	sbarrier.arrive $0xFFFF  }
0x91: {  	p0 =	sne.s32 s0, $0x0;
	s0 =	rddreg [dreg:$0x4]  }
0x92: {  	s0 =	sadd.s32 @!p0 $0x100000, s0  }
0x93: {  	[sflag:s0] =	ssyncadd.tile.s32 @!p0 $0x1;
	_ =	shalt  }
.Lfunc_end2:
_tile_overlayer_lowered:
.L_overlay_start_2:
0x94: {  	(tag) =	ssettag $0x2  }
0x95: {  	s0 =	rddreg [dreg:$0x0];
	s2 =	stileid.u32  }
0x96: {  	s1 =	rddreg [dreg:$0x1];
	p0 =	sne.s32 s2, $0x0  }
0x97: {  	s3 =	rddreg [dreg:$0x2];
	[bflag:$0x3] =	sbarrier.arrive $0xFFFF;
	s2 =	simm.s32 @!p0 $0x1C05  }
0x98: {  	[timem:s3], [sflag:s2] =	dma.local @!p0 [hbm:s0], s1  }
0x99: {  	s0 =	simm.s32 @!p0 $0x5  }
0x9a: {  	_ =	swait.ge @!p0 [sflag:s0], s1  }
0x9b: {  	s1 =	ssub.s32 @!p0 $0x0, s1;
	[sflag:s0] =	ssyncset.done @!p0 $0x0  }
0x9c: {  	[sflag:s0] =	ssyncadd.s32 @!p0 s1  }
0x9d: {  	[bflag:$0x3] =	sbarrier.arrive $0xFFFF  }
0x9e: {  	_ =	shalt  }

// kernel: sc_acc_10000.7.cloned.1.call-start
scs
__scs_entry_jumppad:
0x0: {  	(pc) =	sbr.rel $0x88, $3  }
0x1: {  	(tag) =	ssettag $0x0;
	lr =	simm.s32 $0x1  }
0x2: {  	[smem:$0x3F97] =	sst lr;
	_ =	strace $0xD0000000  }
0x3: {  	_ = 	snop  }
0x4: {  	_ = 	snop  }
0x5: {  	_ = 	snop  }
0x6: {  	_ = 	snop  }
0x7: {  	_ = 	snop  }
__scs_overlays_trampoline_lowered:
0x8: {  	[smem:$0x3FA6] =	sst s0  }
0x9: {  	[smem:$0x3FA7] =	sst s1  }
0xa: {  	[smem:$0x3FA8] =	sst s2  }
0xb: {  	[smem:$0x3FA9] =	sst s3  }
0xc: {  	[smem:$0x3FAA] =	sst s4  }
0xd: {  	[smem:$0x3FAB] =	sst s5  }
0xe: {  	[smem:$0x3FAC] =	sst s6  }
0xf: {  	[smem:$0x3FAD] =	sst s7  }
0x10: {  	[smem:$0x3FAE] =	sst s8  }
0x11: {  	[smem:$0x3FAF] =	sst s9;
	s0 =	simm.s32 @!p0 $0x0  }
0x12: {  	s1 =	sld [smem:$0x3F95];
	s0 =	simm.s32 @p0 $0x1  }
0x13: {  	[smem:$0x3FB0] =	sst s0;
	s0 =	simm.s32 @!p1 $0x0  }
0x14: {  	s2 =	sld [smem:$0x3F94];
	s0 =	simm.s32 @p1 $0x1  }
0x15: {  	[smem:$0x3FB1] =	sst s0;
	s0 =	simm.s32 @!p2 $0x0  }
0x16: {  	s3 =	sld [smem:$0x3FDB];
	s0 =	simm.s32 @p2 $0x1  }
0x17: {  	s4 =	simm.s32 $0x1BF5;
	[smem:$0x3FB3] =	sst s0  }
0x18: {  	s0 =	sld [smem:$0x3F96];
	_ =	swait.ge [sflag:s4], $0x0  }
0x19: {  	s7 =	sld [smem:$0x3F97]  }
0x1a: {  	s8 =	sadd.s32 $0xFFFFE003, lr  }
0x1b: {  	s9 =	sadd.s32 $0xFFFFFEF7, lr;
	s5 =	simm.s32 $0xFFFFFFFF;
	p2 =	slt.u32 s8, $0xFFFFF086  }
0x1c: {  	p1 =	slt.u32 s9, $0xF7A;
	s5 =	simm.s32 @!p2 $0x0  }
0x1d: {  	s5 =	simm.s32 @p1 $0x1;
	p0 =	seq.s32 s7, s2  }
0x1e: {  	s7 =	smul.u32 @!p0 $0xF7A, s2;
	p2 =	seq.s32 @!p0 s5, $0x0  }
0x1f: {  	s9 =	smul.u32 $0xF7A, s1;
	s8 =	simm.s32 @!p0 $0x1BF5;
	p2 =	por !p2, p0  }
0x20: {  	[sflag:s8] =	ssyncset.s32 @!p0 $0xFFFFF086;
	s6 =	sadd.s32 @!p0 s3, s7;
	s7 =	simm.s32 @!p0 $0x108  }
0x21: {  	s3 =	sadd.s32 s3, s9;
	s6 =	sadd.s32 @!p0 $0x88, s6;
	s7 =	simm.s32 @p2 $0x1082  }
0x22: {  	[simem:s7], [sflag:s8] =	dma.local @!p0 [hbm:s6], $0xF7A  }
0x23: {  	s9 =	sor.u32 $0xD0000000, s2;
	s6 =	simm.s32 $0x108;
	_ =	swait.ge @!p0 [sflag:s8], $0x0  }
0x24: {  	s3 =	sadd.s32 $0x88, s3;
	s6 =	simm.s32 @!p1 $0x1082;
	[sflag:s4] =	ssyncset.s32 $0xFFFFF086  }
0x25: {  	[simem:s6], [sflag:s4] =	dma.local [hbm:s3], $0xF7A  }
0x26: {  	[smem:$0x3F97] =	sst s1;
	(tag) =	ssettag s2;
	_ =	strace s9  }
0x27: {  	s1 =	sld [smem:$0x3FA7]  }
0x28: {  	s2 =	sld [smem:$0x3FA8]  }
0x29: {  	s4 =	sld [smem:$0x3FAA]  }
0x2a: {  	p0 =	seq.s32 s5, $0x0;
	s5 =	sld [smem:$0x3FAB]  }
0x2b: {  	s6 =	sld [smem:$0x3FAC]  }
0x2c: {  	s7 =	sld [smem:$0x3FAD]  }
0x2d: {  	s3 =	simm.s32 $0x108;
	s8 =	sld [smem:$0x3FAE]  }
0x2e: {  	s3 =	simm.s32 @!p0 $0x1082;
	s9 =	sld [smem:$0x3FAF]  }
0x2f: {  	lr =	sadd.s32 s0, s3;
	s0 =	sld [smem:$0x3FA6]  }
0x30: {  	s3 =	sld [smem:$0x3FA9]  }
0x31: {  	[smem:$0x3FB2] =	sst s10  }
0x32: {  	s10 =	sld [smem:$0x3FB0];
	_ =	sdelay $0x3  }
0x33: {  	p0 =	seq.s32 s10, $0x1;
	s10 =	sld [smem:$0x3FB2];
	_ =	sdelay $0x3  }
0x34: {  	[smem:$0x3FB2] =	sst s10  }
0x35: {  	s10 =	sld [smem:$0x3FB1];
	_ =	sdelay $0x3  }
0x36: {  	p1 =	seq.s32 s10, $0x1;
	s10 =	sld [smem:$0x3FB2];
	_ =	sdelay $0x3  }
0x37: {  	[smem:$0x3FB2] =	sst s10  }
0x38: {  	s10 =	sld [smem:$0x3FB3]  }
0x39: {  	_ = 	snop;
	(pc) =	sbr.ind lr, $3  }
0x3a: {  	_ = 	snop  }
0x3b: {  	_ = 	snop  }
0x3c: {  	p2 =	seq.s32 s10, $0x1;
	s10 =	sld [smem:$0x3FB2]  }
0x3d: {  	_ =	shalt  }
0x3e: {  	_ =	shalt  }
0x3f: {  	_ =	shalt  }
0x40: {  	_ =	shalt  }
0x41: {  	_ =	shalt  }
0x42: {  	_ =	shalt  }
0x43: {  	_ =	shalt  }
0x44: {  	_ =	shalt  }
0x45: {  	_ =	shalt  }
0x46: {  	_ =	shalt  }
0x47: {  	_ =	shalt  }
0x48: {  	_ =	shalt  }
0x49: {  	_ =	shalt  }
0x4a: {  	_ =	shalt  }
0x4b: {  	_ =	shalt  }
0x4c: {  	_ =	shalt  }
0x4d: {  	_ =	shalt  }
0x4e: {  	_ =	shalt  }
0x4f: {  	_ =	shalt  }
0x50: {  	_ =	shalt  }
0x51: {  	_ =	shalt  }
0x52: {  	_ =	shalt  }
0x53: {  	_ =	shalt  }
0x54: {  	_ =	shalt  }
0x55: {  	_ =	shalt  }
0x56: {  	_ =	shalt  }
0x57: {  	_ =	shalt  }
0x58: {  	_ =	shalt  }
0x59: {  	_ =	shalt  }
0x5a: {  	_ =	shalt  }
0x5b: {  	_ =	shalt  }
0x5c: {  	_ =	shalt  }
0x5d: {  	_ =	shalt  }
0x5e: {  	_ =	shalt  }
0x5f: {  	_ =	shalt  }
0x60: {  	_ =	shalt  }
0x61: {  	_ =	shalt  }
0x62: {  	_ =	shalt  }
0x63: {  	_ =	shalt  }
0x64: {  	_ =	shalt  }
0x65: {  	_ =	shalt  }
0x66: {  	_ =	shalt  }
0x67: {  	_ =	shalt  }
0x68: {  	_ =	shalt  }
0x69: {  	_ =	shalt  }
0x6a: {  	_ =	shalt  }
0x6b: {  	_ =	shalt  }
0x6c: {  	_ =	shalt  }
0x6d: {  	_ =	shalt  }
0x6e: {  	_ =	shalt  }
0x6f: {  	_ =	shalt  }
0x70: {  	_ =	shalt  }
0x71: {  	_ =	shalt  }
0x72: {  	_ =	shalt  }
0x73: {  	_ =	shalt  }
0x74: {  	_ =	shalt  }
0x75: {  	_ =	shalt  }
0x76: {  	_ =	shalt  }
0x77: {  	_ =	shalt  }
0x78: {  	_ =	shalt  }
0x79: {  	_ =	shalt  }
0x7a: {  	_ =	shalt  }
0x7b: {  	_ =	shalt  }
0x7c: {  	_ =	shalt  }
0x7d: {  	_ =	shalt  }
0x7e: {  	_ =	shalt  }
0x7f: {  	_ =	shalt  }
0x80: {  	_ =	shalt  }
0x81: {  	_ =	shalt  }
0x82: {  	_ =	shalt  }
0x83: {  	_ =	shalt  }
0x84: {  	_ =	shalt  }
0x85: {  	_ =	shalt  }
0x86: {  	_ =	shalt  }
0x87: {  	_ =	shalt  }
.Lfunc_end0:
.L_simem_size_0:
called_computation.2_lowered:
.L_overlay_start_0:
0x88: {  	s2 =	sld [smem:$0x3FD9]  }
0x89: {  	s3 =	sld [smem:$0x3FFE];
	_ =	sdelay $0x1  }
0x8a: {  	s1 =	srdreg.scid  }
0x8b: {  	s0 =	sand.u32 $0x1, s1  }
0x8c: {  	s14 =	sshll.u32 s0, $0xA;
	s2 =	sadd.s32 s3, s2  }
0x8d: {  	s2 =	sadd.s32 s2, s14  }
0x8e: {  	[smem:$0x3FBE] =	sst s2  }
0x8f: {  	_ = 	snop  }
0x90: {  	s2 =	sld [smem:$0x3FD0];
	_ =	sdelay $0x2  }
0x91: {  	s15 =	simm.s32 $0xB;
	s4 =	simm.s32 $0x10  }
0x92: {  	[smem:s4], [sflag:s15] =	dma.local [hbm:s2], $0x1  }
0x93: {  	_ =	swait.eq [sflag:s15], $0x1  }
0x94: {  	[sflag:s15] =	ssyncset.done $0x0  }
0x95: {  	[sflag:s15] =	ssyncadd.s32 $0xFFFFFFFF  }
0x96: {  	s16 =	sld [smem:$0x11];
	(tm) =	ssettm $0x1  }
0x97: {  	s17 =	sld [smem:$0x3FFB];
	_ =	sdelay $0x3  }
0x98: {  	_ =	strace s17  }
0x99: {  	s3 =	sld [smem:$0x3FFC];
	_ =	sdelay $0x3  }
0x9a: {  	_ =	strace s3  }
0x9b: {  	s3 =	sld [smem:$0x3FFD];
	_ =	sdelay $0x3  }
0x9c: {  	_ =	strace s3  }
0x9d: {  	_ =	strace $0x8FFFFFFF  }
0x9e: {  	s18 =	sld [smem:$0x3FDB];
	_ =	sdelay $0x1  }
0x9f: {  	s19 =	simm.s32 $_scs_section_size  }
0xa0: {  	s5 =	simm.s32 $_size__tile_overlayer_lowered;
	s6 =	simm.s32 $_tile_overlayer_lowered  }
0xa1: {  	s22 =	simm.s32 $0x1BFF;
	s21 =	sshll.u32 s6, $0x1;
	s3 =	sadd.s32 s19, s18  }
0xa2: {  	s7 =	simm.s32 $0x0;
	s20 =	sshll.u32 s5, $0x1;
	s5 =	sadd.s32 s21, s3  }
0xa3: {  	[timem:s7], [sflag:s22] =	dma.local [hbm:s5], s20  }
0xa4: {  	_ =	swait.ge [sflag:s22], s20  }
0xa5: {  	s4 =	ssub.s32 $0x0, s20;
	[sflag:s22] =	ssyncset.done $0x0  }
0xa6: {  	[sflag:s22] =	ssyncadd.s32 s4;
	_ =	sdelay $0x1  }
0xa7: {  	s23 =	simm.s32 $0x1B8B  }
0xa8: {  	_ =	swait.ge [sflag:s23], $0x1  }
0xa9: {  	[sflag:s23] =	ssyncset.done $0x0  }
0xaa: {  	s25 =	simm.s32 $0x1B8E;
	s24 =	sld [smem:$0x3FFE];
	[sflag:s23] =	ssyncadd.s32 $0xFFFFFFFF  }
0xab: {  	s26 =	simm.s32 $execute0_lowered;
	[smem:$0x3FD2] =	sst s25  }
0xac: {  	s5 =	sshll.u32 s26, $0x1;
	_ =	strace $0x8000004C;
	[dreg:$0x1] =	wrdreg $0xFFFFFFFF  }
0xad: {  	s28 =	simm.s32 $_size_execute0_lowered;
	s3 =	sadd.s32 s3, s5;
	[dreg:$0x0] =	wrdreg $0x0  }
0xae: {  	s5 =	sshll.u32 s28, $0x1;
	[dreg:$0x2] =	wrdreg s3  }
0xaf: {  	[dreg:$0x3] =	wrdreg s5  }
0xb0: {  	[dreg:$0x4] =	wrdreg $0xC0  }
0xb1: {  	_ =	task [dreg:s7], $0x5FFFF  }
0xb2: {  	[dreg:$0x1] =	wrdreg $0xFFFFFFFF  }
0xb3: {  	[dreg:$0x0] =	wrdreg $0x60  }
0xb4: {  	[dreg:$0x2] =	wrdreg s16  }
0xb5: {  	[dreg:$0x3] =	wrdreg s24  }
0xb6: {  	[dreg:$0x4] =	wrdreg $0xC1000  }
0xb7: {  	[dreg:$0x5] =	wrdreg $0x9  }
0xb8: {  	_ =	task.clear_ibuf [dreg:s7], $0x6FFFF;
	_ =	strace $0x9000004C  }
0xb9: {  	s29 =	simm.s32 $0x9;
	_ =	strace $0x8000004E  }
0xba: {  	_ =	swait.ge [sflag:s29], $0x1  }
0xbb: {  	[sflag:s29] =	ssyncadd.s32 $0xFFFFFFFF  }
0xbc: {  	_ =	strace $0x9000004E  }
0xbd: {  	_ =	sfence  }
0xbe: {  	s30 =	sld [smem:$0x0];
	_ =	sdelay $0x2  }
0xbf: {  	s31 =	sshll.u32 s1, $0xD;
	s1 =	sshrl.u32 s1, $0x2  }
0xc0: {  	s3 =	sand.u32 $0x4000, s31;
	s1 =	sadd.s32 s1, s30  }
0xc1: {  	s0 =	sor.u32 s3, s0;
	s1 =	sshll.u32 s1, $0x11  }
0xc2: {  	s0 =	sor.u32 s1, s0  }
0xc3: {  	s0 =	sadd.s32 $0x8F2B, s0  }
0xc4: {  	[sflag:s0] =	ssyncadd.remote.s32 $0x1  }
0xc5: {  	_ =	sfence.sel $0xFFFF  }
0xc6: {  	[dreg:$0x0] =	wrdreg $0xFFFFFFFF;
	(pc) =	sbr.abs _section_cstart, $3  }
0xc7: {  	[dreg:$0x1] =	wrdreg $0xFFFFFFFF  }
0xc8: {  	_ =	task.clear_ibuf [dreg:s7], $0x2FFFF;
	_ =	strace $0x9FFFFFFF  }
0xc9: {  	(tm) =	ssettm $0x7FFFFFFF  }
tec
execute0_lowered:
.L_overlay_start_1:
0x0: {  	(tag) =	ssettag $0x1  }
0x1: {  	s1 =	rddreg [dreg:$0x0]  }
0x2: {  	s8 =	rddreg [dreg:$0x1]  }
0x3: {  	s3 =	rddreg [dreg:$0x2]  }
0x4: {  	s5 =	srdreg.scid;
	s4 =	simm.s32 $0x0;
	s0 =	stileid.u32  }
0x5: {  	s18 =	simm.s32 $0x5;
	s19 =	simm.s32 $0x4000;
	s21 =	simm.s32 $0x4080  }
0x6: {  	s22 =	simm.s32 $0x1;
	s24 =	simm.s32 $0x8100;
	s23 =	simm.s32 $0x2  }
0x7: {  	s9 =	sand.u32 $0x1, s5;
	s6 =	sshll.u32 s0, $0xE;
	s10 =	smul.u32 $0x13C00, s0  }
0x8: {  	[smem:$0x7FF] =	sst s4;
	s30 =	smul.u32 $0x4F000, s0;
	s31 =	sshll.u32 s0, $0x6  }
0x9: {  	s5 =	sshll.u32 s9, $0x12;
	s7 =	smul.u32 $0x13C000, s9;
	_ =	strace $0x8000004D  }
0xa: {  	s13 =	ssub.s32 $0x2, s9;
	p0 =	seq.s32 s9, $0x0;
	s9 =	simm.s32 $0x80  }
0xb: {  	[dreg:$0x4] =	wrdreg s24;
	s24 =	simm.s32 $0x0;
	s5 =	sor.u32 s6, s5  }
0xc: {  	s6 =	sadd.s32 $0x4CC00, s8;
	s14 =	sshrl.u32 s13, $0x1;
	s9 =	simm.s32 @!p0 $0x1E  }
0xd: {  	s11 =	sshrl.u32 s5, $0x3;
	s10 =	sadd.s32 s10, s7;
	s7 =	sadd.s32 $0x5CC00, s8  }
0xe: {  	s16 =	ssub.s32 s13, s14;
	s14 =	sshrl.u32 s9, $0x1;
	s12 =	sadd.s32 s11, s8  }
0xf: {  	s10 =	sshrl.u32 s10, $0x3;
	s11 =	sadd.s32 s6, s11;
	s16 =	smax.u32 s16, $0x1  }
0x10: {  	s15 =	sadd.s32 s10, s8;
	s8 =	simm.s32 $0x80;
	s10 =	sshrl.u32 s30, $0x2  }
0x11: {  	s12 =	sadd.s32 $0x2CC00, s12;
	s13 =	sadd.s32 $0x10, s11;
	s17 =	sadd.s32 s10, s3  }
0x12: {  	s10 =	sor.u32 $0x1C05, s31;
	s15 =	sadd.s32 $0x5F400, s15;
	s17 =	sshrl.u32 s17, $0x3  }
.LBB2_1:
0x13: {  	[spmem:s17], [sflag:s10] =	dma.local [hbm:s7], $0x2780  }
0x14: {  	_ =	swait.ge [sflag:s18], $0x2780  }
0x15: {  	[sflag:s18] =	ssyncset.done $0x0  }
0x16: {  	[sflag:s18] =	ssyncadd.s32 $0xFFFFD880  }
0x17: {  	[tilespmem:s4], [sflag:$0x5] =	stream.linear.gather [hbm4b:s12+s4], $0x4000, $0x38;
	[tilespmem:$0x1FD00] =	vst v63  }
0x18: {  	_ =	swait.ge [sflag:s18], $0x4000  }
0x19: {  	[sflag:s18] =	ssyncset.done $0x0  }
0x1a: {  	[sflag:s18] =	ssyncadd.s32 $0xFFFFC000  }
0x1b: {  	s26 =	sadd.s32 $0xFFFFFFFF, s14;
	[bflag:$0x0] =	sbarrier.arrive $0xFFFF  }
0x1c: {  	[tilespmem:s19], [sflag:$0x5] =	stream.linear.gather [hbm4b:s11+s4], $0x80, $0x38;
	[tilespmem:$0x1FD00] =	vst v63  }
0x1d: {  	p2 =	sne.s32 s26, $0x0;
	_ =	swait.ge [sflag:s18], $0x80  }
.Ltmp0:
0x1e: {  	[sflag:s18] =	ssyncset.done $0x0;
	(pc) =	sbr.rel @!p2 .LBB2_2-.Ltmp0, $4  }
0x1f: {  	s0 =	simm.s32 $0x4100;
	[sflag:s18] =	ssyncadd.s32 $0xFFFFFF80  }
0x20: {  	[tilespmem:s0], [sflag:$0x1] =	stream.indirect.gather [hbm4b:s1+s8], $0x80, s19, s8, $0xb8;
	[tilespmem:$0x1FD00] =	vst v63  }
0x21: {  	s25 =	simm.s32 $0x100;
	p1 =	sle.u32 s9, $0x1;
	p0 =	por $0x0, $0x0  }
0x22: {  	[tilespmem:s21], [sflag:$0x4] =	stream.linear.gather [hbm4b:s13+s4], $0x80, $0x38;
	[tilespmem:$0x1FD00] =	vst v63  }
0x23: {  	s28 =	simm.s32 @!p1 $0x4  }
0x24: {  	_ =	swait.ge @!p1 [sflag:s28], $0x80  }
0x25: {  	s29 =	simm.s32 @!p1 $0x8100;
	s30 =	simm.s32 @!p1 $0x80;
	[sflag:s28] =	ssyncset.done @!p1 $0x0  }
0x26: {  	s31 =	simm.s32 @!p1 $0x4080;
	p0 =	sle.u32 s9, $0x2;
	[sflag:s28] =	ssyncadd.s32 @!p1 $0xFFFFFF80  }
0x27: {  	[tilespmem:s29], [sflag:$0x2] =	stream.indirect.gather @!p1 [hbm4b:s1+s30], $0x80, s31, s30, $0xb8;
	[tilespmem:$0x1FD00] =	vst v63  }
0x28: {  	s28 =	simm.s32 @p0 $0x80;
	s29 =	simm.s32 @p0 $0x5;
	_ =	swait.ge [sflag:s22], $0x4000  }
0x29: {  	s30 =	simm.s32 @p0 $0x4100;
	s31 =	sand.u32 @!p0 $0x7FFFFC00, s25;
	[sflag:s22] =	ssyncset.done $0x0  }
0x2a: {  	s25 =	sand.u32 @!p0 $0x300, s25;
	s31 =	sadd.s32 @!p0 s5, s31;
	[sflag:s22] =	ssyncadd.s32 $0xFFFFC000  }
0x2b: {  	[spmem:s3] =	stream.indirect.scatter.add.f32 @p0 [tilespmem:s30], [sflag:$0x5], $0x80, s4, s28, $0xb8;
	[tilespmem:$0x1FD00] =	vst v63  }
0x2c: {  	s25 =	sor.u32 @!p0 s25, s31;
	_ =	swait.ge @p0 [sflag:s29], $0x4000  }
0x2d: {  	s25 =	sshrl.u32 @!p0 s25, $0x3;
	s28 =	simm.s32 @!p0 $0x0;
	[sflag:s29] =	ssyncset.done @p0 $0x0  }
0x2e: {  	s25 =	sadd.s32 @!p0 s6, s25;
	s30 =	simm.s32 @!p0 $0x4000;
	[sflag:s29] =	ssyncadd.s32 @p0 $0xFFFFC000  }
0x2f: {  	[tilespmem:s30], [sflag:$0x3] =	stream.linear.gather @!p0 [hbm4b:s25+s28], $0x80, $0x38;
	[tilespmem:$0x1FD00] =	vst v63  }
0x30: {  	s29 =	simm.s32 @!p0 $0x5;
	s25 =	simm.s32 @!p0 $0x4100;
	s28 =	simm.s32 @!p0 $0x80  }
0x31: {  	[spmem:s3] =	stream.indirect.scatter.add.f32 @!p0 [tilespmem:s25], [sflag:$0x5], $0x80, s4, s28, $0xb8;
	[tilespmem:$0x1FD00] =	vst v63  }
0x32: {  	_ =	swait.ge @!p0 [sflag:s29], $0x4000  }
0x33: {  	[sflag:s29] =	ssyncset.done @!p0 $0x0  }
0x34: {  	s31 =	simm.s32 @!p0 $0x3;
	[sflag:s29] =	ssyncadd.s32 @!p0 $0xFFFFC000  }
0x35: {  	p1 =	sle.u32 s9, $0x3;
	_ =	swait.ge @!p0 [sflag:s31], $0x80  }
0x36: {  	s0 =	simm.s32 @!p1 $0x180;
	s29 =	sadd.s32 $0xFFFFFFFF, s26;
	[sflag:s31] =	ssyncset.done @!p0 $0x0  }
0x37: {  	s26 =	sand.u32 @!p1 $0x7FFFFC00, s0;
	s0 =	sand.u32 @!p1 $0x380, s0;
	[sflag:s31] =	ssyncadd.s32 @!p0 $0xFFFFFF80  }
0x38: {  	[tilespmem:s25], [sflag:$0x1] =	stream.indirect.gather @!p0 [hbm4b:s1+s28], $0x80, s30, s28, $0xb8;
	[tilespmem:$0x1FD00] =	vst v63  }
0x39: {  	p2 =	sne.s32 s29, $0x0;
	s31 =	simm.s32 $0x80;
	s25 =	sadd.s32 @!p1 s5, s26  }
0x3a: {  	s28 =	simm.s32 $0x3;
	s26 =	simm.s32 @!p1 $0x0;
	p0 =	por $0x1, $0x1  }
.Ltmp1:
0x3b: {  	_ =	swait.ge [sflag:s23], $0x4000;
	s0 =	sor.u32 @!p1 s0, s25;
	(pc) =	sbr.rel @!p2 .LBB2_5-.Ltmp1, $4  }
0x3c: {  	s25 =	simm.s32 @!p1 $0x4080;
	[sflag:s23] =	ssyncset.done $0x0;
	s0 =	sshrl.u32 @!p1 s0, $0x3  }
0x3d: {  	s30 =	rddreg [dreg:$0x4];
	[sflag:s23] =	ssyncadd.s32 $0xFFFFC000;
	s0 =	sadd.s32 @!p1 s6, s0  }
0x3e: {  	[tilespmem:s25], [sflag:$0x4] =	stream.linear.gather @!p1 [hbm4b:s0+s26], $0x80, $0x38;
	[tilespmem:$0x1FD00] =	vst v63  }
0x3f: {  	p1 =	sle.u32 s9, $0x3;
	s26 =	simm.s32 $0x100;
	s25 =	simm.s32 $0x200  }
.LBB2_4:
0x40: {  	[spmem:s3] =	stream.indirect.scatter.add.f32 [tilespmem:s30], [sflag:$0x5], $0x80, s31, s8, $0xb8;
	[tilespmem:$0x1FD00] =	vst v63  }
0x41: {  	_ =	swait.ge [sflag:s18], $0x4000  }
0x42: {  	[sflag:s18] =	ssyncset.done $0x0  }
0x43: {  	s0 =	simm.s32 @!p1 $0x4;
	[sflag:s18] =	ssyncadd.s32 $0xFFFFC000  }
0x44: {  	s30 =	simm.s32 @!p1 $0x8100;
	_ =	swait.ge @!p1 [sflag:s0], $0x80  }
0x45: {  	s31 =	simm.s32 @!p1 $0x80;
	s20 =	sadd.s32 $0x1, s28;
	[sflag:s0] =	ssyncset.done @!p1 $0x0  }
0x46: {  	s2 =	simm.s32 @!p1 $0x4080;
	p3 =	sge.u32 s20, s9;
	[sflag:s0] =	ssyncadd.s32 @!p1 $0xFFFFFF80  }
0x47: {  	[tilespmem:s30], [sflag:$0x2] =	stream.indirect.gather @!p1 [hbm4b:s1+s31], $0x80, s2, s31, $0xb8;
	[tilespmem:$0x1FD00] =	vst v63  }
0x48: {  	s20 =	simm.s32 @p3 $0x4100;
	s0 =	simm.s32 @p3 $0x80;
	_ =	swait.ge [sflag:s22], $0x4000  }
0x49: {  	s2 =	simm.s32 @p3 $0x5;
	s30 =	sand.u32 @!p3 $0x7FFFFC00, s25;
	[sflag:s22] =	ssyncset.done $0x0  }
0x4a: {  	s31 =	sand.u32 @!p3 $0x300, s25;
	s30 =	sadd.s32 @!p3 s5, s30;
	[sflag:s22] =	ssyncadd.s32 $0xFFFFC000  }
0x4b: {  	[spmem:s3] =	stream.indirect.scatter.add.f32 @p3 [tilespmem:s20], [sflag:$0x5], $0x80, s26, s0, $0xb8;
	[tilespmem:$0x1FD00] =	vst v63  }
0x4c: {  	s0 =	sor.u32 @!p3 s31, s30;
	_ =	swait.ge @p3 [sflag:s2], $0x4000  }
0x4d: {  	s20 =	simm.s32 @!p3 $0x0;
	s0 =	sshrl.u32 @!p3 s0, $0x3;
	[sflag:s2] =	ssyncset.done @p3 $0x0  }
0x4e: {  	s0 =	sadd.s32 @!p3 s6, s0;
	[sflag:s2] =	ssyncadd.s32 @p3 $0xFFFFC000;
	s2 =	simm.s32 @!p3 $0x4000  }
0x4f: {  	[tilespmem:s2], [sflag:$0x3] =	stream.linear.gather @!p3 [hbm4b:s0+s20], $0x80, $0x38;
	[tilespmem:$0x1FD00] =	vst v63  }
0x50: {  	s30 =	simm.s32 @!p3 $0x4100;
	s0 =	simm.s32 @!p3 $0x80;
	s20 =	simm.s32 @!p3 $0x5  }
0x51: {  	[spmem:s3] =	stream.indirect.scatter.add.f32 @!p3 [tilespmem:s30], [sflag:$0x5], $0x80, s26, s0, $0xb8;
	[tilespmem:$0x1FD00] =	vst v63  }
0x52: {  	_ =	swait.ge @!p3 [sflag:s20], $0x4000  }
0x53: {  	[sflag:s20] =	ssyncset.done @!p3 $0x0  }
0x54: {  	s28 =	sadd.s32 $0x2, s28;
	[sflag:s20] =	ssyncadd.s32 @!p3 $0xFFFFC000;
	s20 =	simm.s32 @!p3 $0x3  }
0x55: {  	p1 =	sge.u32 s28, s9;
	_ =	swait.ge @!p3 [sflag:s20], $0x80  }
0x56: {  	s29 =	sadd.s32 $0xFFFFFFFF, s29;
	s31 =	sadd.s32 @!p1 $0x80, s25;
	[sflag:s20] =	ssyncset.done @!p3 $0x0  }
0x57: {  	p2 =	sne.s32 s29, $0x0;
	[sflag:s20] =	ssyncadd.s32 @!p3 $0xFFFFFF80;
	s20 =	sand.u32 @!p1 $0x7FFFFC00, s31  }
0x58: {  	[tilespmem:s30], [sflag:$0x1] =	stream.indirect.gather @!p3 [hbm4b:s1+s0], $0x80, s2, s0, $0xb8;
	[tilespmem:$0x1FD00] =	vst v63  }
0x59: {  	s25 =	sadd.s32 $0x100, s25;
	s31 =	sand.u32 @!p1 $0x380, s31;
	s0 =	sadd.s32 @!p1 s5, s20  }
.Ltmp2:
0x5a: {  	s2 =	simm.s32 @!p1 $0x4080;
	s20 =	simm.s32 @!p1 $0x0;
	(pc) =	sbr.rel @p2 .LBB2_4-.Ltmp2, $4  }
0x5b: {  	_ =	swait.ge [sflag:s23], $0x4000;
	s0 =	sor.u32 @!p1 s31, s0;
	s31 =	sadd.s32 $0x80, s26  }
0x5c: {  	s26 =	sadd.s32 $0x100, s26;
	[sflag:s23] =	ssyncset.done $0x0;
	s0 =	sshrl.u32 @!p1 s0, $0x3  }
0x5d: {  	s30 =	rddreg [dreg:$0x4];
	[sflag:s23] =	ssyncadd.s32 $0xFFFFC000;
	s0 =	sadd.s32 @!p1 s6, s0  }
0x5e: {  	[tilespmem:s2], [sflag:$0x4] =	stream.linear.gather @!p1 [hbm4b:s0+s20], $0x80, $0x38;
	[tilespmem:$0x1FD00] =	vst v63  }
.LBB2_5:
0x5f: {  	[spmem:s3] =	stream.indirect.scatter.add.f32 @p0 [tilespmem:s30], [sflag:$0x5], $0x80, s31, s8, $0xb8;
	[tilespmem:$0x1FD00] =	vst v63  }
0x60: {  	_ =	swait.ge @p0 [sflag:s18], $0x4000  }
0x61: {  	[sflag:s18] =	ssyncset.done @p0 $0x0  }
0x62: {  	s0 =	simm.s32 @!p1 $0x4;
	[sflag:s18] =	ssyncadd.s32 @p0 $0xFFFFC000  }
0x63: {  	s2 =	simm.s32 @!p1 $0x8100;
	s29 =	sadd.s32 $0x1, s28;
	_ =	swait.ge @!p1 [sflag:s0], $0x80  }
0x64: {  	s20 =	simm.s32 @!p1 $0x80;
	p0 =	sge.u32 s29, s9;
	[sflag:s0] =	ssyncset.done @!p1 $0x0  }
0x65: {  	s30 =	simm.s32 @!p1 $0x4080;
	s29 =	sand.u32 @!p0 $0x7FFFFC00, s25;
	[sflag:s0] =	ssyncadd.s32 @!p1 $0xFFFFFF80  }
0x66: {  	[tilespmem:s2], [sflag:$0x2] =	stream.indirect.gather @!p1 [hbm4b:s1+s20], $0x80, s30, s20, $0xb8;
	[tilespmem:$0x1FD00] =	vst v63  }
0x67: {  	s29 =	sadd.s32 @!p0 s5, s29;
	_ =	swait.ge [sflag:s22], $0x4000  }
0x68: {  	s0 =	simm.s32 @p0 $0x80;
	s2 =	simm.s32 @p0 $0x5;
	[sflag:s22] =	ssyncset.done $0x0  }
0x69: {  	s20 =	simm.s32 @p0 $0x4100;
	s30 =	sand.u32 @!p0 $0x300, s25;
	[sflag:s22] =	ssyncadd.s32 $0xFFFFC000  }
0x6a: {  	[spmem:s3] =	stream.indirect.scatter.add.f32 @p0 [tilespmem:s20], [sflag:$0x5], $0x80, s26, s0, $0xb8;
	[tilespmem:$0x1FD00] =	vst v63  }
0x6b: {  	s0 =	sor.u32 @!p0 s30, s29;
	_ =	swait.ge @p0 [sflag:s2], $0x4000  }
0x6c: {  	s20 =	simm.s32 @!p0 $0x0;
	s0 =	sshrl.u32 @!p0 s0, $0x3;
	[sflag:s2] =	ssyncset.done @p0 $0x0  }
0x6d: {  	s0 =	sadd.s32 @!p0 s6, s0;
	[sflag:s2] =	ssyncadd.s32 @p0 $0xFFFFC000;
	s2 =	simm.s32 @!p0 $0x4000  }
0x6e: {  	[tilespmem:s2], [sflag:$0x3] =	stream.linear.gather @!p0 [hbm4b:s0+s20], $0x80, $0x38;
	[tilespmem:$0x1FD00] =	vst v63  }
0x6f: {  	s29 =	simm.s32 @!p0 $0x5;
	s0 =	simm.s32 @!p0 $0x4100;
	s20 =	simm.s32 @!p0 $0x80  }
0x70: {  	[spmem:s3] =	stream.indirect.scatter.add.f32 @!p0 [tilespmem:s0], [sflag:$0x5], $0x80, s26, s20, $0xb8;
	[tilespmem:$0x1FD00] =	vst v63  }
0x71: {  	_ =	swait.ge @!p0 [sflag:s29], $0x4000  }
0x72: {  	[sflag:s29] =	ssyncset.done @!p0 $0x0  }
0x73: {  	s31 =	sadd.s32 $0x2, s28;
	[sflag:s29] =	ssyncadd.s32 @!p0 $0xFFFFC000;
	s29 =	simm.s32 @!p0 $0x3  }
0x74: {  	p1 =	sge.u32 s31, s9;
	_ =	swait.ge @!p0 [sflag:s29], $0x80  }
0x75: {  	s25 =	sadd.s32 @!p1 $0x80, s25;
	[sflag:s29] =	ssyncset.done @!p0 $0x0  }
0x76: {  	s28 =	sand.u32 @!p1 $0x7FFFFC00, s25;
	[sflag:s29] =	ssyncadd.s32 @!p0 $0xFFFFFF80  }
0x77: {  	[tilespmem:s0], [sflag:$0x1] =	stream.indirect.gather @!p0 [hbm4b:s1+s20], $0x80, s2, s20, $0xb8;
	[tilespmem:$0x1FD00] =	vst v63  }
0x78: {  	s0 =	sand.u32 @!p1 $0x380, s25;
	s2 =	sadd.s32 @!p1 s5, s28  }
0x79: {  	_ =	swait.ge [sflag:s23], $0x4000;
	s0 =	sor.u32 @!p1 s0, s2  }
0x7a: {  	s20 =	simm.s32 @!p1 $0x4080;
	[sflag:s23] =	ssyncset.done $0x0;
	s0 =	sshrl.u32 @!p1 s0, $0x3  }
0x7b: {  	s2 =	simm.s32 @!p1 $0x0;
	[sflag:s23] =	ssyncadd.s32 $0xFFFFC000;
	s0 =	sadd.s32 @!p1 s6, s0  }
0x7c: {  	[tilespmem:s20], [sflag:$0x4] =	stream.linear.gather @!p1 [hbm4b:s0+s2], $0x80, $0x38;
	[tilespmem:$0x1FD00] =	vst v63  }
0x7d: {  	s31 =	sadd.s32 $0x80, s26;
	s30 =	rddreg [dreg:$0x4]  }
0x7e: {  	[spmem:s3] =	stream.indirect.scatter.add.f32 [tilespmem:s30], [sflag:$0x5], $0x80, s31, s8, $0xb8;
	[tilespmem:$0x1FD00] =	vst v63  }
0x7f: {  	_ =	swait.ge [sflag:s18], $0x4000  }
0x80: {  	[sflag:s18] =	ssyncset.done $0x0  }
0x81: {  	s24 =	sadd.s32 $0x1, s24;
	[sflag:s18] =	ssyncadd.s32 $0xFFFFC000  }
0x82: {  	p0 =	sne.s32 s24, s16;
	[bflag:$0x0] =	sbarrier.arrive $0xFFFF  }
0x83: {  	[hbm:s15], [sflag:s10] =	dma.local [spmem:s17], $0x2780  }
.Ltmp3:
0x84: {  	_ = 	snop;
	(pc) =	sbr.rel @p0 .LBB2_1-.Ltmp3, $4  }
.Ltmp4:
0x85: {  	_ = 	snop;
	(pc) =	sbr.rel @!p0 .LBB2_6-.Ltmp4, $4  }
0x86: {  	_ =	swait.ge [sflag:s18], $0x2780  }
0x87: {  	[sflag:s18] =	ssyncset.done $0x0  }
0x88: {  	[sflag:s18] =	ssyncadd.s32 $0xFFFFD880  }
0x89: {  	_ = 	snop  }
.LBB2_2:
.Ltmp5:
0x8a: {  	(pc) =	sbr.rel .LBB2_5-.Ltmp5, $2  }
0x8b: {  	_ =	sdelay $0x2  }
0x8c: {  	s28 =	simm.s32 $0x1;
	s26 =	simm.s32 $0x0  }
.LBB2_6:
0x8d: {  	_ =	sfence.sel $0x180000  }
0x8e: {  	[bflag:$0x0] =	sbarrier.arrive $0xFFFF  }
0x8f: {  	_ =	strace $0x9000004D  }
0x90: {  	s0 =	stileid.u32;
	[bflag:$0x2] =	sbarrier.arrive $0xFFFF  }
0x91: {  	p0 =	sne.s32 s0, $0x0;
	s0 =	rddreg [dreg:$0x3]  }
0x92: {  	s0 =	sadd.s32 @!p0 $0x100000, s0  }
0x93: {  	[sflag:s0] =	ssyncadd.tile.s32 @!p0 $0x1;
	_ =	shalt  }
.Lfunc_end2:
_tile_overlayer_lowered:
.L_overlay_start_2:
0x94: {  	(tag) =	ssettag $0x2  }
0x95: {  	s0 =	rddreg [dreg:$0x0];
	s2 =	stileid.u32  }
0x96: {  	s1 =	rddreg [dreg:$0x1];
	p0 =	sne.s32 s2, $0x0  }
0x97: {  	s3 =	rddreg [dreg:$0x2];
	[bflag:$0x3] =	sbarrier.arrive $0xFFFF;
	s2 =	simm.s32 @!p0 $0x1C05  }
0x98: {  	[timem:s3], [sflag:s2] =	dma.local @!p0 [hbm:s0], s1  }
0x99: {  	s0 =	simm.s32 @!p0 $0x5  }
0x9a: {  	_ =	swait.ge @!p0 [sflag:s0], s1  }
0x9b: {  	s1 =	ssub.s32 @!p0 $0x0, s1;
	[sflag:s0] =	ssyncset.done @!p0 $0x0  }
0x9c: {  	[sflag:s0] =	ssyncadd.s32 @!p0 s1  }
0x9d: {  	[bflag:$0x3] =	sbarrier.arrive $0xFFFF  }
0x9e: {  	_ =	shalt  }

// kernel: sc_deg.3.cloned.1.call-start
scs
__scs_entry_jumppad:
0x0: {  	(pc) =	sbr.rel $0x88, $3  }
0x1: {  	(tag) =	ssettag $0x0;
	lr =	simm.s32 $0x1  }
0x2: {  	[smem:$0x3F97] =	sst lr;
	_ =	strace $0xD0000000  }
0x3: {  	_ = 	snop  }
0x4: {  	_ = 	snop  }
0x5: {  	_ = 	snop  }
0x6: {  	_ = 	snop  }
0x7: {  	_ = 	snop  }
__scs_overlays_trampoline_lowered:
0x8: {  	[smem:$0x3FA6] =	sst s0  }
0x9: {  	[smem:$0x3FA7] =	sst s1  }
0xa: {  	[smem:$0x3FA8] =	sst s2  }
0xb: {  	[smem:$0x3FA9] =	sst s3  }
0xc: {  	[smem:$0x3FAA] =	sst s4  }
0xd: {  	[smem:$0x3FAB] =	sst s5  }
0xe: {  	[smem:$0x3FAC] =	sst s6  }
0xf: {  	[smem:$0x3FAD] =	sst s7  }
0x10: {  	[smem:$0x3FAE] =	sst s8  }
0x11: {  	[smem:$0x3FAF] =	sst s9;
	s0 =	simm.s32 @!p0 $0x0  }
0x12: {  	s1 =	sld [smem:$0x3F95];
	s0 =	simm.s32 @p0 $0x1  }
0x13: {  	[smem:$0x3FB0] =	sst s0;
	s0 =	simm.s32 @!p1 $0x0  }
0x14: {  	s2 =	sld [smem:$0x3F94];
	s0 =	simm.s32 @p1 $0x1  }
0x15: {  	[smem:$0x3FB1] =	sst s0;
	s0 =	simm.s32 @!p2 $0x0  }
0x16: {  	s3 =	sld [smem:$0x3FDB];
	s0 =	simm.s32 @p2 $0x1  }
0x17: {  	s4 =	simm.s32 $0x1BF5;
	[smem:$0x3FB3] =	sst s0  }
0x18: {  	s0 =	sld [smem:$0x3F96];
	_ =	swait.ge [sflag:s4], $0x0  }
0x19: {  	s7 =	sld [smem:$0x3F97]  }
0x1a: {  	s8 =	sadd.s32 $0xFFFFE003, lr  }
0x1b: {  	s9 =	sadd.s32 $0xFFFFFEF7, lr;
	s5 =	simm.s32 $0xFFFFFFFF;
	p2 =	slt.u32 s8, $0xFFFFF086  }
0x1c: {  	p1 =	slt.u32 s9, $0xF7A;
	s5 =	simm.s32 @!p2 $0x0  }
0x1d: {  	s5 =	simm.s32 @p1 $0x1;
	p0 =	seq.s32 s7, s2  }
0x1e: {  	s7 =	smul.u32 @!p0 $0xF7A, s2;
	p2 =	seq.s32 @!p0 s5, $0x0  }
0x1f: {  	s9 =	smul.u32 $0xF7A, s1;
	s8 =	simm.s32 @!p0 $0x1BF5;
	p2 =	por !p2, p0  }
0x20: {  	[sflag:s8] =	ssyncset.s32 @!p0 $0xFFFFF086;
	s6 =	sadd.s32 @!p0 s3, s7;
	s7 =	simm.s32 @!p0 $0x108  }
0x21: {  	s3 =	sadd.s32 s3, s9;
	s6 =	sadd.s32 @!p0 $0x88, s6;
	s7 =	simm.s32 @p2 $0x1082  }
0x22: {  	[simem:s7], [sflag:s8] =	dma.local @!p0 [hbm:s6], $0xF7A  }
0x23: {  	s9 =	sor.u32 $0xD0000000, s2;
	s6 =	simm.s32 $0x108;
	_ =	swait.ge @!p0 [sflag:s8], $0x0  }
0x24: {  	s3 =	sadd.s32 $0x88, s3;
	s6 =	simm.s32 @!p1 $0x1082;
	[sflag:s4] =	ssyncset.s32 $0xFFFFF086  }
0x25: {  	[simem:s6], [sflag:s4] =	dma.local [hbm:s3], $0xF7A  }
0x26: {  	[smem:$0x3F97] =	sst s1;
	(tag) =	ssettag s2;
	_ =	strace s9  }
0x27: {  	s1 =	sld [smem:$0x3FA7]  }
0x28: {  	s2 =	sld [smem:$0x3FA8]  }
0x29: {  	s4 =	sld [smem:$0x3FAA]  }
0x2a: {  	p0 =	seq.s32 s5, $0x0;
	s5 =	sld [smem:$0x3FAB]  }
0x2b: {  	s6 =	sld [smem:$0x3FAC]  }
0x2c: {  	s7 =	sld [smem:$0x3FAD]  }
0x2d: {  	s3 =	simm.s32 $0x108;
	s8 =	sld [smem:$0x3FAE]  }
0x2e: {  	s3 =	simm.s32 @!p0 $0x1082;
	s9 =	sld [smem:$0x3FAF]  }
0x2f: {  	lr =	sadd.s32 s0, s3;
	s0 =	sld [smem:$0x3FA6]  }
0x30: {  	s3 =	sld [smem:$0x3FA9]  }
0x31: {  	[smem:$0x3FB2] =	sst s10  }
0x32: {  	s10 =	sld [smem:$0x3FB0];
	_ =	sdelay $0x3  }
0x33: {  	p0 =	seq.s32 s10, $0x1;
	s10 =	sld [smem:$0x3FB2];
	_ =	sdelay $0x3  }
0x34: {  	[smem:$0x3FB2] =	sst s10  }
0x35: {  	s10 =	sld [smem:$0x3FB1];
	_ =	sdelay $0x3  }
0x36: {  	p1 =	seq.s32 s10, $0x1;
	s10 =	sld [smem:$0x3FB2];
	_ =	sdelay $0x3  }
0x37: {  	[smem:$0x3FB2] =	sst s10  }
0x38: {  	s10 =	sld [smem:$0x3FB3]  }
0x39: {  	_ = 	snop;
	(pc) =	sbr.ind lr, $3  }
0x3a: {  	_ = 	snop  }
0x3b: {  	_ = 	snop  }
0x3c: {  	p2 =	seq.s32 s10, $0x1;
	s10 =	sld [smem:$0x3FB2]  }
0x3d: {  	_ =	shalt  }
0x3e: {  	_ =	shalt  }
0x3f: {  	_ =	shalt  }
0x40: {  	_ =	shalt  }
0x41: {  	_ =	shalt  }
0x42: {  	_ =	shalt  }
0x43: {  	_ =	shalt  }
0x44: {  	_ =	shalt  }
0x45: {  	_ =	shalt  }
0x46: {  	_ =	shalt  }
0x47: {  	_ =	shalt  }
0x48: {  	_ =	shalt  }
0x49: {  	_ =	shalt  }
0x4a: {  	_ =	shalt  }
0x4b: {  	_ =	shalt  }
0x4c: {  	_ =	shalt  }
0x4d: {  	_ =	shalt  }
0x4e: {  	_ =	shalt  }
0x4f: {  	_ =	shalt  }
0x50: {  	_ =	shalt  }
0x51: {  	_ =	shalt  }
0x52: {  	_ =	shalt  }
0x53: {  	_ =	shalt  }
0x54: {  	_ =	shalt  }
0x55: {  	_ =	shalt  }
0x56: {  	_ =	shalt  }
0x57: {  	_ =	shalt  }
0x58: {  	_ =	shalt  }
0x59: {  	_ =	shalt  }
0x5a: {  	_ =	shalt  }
0x5b: {  	_ =	shalt  }
0x5c: {  	_ =	shalt  }
0x5d: {  	_ =	shalt  }
0x5e: {  	_ =	shalt  }
0x5f: {  	_ =	shalt  }
0x60: {  	_ =	shalt  }
0x61: {  	_ =	shalt  }
0x62: {  	_ =	shalt  }
0x63: {  	_ =	shalt  }
0x64: {  	_ =	shalt  }
0x65: {  	_ =	shalt  }
0x66: {  	_ =	shalt  }
0x67: {  	_ =	shalt  }
0x68: {  	_ =	shalt  }
0x69: {  	_ =	shalt  }
0x6a: {  	_ =	shalt  }
0x6b: {  	_ =	shalt  }
0x6c: {  	_ =	shalt  }
0x6d: {  	_ =	shalt  }
0x6e: {  	_ =	shalt  }
0x6f: {  	_ =	shalt  }
0x70: {  	_ =	shalt  }
0x71: {  	_ =	shalt  }
0x72: {  	_ =	shalt  }
0x73: {  	_ =	shalt  }
0x74: {  	_ =	shalt  }
0x75: {  	_ =	shalt  }
0x76: {  	_ =	shalt  }
0x77: {  	_ =	shalt  }
0x78: {  	_ =	shalt  }
0x79: {  	_ =	shalt  }
0x7a: {  	_ =	shalt  }
0x7b: {  	_ =	shalt  }
0x7c: {  	_ =	shalt  }
0x7d: {  	_ =	shalt  }
0x7e: {  	_ =	shalt  }
0x7f: {  	_ =	shalt  }
0x80: {  	_ =	shalt  }
0x81: {  	_ =	shalt  }
0x82: {  	_ =	shalt  }
0x83: {  	_ =	shalt  }
0x84: {  	_ =	shalt  }
0x85: {  	_ =	shalt  }
0x86: {  	_ =	shalt  }
0x87: {  	_ =	shalt  }
.Lfunc_end0:
.L_simem_size_0:
called_computation_lowered:
.L_overlay_start_0:
0x88: {  	s2 =	sld [smem:$0x3FD9]  }
0x89: {  	s3 =	sld [smem:$0x3FFE];
	_ =	sdelay $0x1  }
0x8a: {  	s1 =	srdreg.scid  }
0x8b: {  	s0 =	sand.u32 $0x1, s1  }
0x8c: {  	s16 =	sshll.u32 s0, $0xA;
	s2 =	sadd.s32 s3, s2  }
0x8d: {  	s2 =	sadd.s32 s2, s16  }
0x8e: {  	[smem:$0x3FBE] =	sst s2  }
0x8f: {  	_ = 	snop  }
0x90: {  	(tm) =	ssettm $0x1  }
0x91: {  	s17 =	sld [smem:$0x3FFB];
	_ =	sdelay $0x3  }
0x92: {  	_ =	strace s17  }
0x93: {  	s2 =	sld [smem:$0x3FFC];
	_ =	sdelay $0x3  }
0x94: {  	_ =	strace s2  }
0x95: {  	s2 =	sld [smem:$0x3FFD];
	_ =	sdelay $0x3  }
0x96: {  	_ =	strace s2  }
0x97: {  	_ =	strace $0x8FFFFFFF  }
0x98: {  	s18 =	sld [smem:$0x3FDB];
	_ =	sdelay $0x1  }
0x99: {  	s19 =	simm.s32 $_scs_section_size  }
0x9a: {  	s4 =	simm.s32 $_size__tile_overlayer_lowered;
	s5 =	simm.s32 $_tile_overlayer_lowered  }
0x9b: {  	s22 =	simm.s32 $0x1BFF;
	s21 =	sshll.u32 s5, $0x1;
	s2 =	sadd.s32 s19, s18  }
0x9c: {  	s6 =	simm.s32 $0x0;
	s20 =	sshll.u32 s4, $0x1;
	s4 =	sadd.s32 s21, s2  }
0x9d: {  	[timem:s6], [sflag:s22] =	dma.local [hbm:s4], s20  }
0x9e: {  	_ =	swait.ge [sflag:s22], s20  }
0x9f: {  	s3 =	ssub.s32 $0x0, s20;
	[sflag:s22] =	ssyncset.done $0x0  }
0xa0: {  	[sflag:s22] =	ssyncadd.s32 s3;
	_ =	sdelay $0x1  }
0xa1: {  	s23 =	simm.s32 $0x1B8B  }
0xa2: {  	_ =	swait.ge [sflag:s23], $0x1  }
0xa3: {  	[sflag:s23] =	ssyncset.done $0x0  }
0xa4: {  	s25 =	simm.s32 $0x1B8E;
	s24 =	sld [smem:$0x3FFE];
	[sflag:s23] =	ssyncadd.s32 $0xFFFFFFFF  }
0xa5: {  	s26 =	simm.s32 $execute0_lowered;
	[smem:$0x3FD2] =	sst s25  }
0xa6: {  	s4 =	sshll.u32 s26, $0x1;
	_ =	strace $0x80000046;
	[dreg:$0x1] =	wrdreg $0xFFFFFFFF  }
0xa7: {  	s28 =	simm.s32 $_size_execute0_lowered;
	s2 =	sadd.s32 s2, s4;
	[dreg:$0x0] =	wrdreg $0x0  }
0xa8: {  	s4 =	sshll.u32 s28, $0x1;
	[dreg:$0x2] =	wrdreg s2  }
0xa9: {  	[dreg:$0x3] =	wrdreg s4  }
0xaa: {  	[dreg:$0x4] =	wrdreg $0xC0  }
0xab: {  	_ =	task [dreg:s6], $0x5FFFF  }
0xac: {  	[dreg:$0x1] =	wrdreg $0xFFFFFFFF  }
0xad: {  	[dreg:$0x0] =	wrdreg $0x60  }
0xae: {  	[dreg:$0x2] =	wrdreg s24  }
0xaf: {  	[dreg:$0x3] =	wrdreg $0x9  }
0xb0: {  	_ =	task.clear_ibuf [dreg:s6], $0x4FFFF;
	_ =	strace $0x90000046  }
0xb1: {  	s29 =	simm.s32 $0x9;
	_ =	strace $0x80000048  }
0xb2: {  	_ =	swait.ge [sflag:s29], $0x1  }
0xb3: {  	[sflag:s29] =	ssyncadd.s32 $0xFFFFFFFF  }
0xb4: {  	_ =	strace $0x90000048  }
0xb5: {  	_ =	sfence  }
0xb6: {  	s30 =	sld [smem:$0x0];
	_ =	sdelay $0x2  }
0xb7: {  	s31 =	sshll.u32 s1, $0xD;
	s1 =	sshrl.u32 s1, $0x2  }
0xb8: {  	s3 =	sand.u32 $0x4000, s31;
	s1 =	sadd.s32 s1, s30  }
0xb9: {  	s0 =	sor.u32 s3, s0;
	s1 =	sshll.u32 s1, $0x11  }
0xba: {  	s0 =	sor.u32 s1, s0  }
0xbb: {  	s0 =	sadd.s32 $0x8F2B, s0  }
0xbc: {  	[sflag:s0] =	ssyncadd.remote.s32 $0x1  }
0xbd: {  	_ =	sfence.sel $0xFFFF  }
0xbe: {  	[dreg:$0x0] =	wrdreg $0xFFFFFFFF;
	(pc) =	sbr.abs _section_cstart, $3  }
0xbf: {  	[dreg:$0x1] =	wrdreg $0xFFFFFFFF  }
0xc0: {  	_ =	task.clear_ibuf [dreg:s6], $0x2FFFF;
	_ =	strace $0x9FFFFFFF  }
0xc1: {  	(tm) =	ssettm $0x7FFFFFFF  }
tec
execute0_lowered:
.L_overlay_start_1:
0x0: {  	(tag) =	ssettag $0x1  }
0x1: {  	s0 =	srdreg.scid;
	s5 =	rddreg [dreg:$0x0];
	s2 =	simm.s32 $0x0  }
0x2: {  	s8 =	simm.s32 $0x1;
	s9 =	simm.s32 $0x2800;
	s3 =	sand.u32 $0x1, s0  }
0x3: {  	s10 =	simm.s32 $0x80;
	s0 =	stileid.u32;
	s1 =	sshll.u32 s3, $0x4  }
0x4: {  	s11 =	simm.s32 $0x400;
	s12 =	simm.s32 $0x5000;
	s4 =	sor.u32 s0, s1  }
0x5: {  	s13 =	simm.s32 $0x7780;
	[smem:$0x7FF] =	sst s2;
	s1 =	sshrl.u32 s4, $0x3  }
0x6: {  	s7 =	sshll.u32 s0, $0x7;
	s3 =	ssub.s32 $0x2, s3;
	s6 =	smul.u32 $0x13C00, s1  }
0x7: {  	s7 =	sand.u32 $0x380, s7;
	s30 =	sshrl.u32 s3, $0x1;
	s4 =	smul.u32 $0x500, s4  }
0x8: {  	s31 =	ssub.s32 s3, s30;
	s1 =	rddreg [dreg:$0x1];
	s6 =	sor.u32 s7, s6  }
0x9: {  	_ =	strace $0x80000047;
	s4 =	sadd.s32 s4, s5;
	s6 =	sshrl.u32 s6, $0x3  }
0xa: {  	s3 =	sadd.s32 $0x5000, s4;
	s4 =	sadd.s32 $0xF000, s4;
	s6 =	sadd.s32 s6, s5  }
0xb: {  	v0 =	vimm.f32 $0.0e+00;
	v1 =	vlaneseq.u32;
	s7 =	smax.u32 s31, $0x1;
	s5 =	sadd.s32 $0x19000, s6;
	s6 =	sadd.s32 $0x22E00, s6  }
.LBB2_1:
0xc: {  	s14 =	simm.s32 $0x40;
	s15 =	simm.s32 $0x0  }
.LBB2_2:
0xd: {  	p0 =	sne.s32 s14, $0x9DC0;
	[tilespmem:s15+$0x5000] =	vst v0;
	s16 =	smov.u32 s14;
	s14 =	sadd.s32 $0x40, s14  }
.Ltmp0:
0xe: {  	[tilespmem:s15+$0x7780] =	vst v0;
	(pc) =	sbr.rel @p0 .LBB2_2-.Ltmp0, $2  }
0xf: {  	_ =	sdelay $0x2  }
0x10: {  	s15 =	sshra.s32 s16, $0x2  }
0x11: {  	[tilespmem:s15+$0x5000] =	vst v0  }
0x12: {  	[tilespmem:s15+$0x7780] =	vst v0;
	s14 =	simm.s32 $0x0  }
0x13: {  	[tilespmem:s14], [sflag:$0x1] =	stream.linear.gather [hbm4b:s3+s14], $0x2780, $0x38;
	[tilespmem:$0x9F00] =	vst v63  }
0x14: {  	_ =	swait.ge [sflag:s8], $0x2780  }
0x15: {  	[sflag:s8] =	ssyncset.done $0x0  }
0x16: {  	[sflag:s8] =	ssyncadd.s32 $0xFFFFD880  }
0x17: {  	[tilespmem:s9], [sflag:$0x1] =	stream.linear.gather [hbm4b:s4+s14], $0x2780, $0x38;
	[tilespmem:$0x9F00] =	vst v63  }
0x18: {  	_ =	swait.ge [sflag:s8], $0x2780  }
0x19: {  	[sflag:s8] =	ssyncset.done $0x0  }
0x1a: {  	[sflag:s8] =	ssyncadd.s32 $0xFFFFD880  }
.LBB2_4:
0x1b: {  	s15 =	sshra.s32 s14, $0x2  }
0x1c: {  	v3 =	vld [tilespmem:s15+$0x0]  }
0x1d: {  	v2 =	vld [tilespmem:s15+$0x2800];
	_ =	sdelay $0x3  }
0x1e: {  	(v2sf) =	vpush v3, $0x0  }
0x1f: {  	(v2sf) =	vpush v2, $0x0;
	_ =	sdelay $0x1  }
0x20: {  	(v2sf) =	vpush v3, $0x1  }
0x21: {  	(v2sf) =	vpush v2, $0x1  }
0x22: {  	(v2sf) =	vpush v3, $0x2;
	_ =	sdelay $0x1  }
0x23: {  	(v2sf) =	vpush v2, $0x2  }
0x24: {  	(v2sf) =	vpush v3, $0x3;
	_ =	sdelay $0x1  }
0x25: {  	(v2sf) =	vpush v2, $0x3  }
0x26: {  	(v2sf) =	vpush v3, $0x4;
	_ =	sdelay $0x1  }
0x27: {  	(v2sf) =	vpush v2, $0x4  }
0x28: {  	(v2sf) =	vpush v3, $0x5  }
0x29: {  	s23 =	spop (v2sf)  }
0x2a: {  	(v2sf) =	vpush v2, $0x5;
	s16 =	sand.u32 $0xF, s23;
	s24 =	spop (v2sf)  }
0x2b: {  	(v2sf) =	vpush v3, $0x6;
	v4 =	vmov s16;
	s17 =	sand.u32 $0xF, s24  }
0x2c: {  	s18 =	spop (v2sf);
	(v2sf) =	vpush v2, $0x6;
	vm0 =	veq.s32 v4, v1;
	v5 =	vmov s17  }
0x2d: {  	s25 =	sand.u32 $0xF, s18;
	s26 =	spop (v2sf);
	(v2sf) =	vpush v3, $0x7;
	v4 =	vsel vm0, $0x3F800000, v0;
	vm9 =	veq.s32 v5, v1  }
0x2e: {  	v48 =	vmov s25;
	s19 =	sand.u32 $0xF, s26;
	s20 =	spop (v2sf);
	(v2sf) =	vpush v2, $0x7;
	v6 =	vsel vm9, $0x3F800000, v0  }
0x2f: {  	vm10 =	veq.s32 v48, v1;
	v7 =	vmov s19;
	s28 =	sand.u32 $0xF, s20;
	(v2sf) =	vpush v3, $0x8  }
0x30: {  	s19 =	spop (v2sf);
	v5 =	vsel vm10, $0x3F800000, v0;
	vm11 =	veq.s32 v7, v1;
	v49 =	vmov s28  }
0x31: {  	s21 =	sand.u32 $0xF, s19;
	s22 =	spop (v2sf);
	(v2sf) =	vpush v2, $0x8;
	v8 =	vsel vm11, $0x3F800000, v0;
	vm12 =	veq.s32 v49, v1  }
0x32: {  	v9 =	vmov s21;
	s29 =	sand.u32 $0xF, s22;
	(v2sf) =	vpush v3, $0x9;
	v7 =	vsel vm12, $0x3F800000, v0  }
0x33: {  	s15 =	sand.u32 $0xFFFFFFF0, s23;
	s21 =	spop (v2sf);
	vm13 =	veq.s32 v9, v1;
	v50 =	vmov s29;
	(v2sf) =	vpush v2, $0x9  }
0x34: {  	s30 =	sand.u32 $0xFFFFFFF0, s24;
	[tilespmem:s15+$0x5000] =	vst.add.f32.msk $0xffff, v4;
	s31 =	sand.u32 $0xF, s21;
	s23 =	spop (v2sf);
	v51 =	vsel vm13, $0x3F800000, v0;
	vm14 =	veq.s32 v50, v1;
	(v2sf) =	vpush v3, $0xA  }
0x35: {  	s18 =	sand.u32 $0xFFFFFFF0, s18;
	[tilespmem:s30+$0x7780] =	vst.add.f32.msk $0xffff, v6;
	v53 =	vmov s31;
	s24 =	sand.u32 $0xF, s23;
	v52 =	vsel vm14, $0x3F800000, v0;
	(v2sf) =	vpush v2, $0xA  }
0x36: {  	s25 =	sand.u32 $0xFFFFFFF0, s26;
	[tilespmem:s18+$0x5000] =	vst.add.f32.msk $0xffff, v5;
	s26 =	spop (v2sf);
	vm15 =	veq.s32 v53, v1;
	v54 =	vmov s24;
	(v2sf) =	vpush v3, $0xB  }
0x37: {  	s28 =	sand.u32 $0xFFFFFFF0, s20;
	[tilespmem:s25+$0x7780] =	vst.add.f32.msk $0xffff, v8;
	s29 =	sand.u32 $0xF, s26;
	s30 =	spop (v2sf);
	v55 =	vsel vm15, $0x3F800000, v0;
	vm4 =	veq.s32 v54, v1;
	(v2sf) =	vpush v2, $0xB  }
0x38: {  	[tilespmem:s28+$0x5000] =	vst.add.f32.msk $0xffff, v7;
	s31 =	sand.u32 $0xFFFFFFF0, s19;
	v56 =	vmov s29;
	s19 =	sand.u32 $0xF, s30;
	v5 =	vsel vm4, $0x3F800000, v0;
	(v2sf) =	vpush v3, $0xC  }
0x39: {  	s20 =	sand.u32 $0xFFFFFFF0, s22;
	[tilespmem:s31+$0x7780] =	vst.add.f32.msk $0xffff, v51;
	s17 =	spop (v2sf);
	vm5 =	veq.s32 v56, v1;
	v57 =	vmov s19;
	(v2sf) =	vpush v2, $0xC  }
0x3a: {  	s21 =	sand.u32 $0xFFFFFFF0, s21;
	[tilespmem:s20+$0x5000] =	vst.add.f32.msk $0xffff, v52;
	s22 =	sand.u32 $0xF, s17;
	s20 =	spop (v2sf);
	v58 =	vsel vm5, $0x3F800000, v0;
	vm6 =	veq.s32 v57, v1;
	(v2sf) =	vpush v3, $0xD  }
0x3b: {  	s24 =	sand.u32 $0xFFFFFFF0, s23;
	[tilespmem:s21+$0x7780] =	vst.add.f32.msk $0xffff, v55;
	v59 =	vmov s22;
	s25 =	sand.u32 $0xF, s20;
	v4 =	vsel vm6, $0x3F800000, v0;
	(v2sf) =	vpush v2, $0xD  }
0x3c: {  	p0 =	sne.s32 s14, $0x9DC0;
	s26 =	sand.u32 $0xFFFFFFF0, s26;
	[tilespmem:s24+$0x5000] =	vst.add.f32.msk $0xffff, v5;
	vm7 =	veq.s32 v59, v1;
	v60 =	vmov s25;
	s28 =	spop (v2sf);
	(v2sf) =	vpush v3, $0xE  }
0x3d: {  	s29 =	sand.u32 $0xFFFFFFF0, s30;
	[tilespmem:s26+$0x7780] =	vst.add.f32.msk $0xffff, v58;
	v61 =	vsel vm7, $0x3F800000, v0;
	vm8 =	veq.s32 v60, v1;
	s30 =	sand.u32 $0xF, s28;
	s31 =	spop (v2sf);
	(v2sf) =	vpush v2, $0xE  }
0x3e: {  	s17 =	sand.u32 $0xFFFFFFF0, s17;
	[tilespmem:s29+$0x5000] =	vst.add.f32.msk $0xffff, v4;
	v62 =	vsel vm8, $0x3F800000, v0;
	s21 =	spop (v2sf);
	(v2sf) =	vpush v3, $0xF;
	v3 =	vmov s30;
	s22 =	sand.u32 $0xF, s31  }
0x3f: {  	s23 =	sand.u32 $0xFFFFFFF0, s20;
	[tilespmem:s17+$0x7780] =	vst.add.f32.msk $0xffff, v61;
	vm9 =	veq.s32 v3, v1;
	s24 =	spop (v2sf);
	(v2sf) =	vpush v2, $0xF;
	v2 =	vmov s22;
	s25 =	sand.u32 $0xF, s21  }
0x40: {  	[tilespmem:s23+$0x5000] =	vst.add.f32.msk $0xffff, v62;
	s16 =	sand.u32 $0xFFFFFFF0, s28;
	s26 =	spop (v2sf);
	v3 =	vsel vm9, $0x3F800000, v0;
	vm10 =	veq.s32 v2, v1;
	v2 =	vmov s25;
	s28 =	sand.u32 $0xF, s24  }
0x41: {  	s19 =	sand.u32 $0xFFFFFFF0, s31;
	[tilespmem:s16+$0x7780] =	vst.add.f32.msk $0xffff, v3;
	s29 =	spop (v2sf);
	v3 =	vsel vm10, $0x3F800000, v0;
	vm11 =	veq.s32 v2, v1;
	v2 =	vmov s28;
	s30 =	sand.u32 $0xF, s26  }
0x42: {  	s17 =	sand.u32 $0xFFFFFFF0, s21;
	[tilespmem:s19+$0x5000] =	vst.add.f32.msk $0xffff, v3;
	s31 =	spop (v2sf);
	v3 =	vsel vm11, $0x3F800000, v0;
	vm12 =	veq.s32 v2, v1;
	v2 =	vmov s30;
	s21 =	sand.u32 $0xF, s29  }
0x43: {  	s20 =	sand.u32 $0xFFFFFFF0, s24;
	[tilespmem:s17+$0x7780] =	vst.add.f32.msk $0xffff, v3;
	s22 =	spop (v2sf);
	v3 =	vsel vm12, $0x3F800000, v0;
	vm13 =	veq.s32 v2, v1;
	v2 =	vmov s21;
	s23 =	sand.u32 $0xF, s31  }
0x44: {  	s15 =	sand.u32 $0xFFFFFFF0, s26;
	[tilespmem:s20+$0x5000] =	vst.add.f32.msk $0xffff, v3;
	s24 =	spop (v2sf);
	v3 =	vsel vm13, $0x3F800000, v0;
	vm14 =	veq.s32 v2, v1;
	v2 =	vmov s23;
	s25 =	sand.u32 $0xF, s22  }
0x45: {  	s16 =	sand.u32 $0xFFFFFFF0, s29;
	[tilespmem:s15+$0x7780] =	vst.add.f32.msk $0xffff, v3;
	s26 =	spop (v2sf);
	v3 =	vsel vm14, $0x3F800000, v0;
	vm15 =	veq.s32 v2, v1;
	v2 =	vmov s25;
	s28 =	sand.u32 $0xF, s24  }
0x46: {  	s19 =	sand.u32 $0xFFFFFFF0, s31;
	[tilespmem:s16+$0x5000] =	vst.add.f32.msk $0xffff, v3;
	s29 =	spop (v2sf);
	v3 =	vsel vm15, $0x3F800000, v0;
	vm4 =	veq.s32 v2, v1;
	v2 =	vmov s28;
	s30 =	sand.u32 $0xF, s26  }
0x47: {  	s17 =	sand.u32 $0xFFFFFFF0, s22;
	[tilespmem:s19+$0x7780] =	vst.add.f32.msk $0xffff, v3;
	s31 =	spop (v2sf);
	v3 =	vsel vm4, $0x3F800000, v0;
	vm5 =	veq.s32 v2, v1;
	v2 =	vmov s30;
	s21 =	sand.u32 $0xF, s29  }
0x48: {  	s20 =	sand.u32 $0xFFFFFFF0, s24;
	[tilespmem:s17+$0x5000] =	vst.add.f32.msk $0xffff, v3;
	s22 =	spop (v2sf);
	v3 =	vsel vm5, $0x3F800000, v0;
	vm6 =	veq.s32 v2, v1;
	v2 =	vmov s21;
	s23 =	sand.u32 $0xF, s31  }
0x49: {  	s15 =	sand.u32 $0xFFFFFFF0, s26;
	[tilespmem:s20+$0x7780] =	vst.add.f32.msk $0xffff, v3;
	s24 =	spop (v2sf);
	v3 =	vsel vm6, $0x3F800000, v0;
	vm7 =	veq.s32 v2, v1;
	v2 =	vmov s23;
	s25 =	sand.u32 $0xF, s22  }
0x4a: {  	s16 =	sand.u32 $0xFFFFFFF0, s29;
	[tilespmem:s15+$0x5000] =	vst.add.f32.msk $0xffff, v3;
	s26 =	spop (v2sf);
	v3 =	vsel vm7, $0x3F800000, v0;
	vm8 =	veq.s32 v2, v1;
	v2 =	vmov s25;
	s28 =	sand.u32 $0xF, s24  }
0x4b: {  	s19 =	sand.u32 $0xFFFFFFF0, s31;
	[tilespmem:s16+$0x7780] =	vst.add.f32.msk $0xffff, v3;
	s29 =	spop (v2sf);
	v3 =	vsel vm8, $0x3F800000, v0;
	vm9 =	veq.s32 v2, v1;
	v2 =	vmov s28;
	s30 =	sand.u32 $0xF, s26  }
0x4c: {  	s17 =	sand.u32 $0xFFFFFFF0, s22;
	[tilespmem:s19+$0x5000] =	vst.add.f32.msk $0xffff, v3;
	s31 =	spop (v2sf);
	v3 =	vsel vm9, $0x3F800000, v0;
	vm10 =	veq.s32 v2, v1;
	v2 =	vmov s30;
	s21 =	sand.u32 $0xF, s29  }
0x4d: {  	s20 =	sand.u32 $0xFFFFFFF0, s24;
	[tilespmem:s17+$0x7780] =	vst.add.f32.msk $0xffff, v3;
	s22 =	spop (v2sf);
	v3 =	vsel vm10, $0x3F800000, v0;
	vm11 =	veq.s32 v2, v1;
	v2 =	vmov s21;
	s23 =	sand.u32 $0xF, s31  }
0x4e: {  	s15 =	sand.u32 $0xFFFFFFF0, s26;
	[tilespmem:s20+$0x5000] =	vst.add.f32.msk $0xffff, v3;
	v3 =	vsel vm11, $0x3F800000, v0;
	vm12 =	veq.s32 v2, v1;
	v2 =	vmov s23;
	s24 =	sand.u32 $0xF, s22;
	s25 =	spop (v2sf)  }
.Ltmp1:
0x4f: {  	s26 =	sand.u32 $0xFFFFFFF0, s29;
	[tilespmem:s15+$0x7780] =	vst.add.f32.msk $0xffff, v3;
	v3 =	vsel vm12, $0x3F800000, v0;
	vm13 =	veq.s32 v2, v1;
	v2 =	vmov s24;
	s28 =	sand.u32 $0xF, s25;
	(pc) =	sbr.rel @p0 .LBB2_4-.Ltmp1, $4  }
0x50: {  	s29 =	sand.u32 $0xFFFFFFF0, s31;
	[tilespmem:s26+$0x5000] =	vst.add.f32.msk $0xffff, v3;
	v3 =	vmov s28;
	v63 =	vsel vm13, $0x3F800000, v0;
	vm14 =	veq.s32 v2, v1  }
0x51: {  	s30 =	sand.u32 $0xFFFFFFF0, s22;
	[tilespmem:s29+$0x7780] =	vst.add.f32.msk $0xffff, v63;
	v2 =	vsel vm14, $0x3F800000, v0;
	vm15 =	veq.s32 v3, v1  }
0x52: {  	s31 =	sand.u32 $0xFFFFFFF0, s25;
	[tilespmem:s30+$0x5000] =	vst.add.f32.msk $0xffff, v2;
	v2 =	vsel vm15, $0x3F800000, v0  }
0x53: {  	s14 =	sadd.s32 $0x40, s14;
	[tilespmem:s31+$0x7780] =	vst.add.f32.msk $0xffff, v2  }
0x54: {  	[hbm4b:s5+s10] =	stream.strided.scatter [tilespmem:s12], [sflag:$0x1], $0x2780, s11, s10, $0x38;
	[tilespmem:$0x9F00] =	vst v63  }
0x55: {  	s2 =	sadd.s32 $0x1, s2;
	_ =	swait.ge [sflag:s8], $0x2780  }
0x56: {  	p0 =	sne.s32 s2, s7;
	[sflag:s8] =	ssyncset.done $0x0  }
.Ltmp2:
0x57: {  	[sflag:s8] =	ssyncadd.s32 $0xFFFFD880;
	(pc) =	sbr.rel @p0 .LBB2_1-.Ltmp2, $4  }
0x58: {  	[hbm4b:s6+s10] =	stream.strided.scatter [tilespmem:s13], [sflag:$0x1], $0x2780, s11, s10, $0x38;
	[tilespmem:$0x9F00] =	vst v63  }
0x59: {  	_ =	swait.ge [sflag:s8], $0x2780  }
0x5a: {  	[sflag:s8] =	ssyncset.done $0x0  }
0x5b: {  	[sflag:s8] =	ssyncadd.s32 $0xFFFFD880  }
0x5c: {  	_ =	sfence.sel $0x180000  }
0x5d: {  	[bflag:$0x0] =	sbarrier.arrive $0xFFFF  }
0x5e: {  	p0 =	sne.s32 s0, $0x0;
	_ =	strace $0x90000047  }
0x5f: {  	s0 =	sadd.s32 @!p0 $0x100000, s1;
	[bflag:$0x2] =	sbarrier.arrive $0xFFFF  }
0x60: {  	[sflag:s0] =	ssyncadd.tile.s32 @!p0 $0x1;
	_ =	shalt  }
.Lfunc_end2:
_tile_overlayer_lowered:
.L_overlay_start_2:
0x61: {  	(tag) =	ssettag $0x2  }
0x62: {  	s0 =	rddreg [dreg:$0x0];
	s2 =	stileid.u32  }
0x63: {  	s1 =	rddreg [dreg:$0x1];
	p0 =	sne.s32 s2, $0x0  }
0x64: {  	s3 =	rddreg [dreg:$0x2];
	[bflag:$0x3] =	sbarrier.arrive $0xFFFF;
	s2 =	simm.s32 @!p0 $0x1C01  }
0x65: {  	[timem:s3], [sflag:s2] =	dma.local @!p0 [hbm:s0], s1  }
0x66: {  	s0 =	simm.s32 @!p0 $0x1  }
0x67: {  	_ =	swait.ge @!p0 [sflag:s0], s1  }
0x68: {  	s1 =	ssub.s32 @!p0 $0x0, s1;
	[sflag:s0] =	ssyncset.done @!p0 $0x0  }
0x69: {  	[sflag:s0] =	ssyncadd.s32 @!p0 s1  }
0x6a: {  	[bflag:$0x3] =	sbarrier.arrive $0xFFFF  }
0x6b: {  	_ =	shalt  }

</sc_bundles>
